<compile_context>
chip_gen: v7x
topology: tpu7x:2x2x1
jax: 0.10.2.dev20260603
libtpu: 0.0.44.dev20260713+nightly
codegen_flags: <defaults>
</compile_context>

<pallas_src>
import jax
import jax.numpy as jnp
from jax import lax
from jax.experimental import pallas as pl
from jax.experimental.pallas import tpu as pltpu
from jax.experimental.pallas import tpu_sc as plsc

N = 10000
E = 320000
D_FEAT = 128
D_EDGE = 16
DIM1 = 64
DIM2 = 64
GROUPS = 10
NUM_GRAPHS = 64
GC_COUNT = 3
LAMDA = 0.01
BN_EPS = 1e-5
PRIOR_SIGMA = 0.6931471805599453
LOG_PRIOR = -0.36651292058166435
INV_PR2 = 1.0 / (PRIOR_SIGMA * PRIOR_SIGMA)

HI = lax.Precision.HIGHEST

NW = 32
EPW = E // NW
C = 80
NCHUNK = EPW // C
WIDTH = 128
ZR = 200
NZCHUNK = N // ZR

BN = 1000
BE = 2000


def _dot(a, b, dims):
    return lax.dot_general(a, b, (dims, ((), ())), precision=HI,
                           preferred_element_type=jnp.float32)



def _prep_nodes_k(x_ref, pw_ref, pb_ref, wd_ref, ws_ref, h_ref, nd_ref, ns_ref):
    h = jnp.maximum(_dot(x_ref[...], pw_ref[...], ((1,), (1,))) + pb_ref[...], 0.0)
    h_ref[...] = h
    nd_ref[...] = _dot(h, wd_ref[...], ((1,), (1,)))
    ns_ref[...] = _dot(h, ws_ref[...], ((1,), (1,)))


def _prep_nodes(x, pw, pb, wd, ws):
    return pl.pallas_call(
        _prep_nodes_k,
        grid=(N // BN,),
        in_specs=[
            pl.BlockSpec((BN, D_FEAT), lambda i: (i, 0)),
            pl.BlockSpec((DIM1, D_FEAT), lambda i: (0, 0)),
            pl.BlockSpec((1, DIM1), lambda i: (0, 0)),
            pl.BlockSpec((2 * DIM1, DIM1), lambda i: (0, 0)),
            pl.BlockSpec((2 * DIM1, DIM1), lambda i: (0, 0)),
        ],
        out_specs=[
            pl.BlockSpec((BN, DIM1), lambda i: (i, 0)),
            pl.BlockSpec((BN, 2 * DIM1), lambda i: (i, 0)),
            pl.BlockSpec((BN, 2 * DIM1), lambda i: (i, 0)),
        ],
        out_shape=[
            jax.ShapeDtypeStruct((N, DIM1), jnp.float32),
            jax.ShapeDtypeStruct((N, 2 * DIM1), jnp.float32),
            jax.ShapeDtypeStruct((N, 2 * DIM1), jnp.float32),
        ],
    )(x, pw, pb, wd, ws)



def _edge_proj_k(ea_ref, w_ref, b_ref, r_ref):
    r_ref[...] = _dot(ea_ref[...], w_ref[...], ((1,), (1,))) + b_ref[...]


def _edge_proj(edge_attr, w, b):
    return pl.pallas_call(
        _edge_proj_k,
        grid=(E // BE,),
        in_specs=[
            pl.BlockSpec((BE, D_EDGE), lambda i: (i, 0)),
            pl.BlockSpec((2 * DIM1, D_EDGE), lambda i: (0, 0)),
            pl.BlockSpec((1, 2 * DIM1), lambda i: (0, 0)),
        ],
        out_specs=pl.BlockSpec((BE, 2 * DIM1), lambda i: (i, 0)),
        out_shape=jax.ShapeDtypeStruct((E, 2 * DIM1), jnp.float32),
    )(edge_attr, w, b)



def _gather_sc_body(nd_hbm, ns_hbm, di_hbm, si_hbm, zd_hbm, zs_hbm,
                    di_v, si_v, a_v, b_v, sem1, sem2):
    cid = lax.axis_index("c")
    sid = lax.axis_index("s")
    wid = cid * 16 + sid
    base0 = wid * EPW

    @pl.loop(0, NCHUNK)
    def _(ci):
        base = base0 + ci * C
        c1 = pltpu.async_copy(di_hbm.at[pl.ds(base, C)], di_v, sem1)
        c2 = pltpu.async_copy(si_hbm.at[pl.ds(base, C)], si_v, sem2)
        c1.wait()
        c2.wait()
        c3 = pltpu.async_copy(nd_hbm.at[di_v], a_v, sem1)
        c4 = pltpu.async_copy(ns_hbm.at[si_v], b_v, sem2)
        c3.wait()
        c4.wait()
        c5 = pltpu.async_copy(a_v, zd_hbm.at[pl.ds(base, C)], sem1)
        c6 = pltpu.async_copy(b_v, zs_hbm.at[pl.ds(base, C)], sem2)
        c5.wait()
        c6.wait()


def _gather_pass(nd, ns, dst, src):
    mesh = plsc.VectorSubcoreMesh(core_axis_name="c", subcore_axis_name="s")
    f = pl.kernel(
        _gather_sc_body,
        out_type=[
            jax.ShapeDtypeStruct((E, 2 * DIM1), jnp.float32),
            jax.ShapeDtypeStruct((E, 2 * DIM1), jnp.float32),
        ],
        mesh=mesh,
        scratch_types=[
            pltpu.VMEM((C,), jnp.int32),
            pltpu.VMEM((C,), jnp.int32),
            pltpu.VMEM((C, 2 * DIM1), jnp.float32),
            pltpu.VMEM((C, 2 * DIM1), jnp.float32),
            pltpu.SemaphoreType.DMA,
            pltpu.SemaphoreType.DMA,
        ],
    )
    return f(nd, ns, dst, src)



def _gate_k(zd_ref, zs_ref, r_ref, m_ref):
    zf = (zd_ref[:, 0:DIM1] + zs_ref[:, 0:DIM1] + r_ref[:, 0:DIM1])
    zs2 = (zd_ref[:, DIM1:2 * DIM1] + zs_ref[:, DIM1:2 * DIM1]
           + r_ref[:, DIM1:2 * DIM1])
    m = (1.0 / (1.0 + jnp.exp(-zf))) * jnp.logaddexp(zs2, 0.0)
    m_ref[...] = jnp.concatenate(
        [m, jnp.ones((BE, WIDTH - DIM1), jnp.float32)], axis=1)


def _gate(zd, zs, r):
    return pl.pallas_call(
        _gate_k,
        grid=(E // BE,),
        in_specs=[
            pl.BlockSpec((BE, 2 * DIM1), lambda i: (i, 0)),
            pl.BlockSpec((BE, 2 * DIM1), lambda i: (i, 0)),
            pl.BlockSpec((BE, 2 * DIM1), lambda i: (i, 0)),
        ],
        out_specs=pl.BlockSpec((BE, WIDTH), lambda i: (i, 0)),
        out_shape=jax.ShapeDtypeStruct((E, WIDTH), jnp.float32),
    )(zd, zs, r)


def _scatter_sc_body(mw_hbm, di_hbm, out_hbm, di_v, m_v, z_v, s_sh, sem1, sem2):
    cid = lax.axis_index("c")
    sid = lax.axis_index("s")
    wid = cid * 16 + sid

    zero16 = jnp.zeros((16,), jnp.float32)

    @pl.loop(0, ZR)
    def _(i):
        for k in range(WIDTH // 16):
            z_v[i, pl.ds(k * 16, 16)] = zero16

    @pl.loop(0, 4)
    def _(j):
        ch = sid + j * 16

        @pl.when(ch < NZCHUNK)
        def _():
            pltpu.sync_copy(z_v, s_sh.at[pl.ds(ch * ZR, ZR)])

    plsc.subcore_barrier()

    base0 = wid * EPW

    @pl.loop(0, NCHUNK)
    def _(ci):
        base = base0 + ci * C
        c1 = pltpu.async_copy(di_hbm.at[pl.ds(base, C)], di_v, sem1)
        c2 = pltpu.async_copy(mw_hbm.at[pl.ds(base, C)], m_v, sem2)
        c1.wait()
        c2.wait()
        pltpu.sync_copy(m_v, s_sh.at[di_v], add=True)

    plsc.subcore_barrier()

    @pl.loop(0, 4)
    def _(j):
        ch = sid + j * 16

        @pl.when(ch < NZCHUNK)
        def _():
            pltpu.sync_copy(s_sh.at[pl.ds(ch * ZR, ZR)],
                            out_hbm.at[cid, pl.ds(ch * ZR, ZR)])


def _scatter_pass(mw, dst):
    mesh = plsc.VectorSubcoreMesh(core_axis_name="c", subcore_axis_name="s")
    f = pl.kernel(
        _scatter_sc_body,
        out_type=jax.ShapeDtypeStruct((2, N, WIDTH), jnp.float32),
        mesh=mesh,
        scratch_types=[
            pltpu.VMEM((C,), jnp.int32),
            pltpu.VMEM((C, WIDTH), jnp.float32),
            pltpu.VMEM((ZR, WIDTH), jnp.float32),
            pltpu.VMEM_SHARED((N, WIDTH), jnp.float32),
            pltpu.SemaphoreType.DMA,
            pltpu.SemaphoreType.DMA,
        ],
    )
    return f(mw, dst)


def _edge_pass(nd, ns, r, dst, src):
    zd, zs = _gather_pass(nd, ns, dst, src)
    mw = _gate(zd, zs, r)
    return _scatter_pass(mw, dst)



def _moments_k(h_ref, s2_ref, gw_ref, gb_ref, h2_ref, sft_ref, mu_ref, ex2_ref):
    i = pl.program_id(0)
    s = s2_ref[0, :, 0:DIM1] + s2_ref[1, :, 0:DIM1]
    cnt = s2_ref[0, :, DIM1:DIM1 + 1] + s2_ref[1, :, DIM1:DIM1 + 1]
    h2 = h_ref[...] + s / jnp.maximum(cnt, 1.0)
    h2_ref[...] = h2
    logits = _dot(h2, gw_ref[...], ((1,), (1,))) + gb_ref[...]
    mx = jnp.max(logits, axis=1, keepdims=True)
    ex = jnp.exp(logits - mx)
    sft = ex / jnp.sum(ex, axis=1, keepdims=True)
    sft_ref[...] = sft
    mu_p = _dot(sft, h2, ((0,), (0,))) * (1.0 / N)
    ex2_p = _dot(sft * sft, h2 * h2, ((0,), (0,))) * (1.0 / N)

    @pl.when(i == 0)
    def _():
        mu_ref[...] = mu_p
        ex2_ref[...] = ex2_p

    @pl.when(i > 0)
    def _():
        mu_ref[...] += mu_p
        ex2_ref[...] += ex2_p


def _moments(h, s2, gw, gb):
    return pl.pallas_call(
        _moments_k,
        grid=(N // BN,),
        in_specs=[
            pl.BlockSpec((BN, DIM1), lambda i: (i, 0)),
            pl.BlockSpec((2, BN, WIDTH), lambda i: (0, i, 0)),
            pl.BlockSpec((GROUPS, DIM1), lambda i: (0, 0)),
            pl.BlockSpec((1, GROUPS), lambda i: (0, 0)),
        ],
        out_specs=[
            pl.BlockSpec((BN, DIM1), lambda i: (i, 0)),
            pl.BlockSpec((BN, GROUPS), lambda i: (i, 0)),
            pl.BlockSpec((GROUPS, DIM1), lambda i: (0, 0)),
            pl.BlockSpec((GROUPS, DIM1), lambda i: (0, 0)),
        ],
        out_shape=[
            jax.ShapeDtypeStruct((N, DIM1), jnp.float32),
            jax.ShapeDtypeStruct((N, GROUPS), jnp.float32),
            jax.ShapeDtypeStruct((GROUPS, DIM1), jnp.float32),
            jax.ShapeDtypeStruct((GROUPS, DIM1), jnp.float32),
        ],
    )(h, s2, gw, gb)


def _dgn_block(h, h2, sft, mu_ref, ex2_ref, gam_ref, bet_ref):
    var = ex2_ref[...] - mu_ref[...] * mu_ref[...]
    a = gam_ref[...] / jnp.sqrt(var + BN_EPS)
    c = jnp.sum(bet_ref[...] - mu_ref[...] * a, axis=0, keepdims=True)
    dgn = h2 + LAMDA * (h2 * _dot(sft, a, ((1,), (0,))) + c)
    return dgn + h



def _apply_k(h_ref, h2_ref, sft_ref, mu_ref, ex2_ref, gam_ref, bet_ref,
             wd_ref, ws_ref, hn_ref, nd_ref, ns_ref):
    hn = _dgn_block(h_ref[...], h2_ref[...], sft_ref[...], mu_ref, ex2_ref,
                    gam_ref, bet_ref)
    hn_ref[...] = hn
    nd_ref[...] = _dot(hn, wd_ref[...], ((1,), (1,)))
    ns_ref[...] = _dot(hn, ws_ref[...], ((1,), (1,)))


def _apply(h, h2, sft, mu, ex2, gam, bet, wd, ws):
    small = lambda shape: pl.BlockSpec(shape, lambda i: (0, 0))
    return pl.pallas_call(
        _apply_k,
        grid=(N // BN,),
        in_specs=[
            pl.BlockSpec((BN, DIM1), lambda i: (i, 0)),
            pl.BlockSpec((BN, DIM1), lambda i: (i, 0)),
            pl.BlockSpec((BN, GROUPS), lambda i: (i, 0)),
            small((GROUPS, DIM1)),
            small((GROUPS, DIM1)),
            small((GROUPS, DIM1)),
            small((GROUPS, DIM1)),
            small((2 * DIM1, DIM1)),
            small((2 * DIM1, DIM1)),
        ],
        out_specs=[
            pl.BlockSpec((BN, DIM1), lambda i: (i, 0)),
            pl.BlockSpec((BN, 2 * DIM1), lambda i: (i, 0)),
            pl.BlockSpec((BN, 2 * DIM1), lambda i: (i, 0)),
        ],
        out_shape=[
            jax.ShapeDtypeStruct((N, DIM1), jnp.float32),
            jax.ShapeDtypeStruct((N, 2 * DIM1), jnp.float32),
            jax.ShapeDtypeStruct((N, 2 * DIM1), jnp.float32),
        ],
    )(h, h2, sft, mu, ex2, gam, bet, wd, ws)



def _pool_k(h_ref, h2_ref, sft_ref, mu_ref, ex2_ref, gam_ref, bet_ref, bt_ref,
            gsum_ref, cnts_ref):
    i = pl.program_id(0)
    hn = _dgn_block(h_ref[...], h2_ref[...], sft_ref[...], mu_ref, ex2_ref,
                    gam_ref, bet_ref)
    cols = lax.broadcasted_iota(jnp.int32, (BN, NUM_GRAPHS), 1)
    oneh = (bt_ref[...] == cols).astype(jnp.float32)
    gs = _dot(oneh, hn, ((0,), (0,)))
    cn = _dot(oneh, jnp.ones((BN, 1), jnp.float32), ((0,), (0,)))

    @pl.when(i == 0)
    def _():
        gsum_ref[...] = gs
        cnts_ref[...] = cn

    @pl.when(i > 0)
    def _():
        gsum_ref[...] += gs
        cnts_ref[...] += cn


def _pool(h, h2, sft, mu, ex2, gam, bet, bt2d):
    small = lambda shape: pl.BlockSpec(shape, lambda i: (0, 0))
    return pl.pallas_call(
        _pool_k,
        grid=(N // BN,),
        in_specs=[
            pl.BlockSpec((BN, DIM1), lambda i: (i, 0)),
            pl.BlockSpec((BN, DIM1), lambda i: (i, 0)),
            pl.BlockSpec((BN, GROUPS), lambda i: (i, 0)),
            small((GROUPS, DIM1)),
            small((GROUPS, DIM1)),
            small((GROUPS, DIM1)),
            small((GROUPS, DIM1)),
            pl.BlockSpec((BN, 1), lambda i: (i, 0)),
        ],
        out_specs=[
            small((NUM_GRAPHS, DIM1)),
            small((NUM_GRAPHS, 1)),
        ],
        out_shape=[
            jax.ShapeDtypeStruct((NUM_GRAPHS, DIM1), jnp.float32),
            jax.ShapeDtypeStruct((NUM_GRAPHS, 1), jnp.float32),
        ],
    )(h, h2, sft, mu, ex2, gam, bet, bt2d)



def _head_k(gsum_ref, cnts_ref,
            pwm_ref, pwr_ref, pbm_ref, pbr_ref,
            owm_ref, owr_ref, obm_ref, obr_ref,
            ew1_ref, eb1_ref, ew2_ref, eb2_ref,
            o_ref, kl_ref):
    g = gsum_ref[...] / jnp.maximum(cnts_ref[...], 1.0)

    def sp(v):
        return jnp.logaddexp(v, 0.0)

    sw1 = sp(pwr_ref[...])
    sb1 = sp(pbr_ref[...])
    w1 = pwm_ref[...] + sw1 * ew1_ref[...]
    b1 = pbm_ref[...] + sb1 * eb1_ref[...]
    h1 = jnp.maximum(_dot(g, w1, ((1,), (1,))) + b1, 0.0)

    sw2 = sp(owr_ref[...])
    sb2 = sp(obr_ref[...])
    w2 = owm_ref[...] + sw2 * ew2_ref[...]
    b2 = obm_ref[...] + sb2 * eb2_ref[...]
    o_ref[...] = jnp.sum(h1 * w2, axis=1, keepdims=True) + b2

    def kld(mu, sig):
        return 0.5 * jnp.sum(2.0 * (LOG_PRIOR - jnp.log(sig))
                             + (sig * sig + mu * mu) * INV_PR2 - 1.0)

    kl = (kld(pwm_ref[...], sw1) + kld(pbm_ref[...], sb1)
          + kld(owm_ref[...], sw2) + kld(obm_ref[...], sb2))
    kl_ref[...] = jnp.reshape(kl, (1, 1))


def _head(gsum, cnts, pwm, pwr, pbm, pbr, owm, owr, obm, obr,
          ew1, eb1, ew2, eb2):
    return pl.pallas_call(
        _head_k,
        out_shape=[
            jax.ShapeDtypeStruct((NUM_GRAPHS, 1), jnp.float32),
            jax.ShapeDtypeStruct((1, 1), jnp.float32),
        ],
    )(gsum, cnts, pwm, pwr, pbm, pbr, owm, owr, obm, obr,
      ew1, eb1, ew2, eb2)



def kernel(x, edge_index, edge_attr, batch, params):
    src = edge_index[0]
    dst = edge_index[1]
    convs = params['convs']

    wd = [jnp.concatenate([c['Wf'][:, 0:DIM1], c['Ws'][:, 0:DIM1]], axis=0)
          for c in convs]
    wsr = [jnp.concatenate([c['Wf'][:, DIM1:2 * DIM1], c['Ws'][:, DIM1:2 * DIM1]],
                           axis=0) for c in convs]
    we = [jnp.concatenate([c['Wf'][:, 2 * DIM1:], c['Ws'][:, 2 * DIM1:]], axis=0)
          for c in convs]
    be = [jnp.concatenate([c['bf'], c['bs']]).reshape(1, -1) for c in convs]

    h, nd, ns = _prep_nodes(x, params['pre_W'], params['pre_b'].reshape(1, -1),
                            wd[0], wsr[0])
    rs = [_edge_proj(edge_attr, we[l], be[l]) for l in range(GC_COUNT)]

    kb1, kb2 = jax.random.split(jax.random.key(42))
    k11, k12 = jax.random.split(kb1)
    k21, k22 = jax.random.split(kb2)
    ew1 = jax.random.normal(k11, (DIM2, DIM1), dtype=jnp.float32)
    eb1 = jax.random.normal(k12, (DIM2,), dtype=jnp.float32).reshape(1, -1)
    ew2 = jax.random.normal(k21, (1, DIM2), dtype=jnp.float32)
    eb2 = jax.random.normal(k22, (1,), dtype=jnp.float32).reshape(1, 1)

    for l in range(GC_COUNT):
        c = convs[l]
        s2 = _edge_pass(nd, ns, rs[l], dst, src)
        gb = c['gn_b'].reshape(1, -1)
        h2, sft, mu, ex2 = _moments(h, s2, c['gn_W'], gb)
        if l < GC_COUNT - 1:
            h, nd, ns = _apply(h, h2, sft, mu, ex2, c['gamma'], c['beta'],
                               wd[l + 1], wsr[l + 1])
        else:
            gsum, cnts = _pool(h, h2, sft, mu, ex2, c['gamma'], c['beta'],
                               batch.reshape(-1, 1))
            o, kl = _head(gsum, cnts,
                          params['post_Wmu'], params['post_Wrho'],
                          params['post_bmu'].reshape(1, -1),
                          params['post_brho'].reshape(1, -1),
                          params['out_Wmu'], params['out_Wrho'],
                          params['out_bmu'].reshape(1, 1),
                          params['out_brho'].reshape(1, 1),
                          ew1, eb1, ew2, eb2)

    return o.reshape(-1), kl.reshape(())

# --- scband reference (transcript-rebuilt; emitter-appended) ---
"""Pipeline reference for scband-cgcnn-bbp-68272800137267 (READ-ONLY COPY).

The authoritative reference and input builder live on the scoring server;
editing this copy changes nothing except your own understanding.
"""

import jax, jax.numpy as jnp
import numpy as np

N = 10000
E = 320000
D_FEAT = 128
D_EDGE = 16
DIM1 = 64
DIM2 = 64
GROUPS = 10
NUM_GRAPHS = 64
OUT_DIM = 1
GC_COUNT = 3
LAMDA = 0.01
BN_EPS = 1e-5
PRIOR_SIGMA = float(np.log1p(np.exp(0.0)))


def _softplus(v):
    return jnp.logaddexp(v, 0.0)


def setup_inputs(seed: int = 0):
    key = jax.random.key(seed)
    ks = jax.random.split(key, 40)
    x = jax.random.normal(ks[0], (N, D_FEAT), dtype=jnp.float32)
    edge_index = jax.random.randint(ks[1], (2, E), 0, N, dtype=jnp.int32)
    edge_attr = jax.random.uniform(ks[2], (E, D_EDGE), dtype=jnp.float32)
    batch = jnp.sort(jax.random.randint(ks[3], (N,), 0, NUM_GRAPHS, dtype=jnp.int32))

    def rn(k, shape, scale=0.1):
        return scale * jax.random.normal(k, shape, dtype=jnp.float32)

    params = {}
    params['pre_W'] = rn(ks[4], (DIM1, D_FEAT))
    params['pre_b'] = jnp.zeros((DIM1,), jnp.float32)
    convs = []
    for l in range(GC_COUNT):
        b = 5 + 4 * l
        convs.append({
            'Wf': rn(ks[b], (DIM1, 2 * DIM1 + D_EDGE)),
            'bf': jnp.zeros((DIM1,), jnp.float32),
            'Ws': rn(ks[b + 1], (DIM1, 2 * DIM1 + D_EDGE)),
            'bs': jnp.zeros((DIM1,), jnp.float32),
            'gn_W': rn(ks[b + 2], (GROUPS, DIM1)),
            'gn_b': jnp.zeros((GROUPS,), jnp.float32),
            'gamma': jnp.ones((GROUPS, DIM1), jnp.float32),
            'beta': jnp.zeros((GROUPS, DIM1), jnp.float32),
        })
    params['convs'] = convs
    params['post_Wmu'] = rn(ks[20], (DIM2, DIM1))
    params['post_Wrho'] = -3.0 * jnp.ones((DIM2, DIM1), jnp.float32)
    params['post_bmu'] = jnp.zeros((DIM2,), jnp.float32)
    params['post_brho'] = -3.0 * jnp.ones((DIM2,), jnp.float32)
    params['out_Wmu'] = rn(ks[21], (OUT_DIM, DIM2))
    params['out_Wrho'] = -3.0 * jnp.ones((OUT_DIM, DIM2), jnp.float32)
    params['out_bmu'] = jnp.zeros((OUT_DIM,), jnp.float32)
    params['out_brho'] = -3.0 * jnp.ones((OUT_DIM,), jnp.float32)
    return {'x': x, 'edge_index': edge_index, 'edge_attr': edge_attr, 'batch': batch, 'params': params}


def _cgconv(h, edge_index, edge_attr, c):
    src = edge_index[0]
    dst = edge_index[1]
    z = jnp.concatenate([h[dst], h[src], edge_attr], axis=-1)
    m = jax.nn.sigmoid(z @ c['Wf'].T + c['bf']) * _softplus(z @ c['Ws'].T + c['bs'])
    s = jax.ops.segment_sum(m, dst, num_segments=N)
    cnt = jax.ops.segment_sum(jnp.ones((m.shape[0], 1), m.dtype), dst, num_segments=N)
    return h + s / jnp.maximum(cnt, 1.0)


def _diff_group_norm(h, c):
    s = jax.nn.softmax(h @ c['gn_W'].T + c['gn_b'], axis=-1)
    t = s[:, :, None] * h[:, None, :]
    mu = t.mean(axis=0, keepdims=True)
    var = t.var(axis=0, keepdims=True)
    bn = (t - mu) / jnp.sqrt(var + BN_EPS) * c['gamma'][None] + c['beta'][None]
    return h + LAMDA * bn.sum(axis=1)


def _bnn(h, Wmu, Wrho, bmu, brho, k):
    sw = _softplus(Wrho)
    sb = _softplus(brho)
    k1, k2 = jax.random.split(k)
    W = Wmu + sw * jax.random.normal(k1, Wmu.shape, dtype=jnp.float32)
    bvec = bmu + sb * jax.random.normal(k2, bmu.shape, dtype=jnp.float32)
    out = h @ W.T + bvec

    def kld(mu, sig):
        return 0.5 * jnp.sum(2.0 * jnp.log(PRIOR_SIGMA / sig) + (sig ** 2 + mu ** 2) / (PRIOR_SIGMA ** 2) - 1.0)

    return out, kld(Wmu, sw) + kld(bmu, sb)


def reference(x, edge_index, edge_attr, batch, params):
    out = jax.nn.relu(x @ params['pre_W'].T + params['pre_b'])
    prev = out
    for c in params['convs']:
        out = _cgconv(out, edge_index, edge_attr, c)
        out = _diff_group_norm(out, c)
        out = out + prev
        prev = out
    gs = jax.ops.segment_sum(out, batch, num_segments=NUM_GRAPHS)
    gc = jax.ops.segment_sum(jnp.ones((out.shape[0], 1), out.dtype), batch, num_segments=NUM_GRAPHS)
    g = gs / jnp.maximum(gc, 1.0)
    kb1, kb2 = jax.random.split(jax.random.key(42))
    h, kl1 = _bnn(g, params['post_Wmu'], params['post_Wrho'], params['post_bmu'], params['post_brho'], kb1)
    h = jax.nn.relu(h)
    o, kl2 = _bnn(h, params['out_Wmu'], params['out_Wrho'], params['out_bmu'], params['out_brho'], kb2)
    return (o.reshape(-1), kl1 + kl2)

if __name__ == "__main__":
    import jax
    _d = setup_inputs()
    print(jax.jit(kernel)(*tuple(_d.values())))

</pallas_src>

<mosaic_0001>
#map = affine_map<(d0, d1) -> (0, 0)>
#map1 = affine_map<(d0, d1) -> (0)>
module attributes {stable_mosaic.version = 14 : i64} {
  func.func @_gather_sc_body(%arg0: i32, %arg1: i32, %arg2: memref<10000x128xf32, #tpu.memory_space<hbm>>, %arg3: memref<10000x128xf32, #tpu.memory_space<hbm>>, %arg4: memref<320000xi32, #tpu.memory_space<hbm>>, %arg5: memref<320000xi32, #tpu.memory_space<hbm>>, %arg6: memref<320000x128xf32, #tpu.memory_space<hbm>>, %arg7: memref<320000x128xf32, #tpu.memory_space<hbm>>, %arg8: memref<80xi32, #tpu.memory_space<vmem>>, %arg9: memref<80xi32, #tpu.memory_space<vmem>>, %arg10: memref<80x128xf32, #tpu.memory_space<vmem>>, %arg11: memref<80x128xf32, #tpu.memory_space<vmem>>, %arg12: memref<!tpu.dma_semaphore, #tpu.memory_space<semaphore_mem>>, %arg13: memref<!tpu.dma_semaphore, #tpu.memory_space<semaphore_mem>>) attributes {dimension_semantics = [#tpu.dimension_semantics<core_parallel>, #tpu.dimension_semantics<subcore_parallel>], iteration_bounds = array<i64: 2, 16>, scalar_prefetch = 0 : i64, scratch_operands = 6 : i64, tpu.core_type = #tpu.core_type<sc_vector_subcore>, window_params = [{transform_indices = #map}, {transform_indices = #map}, {transform_indices = #map1}, {transform_indices = #map1}, {transform_indices = #map}, {transform_indices = #map}]} {
    %mul3A = arith.constant 16 : i32
    %mul3A_0 = arith.muli %arg0, %mul3A : i32
    %add3A = arith.addi %mul3A_0, %arg1 : i32
    %mul3A_1 = arith.constant 10000 : i32
    %mul3A_2 = arith.muli %add3A, %mul3A_1 : i32
    %scan3A = arith.constant 0 : i32
    %scan3A_3 = arith.constant 125 : i32
    %scan3A_4 = arith.addi %scan3A, %scan3A_3 : i32
    %scan3A_5 = arith.constant 1 : i32
    scf.for %scan3A_7 = %scan3A to %scan3A_4 step %scan3A_5  : i32 {
      %mul3A_8 = arith.constant 1 : i32
      %mul3A_9 = arith.muli %scan3A_7, %mul3A_8 : i32
      %add3A_10 = arith.constant 0 : i32
      %add3A_11 = arith.addi %add3A_10, %mul3A_9 : i32
      %mul3A_12 = arith.constant 80 : i32
      %mul3A_13 = arith.muli %add3A_11, %mul3A_12 : i32
      %add3A_14 = arith.addi %mul3A_2, %mul3A_13 : i32
      %dma_start3A = tpu.memref_slice %arg4[%add3A_14] : memref<320000xi32, #tpu.memory_space<hbm>> -> memref<80xi32, #tpu.memory_space<hbm>>
      %dma_start3A_15 = tpu.memref_slice %arg4[%add3A_14] : memref<320000xi32, #tpu.memory_space<hbm>> -> memref<80xi32, #tpu.memory_space<hbm>>
      tpu.enqueue_dma source(%dma_start3A_15 : memref<80xi32, #tpu.memory_space<hbm>>) target(%arg8 : memref<80xi32, #tpu.memory_space<vmem>>) target_semaphore(%arg12 : memref<!tpu.dma_semaphore, #tpu.memory_space<semaphore_mem>>)
      %dma_start3A_16 = tpu.memref_slice %arg5[%add3A_14] : memref<320000xi32, #tpu.memory_space<hbm>> -> memref<80xi32, #tpu.memory_space<hbm>>
      %dma_start3A_17 = tpu.memref_slice %arg5[%add3A_14] : memref<320000xi32, #tpu.memory_space<hbm>> -> memref<80xi32, #tpu.memory_space<hbm>>
      tpu.enqueue_dma source(%dma_start3A_17 : memref<80xi32, #tpu.memory_space<hbm>>) target(%arg9 : memref<80xi32, #tpu.memory_space<vmem>>) target_semaphore(%arg13 : memref<!tpu.dma_semaphore, #tpu.memory_space<semaphore_mem>>)
      %dma_wait3A = tpu.memref_slice %arg4[%add3A_14] : memref<320000xi32, #tpu.memory_space<hbm>> -> memref<80xi32, #tpu.memory_space<hbm>>
      %dma_wait3A_18 = tpu.memref_slice %arg4[%add3A_14] : memref<320000xi32, #tpu.memory_space<hbm>> -> memref<80xi32, #tpu.memory_space<hbm>>
      tpu.wait_dma2 semaphore(%arg12 : memref<!tpu.dma_semaphore, #tpu.memory_space<semaphore_mem>>) src(%dma_wait3A_18 : memref<80xi32, #tpu.memory_space<hbm>>) dst(%arg8 : memref<80xi32, #tpu.memory_space<vmem>>)
      %dma_wait3A_19 = tpu.memref_slice %arg5[%add3A_14] : memref<320000xi32, #tpu.memory_space<hbm>> -> memref<80xi32, #tpu.memory_space<hbm>>
      %dma_wait3A_20 = tpu.memref_slice %arg5[%add3A_14] : memref<320000xi32, #tpu.memory_space<hbm>> -> memref<80xi32, #tpu.memory_space<hbm>>
      tpu.wait_dma2 semaphore(%arg13 : memref<!tpu.dma_semaphore, #tpu.memory_space<semaphore_mem>>) src(%dma_wait3A_20 : memref<80xi32, #tpu.memory_space<hbm>>) dst(%arg9 : memref<80xi32, #tpu.memory_space<vmem>>)
      %dma_start3A_21 = arith.constant 0 : i32
      %dma_start3A_22 = arith.constant 0 : i32
      %dma_start3A_23 = tpu.memref_slice %arg2[%dma_start3A_21, %dma_start3A_22] : memref<10000x128xf32, #tpu.memory_space<hbm>> -> memref<10000x128xf32, #tpu.memory_space<hbm>>
      tpu.enqueue_indirect_dma source(%dma_start3A_23 : memref<10000x128xf32, #tpu.memory_space<hbm>>) target(%arg10 : memref<80x128xf32, #tpu.memory_space<vmem>>) offsets(%arg8 : memref<80xi32, #tpu.memory_space<vmem>>) semaphore(%arg12 : memref<!tpu.dma_semaphore, #tpu.memory_space<semaphore_mem>>)
      %dma_start3A_24 = arith.constant 0 : i32
      %dma_start3A_25 = arith.constant 0 : i32
      %dma_start3A_26 = tpu.memref_slice %arg3[%dma_start3A_24, %dma_start3A_25] : memref<10000x128xf32, #tpu.memory_space<hbm>> -> memref<10000x128xf32, #tpu.memory_space<hbm>>
      tpu.enqueue_indirect_dma source(%dma_start3A_26 : memref<10000x128xf32, #tpu.memory_space<hbm>>) target(%arg11 : memref<80x128xf32, #tpu.memory_space<vmem>>) offsets(%arg9 : memref<80xi32, #tpu.memory_space<vmem>>) semaphore(%arg13 : memref<!tpu.dma_semaphore, #tpu.memory_space<semaphore_mem>>)
      %dma_wait3A_27 = arith.constant 0 : i32
      %dma_wait3A_28 = arith.constant 0 : i32
      %dma_wait3A_29 = tpu.memref_slice %arg2[%dma_wait3A_27, %dma_wait3A_28] : memref<10000x128xf32, #tpu.memory_space<hbm>> -> memref<10000x128xf32, #tpu.memory_space<hbm>>
      tpu.wait_indirect_dma semaphore(%arg12 : memref<!tpu.dma_semaphore, #tpu.memory_space<semaphore_mem>>) src(%dma_wait3A_29 : memref<10000x128xf32, #tpu.memory_space<hbm>>) dst(%arg10 : memref<80x128xf32, #tpu.memory_space<vmem>>)
      %dma_wait3A_30 = arith.constant 0 : i32
      %dma_wait3A_31 = arith.constant 0 : i32
      %dma_wait3A_32 = tpu.memref_slice %arg3[%dma_wait3A_30, %dma_wait3A_31] : memref<10000x128xf32, #tpu.memory_space<hbm>> -> memref<10000x128xf32, #tpu.memory_space<hbm>>
      tpu.wait_indirect_dma semaphore(%arg13 : memref<!tpu.dma_semaphore, #tpu.memory_space<semaphore_mem>>) src(%dma_wait3A_32 : memref<10000x128xf32, #tpu.memory_space<hbm>>) dst(%arg11 : memref<80x128xf32, #tpu.memory_space<vmem>>)
      %dma_start3A_33 = arith.constant 0 : i32
      %dma_start3A_34 = tpu.memref_slice %arg6[%add3A_14, %dma_start3A_33] : memref<320000x128xf32, #tpu.memory_space<hbm>> -> memref<80x128xf32, #tpu.memory_space<hbm>>
      %dma_start3A_35 = arith.constant 0 : i32
      %dma_start3A_36 = tpu.memref_slice %arg6[%add3A_14, %dma_start3A_35] : memref<320000x128xf32, #tpu.memory_space<hbm>> -> memref<80x128xf32, #tpu.memory_space<hbm>>
      tpu.enqueue_dma source(%arg10 : memref<80x128xf32, #tpu.memory_space<vmem>>) target(%dma_start3A_36 : memref<80x128xf32, #tpu.memory_space<hbm>>) target_semaphore(%arg12 : memref<!tpu.dma_semaphore, #tpu.memory_space<semaphore_mem>>)
      %dma_start3A_37 = arith.constant 0 : i32
      %dma_start3A_38 = tpu.memref_slice %arg7[%add3A_14, %dma_start3A_37] : memref<320000x128xf32, #tpu.memory_space<hbm>> -> memref<80x128xf32, #tpu.memory_space<hbm>>
      %dma_start3A_39 = arith.constant 0 : i32
      %dma_start3A_40 = tpu.memref_slice %arg7[%add3A_14, %dma_start3A_39] : memref<320000x128xf32, #tpu.memory_space<hbm>> -> memref<80x128xf32, #tpu.memory_space<hbm>>
      tpu.enqueue_dma source(%arg11 : memref<80x128xf32, #tpu.memory_space<vmem>>) target(%dma_start3A_40 : memref<80x128xf32, #tpu.memory_space<hbm>>) target_semaphore(%arg13 : memref<!tpu.dma_semaphore, #tpu.memory_space<semaphore_mem>>)
      %dma_wait3A_41 = arith.constant 0 : i32
      %dma_wait3A_42 = tpu.memref_slice %arg6[%add3A_14, %dma_wait3A_41] : memref<320000x128xf32, #tpu.memory_space<hbm>> -> memref<80x128xf32, #tpu.memory_space<hbm>>
      %dma_wait3A_43 = arith.constant 0 : i32
      %dma_wait3A_44 = tpu.memref_slice %arg6[%add3A_14, %dma_wait3A_43] : memref<320000x128xf32, #tpu.memory_space<hbm>> -> memref<80x128xf32, #tpu.memory_space<hbm>>
      tpu.wait_dma2 semaphore(%arg12 : memref<!tpu.dma_semaphore, #tpu.memory_space<semaphore_mem>>) src(%arg10 : memref<80x128xf32, #tpu.memory_space<vmem>>) dst(%dma_wait3A_44 : memref<80x128xf32, #tpu.memory_space<hbm>>)
      %dma_wait3A_45 = arith.constant 0 : i32
      %dma_wait3A_46 = tpu.memref_slice %arg7[%add3A_14, %dma_wait3A_45] : memref<320000x128xf32, #tpu.memory_space<hbm>> -> memref<80x128xf32, #tpu.memory_space<hbm>>
      %dma_wait3A_47 = arith.constant 0 : i32
      %dma_wait3A_48 = tpu.memref_slice %arg7[%add3A_14, %dma_wait3A_47] : memref<320000x128xf32, #tpu.memory_space<hbm>> -> memref<80x128xf32, #tpu.memory_space<hbm>>
      tpu.wait_dma2 semaphore(%arg13 : memref<!tpu.dma_semaphore, #tpu.memory_space<semaphore_mem>>) src(%arg11 : memref<80x128xf32, #tpu.memory_space<vmem>>) dst(%dma_wait3A_48 : memref<80x128xf32, #tpu.memory_space<hbm>>)
    }
    %scan3A_6 = arith.constant 125 : i32
    return
  }
}

#map = affine_map<(d0, d1) -> (0, 0)>
#map1 = affine_map<(d0, d1) -> (0)>
#map2 = affine_map<(d0, d1) -> (0, 0, 0)>
module attributes {stable_mosaic.version = 14 : i64} {
  func.func @_scatter_sc_body(%arg0: i32, %arg1: i32, %arg2: memref<320000x128xf32, #tpu.memory_space<hbm>>, %arg3: memref<320000xi32, #tpu.memory_space<hbm>>, %arg4: memref<2x10000x128xf32, #tpu.memory_space<hbm>>, %arg5: memref<80xi32, #tpu.memory_space<vmem>>, %arg6: memref<80x128xf32, #tpu.memory_space<vmem>>, %arg7: memref<200x128xf32, #tpu.memory_space<vmem>>, %arg8: memref<10000x128xf32, #tpu.memory_space<vmem_shared>>, %arg9: memref<!tpu.dma_semaphore, #tpu.memory_space<semaphore_mem>>, %arg10: memref<!tpu.dma_semaphore, #tpu.memory_space<semaphore_mem>>) attributes {dimension_semantics = [#tpu.dimension_semantics<core_parallel>, #tpu.dimension_semantics<subcore_parallel>], iteration_bounds = array<i64: 2, 16>, scalar_prefetch = 0 : i64, scratch_operands = 6 : i64, tpu.core_type = #tpu.core_type<sc_vector_subcore>, window_params = [{transform_indices = #map}, {transform_indices = #map1}, {transform_indices = #map2}]} {
    %mul3A = arith.constant 16 : i32
    %mul3A_0 = arith.muli %arg0, %mul3A : i32
    %add3A = arith.addi %mul3A_0, %arg1 : i32
    %broadcast_in_dim3A = arith.constant 0.000000e+00 : f32
    %broadcast_in_dim3A_1 = vector.broadcast %broadcast_in_dim3A : f32 to vector<16xf32>
    %scan3A = arith.constant 0 : i32
    %scan3A_2 = arith.constant 200 : i32
    %scan3A_3 = arith.addi %scan3A, %scan3A_2 : i32
    %scan3A_4 = arith.constant 1 : i32
    scf.for %scan3A_24 = %scan3A to %scan3A_3 step %scan3A_4  : i32 {
      %mul3A_25 = arith.constant 1 : i32
      %mul3A_26 = arith.muli %scan3A_24, %mul3A_25 : i32
      %add3A_27 = arith.constant 0 : i32
      %add3A_28 = arith.addi %add3A_27, %mul3A_26 : i32
      %swap3A = arith.index_cast %add3A_28 : i32 to index
      %swap3A_29 = arith.constant 0 : index
      %swap3A_30 = tpu.vector_load %arg7[%swap3A, %swap3A_29] {strides = array<i32>} : memref<200x128xf32, #tpu.memory_space<vmem>>, vector<1x16xf32>,
      %swap3A_31 = vector.shape_cast %swap3A_30 : vector<1x16xf32> to vector<16xf32>
      %swap3A_32 = vector.shape_cast %broadcast_in_dim3A_1 : vector<16xf32> to vector<1x16xf32>
      tpu.vector_store %arg7[%swap3A, %swap3A_29], %swap3A_32 {strides = array<i32>} : memref<200x128xf32, #tpu.memory_space<vmem>>, vector<1x16xf32>,
      %swap3A_33 = arith.index_cast %add3A_28 : i32 to index
      %swap3A_34 = arith.constant 16 : index
      %swap3A_35 = tpu.vector_load %arg7[%swap3A_33, %swap3A_34] {strides = array<i32>} : memref<200x128xf32, #tpu.memory_space<vmem>>, vector<1x16xf32>,
      %swap3A_36 = vector.shape_cast %swap3A_35 : vector<1x16xf32> to vector<16xf32>
      %swap3A_37 = vector.shape_cast %broadcast_in_dim3A_1 : vector<16xf32> to vector<1x16xf32>
      tpu.vector_store %arg7[%swap3A_33, %swap3A_34], %swap3A_37 {strides = array<i32>} : memref<200x128xf32, #tpu.memory_space<vmem>>, vector<1x16xf32>,
      %swap3A_38 = arith.index_cast %add3A_28 : i32 to index
      %swap3A_39 = arith.constant 32 : index
      %swap3A_40 = tpu.vector_load %arg7[%swap3A_38, %swap3A_39] {strides = array<i32>} : memref<200x128xf32, #tpu.memory_space<vmem>>, vector<1x16xf32>,
      %swap3A_41 = vector.shape_cast %swap3A_40 : vector<1x16xf32> to vector<16xf32>
      %swap3A_42 = vector.shape_cast %broadcast_in_dim3A_1 : vector<16xf32> to vector<1x16xf32>
      tpu.vector_store %arg7[%swap3A_38, %swap3A_39], %swap3A_42 {strides = array<i32>} : memref<200x128xf32, #tpu.memory_space<vmem>>, vector<1x16xf32>,
      %swap3A_43 = arith.index_cast %add3A_28 : i32 to index
      %swap3A_44 = arith.constant 48 : index
      %swap3A_45 = tpu.vector_load %arg7[%swap3A_43, %swap3A_44] {strides = array<i32>} : memref<200x128xf32, #tpu.memory_space<vmem>>, vector<1x16xf32>,
      %swap3A_46 = vector.shape_cast %swap3A_45 : vector<1x16xf32> to vector<16xf32>
      %swap3A_47 = vector.shape_cast %broadcast_in_dim3A_1 : vector<16xf32> to vector<1x16xf32>
      tpu.vector_store %arg7[%swap3A_43, %swap3A_44], %swap3A_47 {strides = array<i32>} : memref<200x128xf32, #tpu.memory_space<vmem>>, vector<1x16xf32>,
      %swap3A_48 = arith.index_cast %add3A_28 : i32 to index
      %swap3A_49 = arith.constant 64 : index
      %swap3A_50 = tpu.vector_load %arg7[%swap3A_48, %swap3A_49] {strides = array<i32>} : memref<200x128xf32, #tpu.memory_space<vmem>>, vector<1x16xf32>,
      %swap3A_51 = vector.shape_cast %swap3A_50 : vector<1x16xf32> to vector<16xf32>
      %swap3A_52 = vector.shape_cast %broadcast_in_dim3A_1 : vector<16xf32> to vector<1x16xf32>
      tpu.vector_store %arg7[%swap3A_48, %swap3A_49], %swap3A_52 {strides = array<i32>} : memref<200x128xf32, #tpu.memory_space<vmem>>, vector<1x16xf32>,
      %swap3A_53 = arith.index_cast %add3A_28 : i32 to index
      %swap3A_54 = arith.constant 80 : index
      %swap3A_55 = tpu.vector_load %arg7[%swap3A_53, %swap3A_54] {strides = array<i32>} : memref<200x128xf32, #tpu.memory_space<vmem>>, vector<1x16xf32>,
      %swap3A_56 = vector.shape_cast %swap3A_55 : vector<1x16xf32> to vector<16xf32>
      %swap3A_57 = vector.shape_cast %broadcast_in_dim3A_1 : vector<16xf32> to vector<1x16xf32>
      tpu.vector_store %arg7[%swap3A_53, %swap3A_54], %swap3A_57 {strides = array<i32>} : memref<200x128xf32, #tpu.memory_space<vmem>>, vector<1x16xf32>,
      %swap3A_58 = arith.index_cast %add3A_28 : i32 to index
      %swap3A_59 = arith.constant 96 : index
      %swap3A_60 = tpu.vector_load %arg7[%swap3A_58, %swap3A_59] {strides = array<i32>} : memref<200x128xf32, #tpu.memory_space<vmem>>, vector<1x16xf32>,
      %swap3A_61 = vector.shape_cast %swap3A_60 : vector<1x16xf32> to vector<16xf32>
      %swap3A_62 = vector.shape_cast %broadcast_in_dim3A_1 : vector<16xf32> to vector<1x16xf32>
      tpu.vector_store %arg7[%swap3A_58, %swap3A_59], %swap3A_62 {strides = array<i32>} : memref<200x128xf32, #tpu.memory_space<vmem>>, vector<1x16xf32>,
      %swap3A_63 = arith.index_cast %add3A_28 : i32 to index
      %swap3A_64 = arith.constant 112 : index
      %swap3A_65 = tpu.vector_load %arg7[%swap3A_63, %swap3A_64] {strides = array<i32>} : memref<200x128xf32, #tpu.memory_space<vmem>>, vector<1x16xf32>,
      %swap3A_66 = vector.shape_cast %swap3A_65 : vector<1x16xf32> to vector<16xf32>
      %swap3A_67 = vector.shape_cast %broadcast_in_dim3A_1 : vector<16xf32> to vector<1x16xf32>
      tpu.vector_store %arg7[%swap3A_63, %swap3A_64], %swap3A_67 {strides = array<i32>} : memref<200x128xf32, #tpu.memory_space<vmem>>, vector<1x16xf32>,
    }
    %scan3A_5 = arith.constant 200 : i32
    %scan3A_6 = arith.constant 0 : i32
    %scan3A_7 = arith.constant 4 : i32
    %scan3A_8 = arith.addi %scan3A_6, %scan3A_7 : i32
    %scan3A_9 = arith.constant 1 : i32
    scf.for %scan3A_24 = %scan3A_6 to %scan3A_8 step %scan3A_9  : i32 {
      %mul3A_25 = arith.constant 1 : i32
      %mul3A_26 = arith.muli %scan3A_24, %mul3A_25 : i32
      %add3A_27 = arith.constant 0 : i32
      %add3A_28 = arith.addi %add3A_27, %mul3A_26 : i32
      %mul3A_29 = arith.constant 16 : i32
      %mul3A_30 = arith.muli %add3A_28, %mul3A_29 : i32
      %add3A_31 = arith.addi %arg1, %mul3A_30 : i32
      %lt3A = arith.constant 50 : i32
      %lt3A_32 = arith.cmpi slt, %add3A_31, %lt3A : i32
      %convert_element_type3A = arith.extui %lt3A_32 : i1 to i32
      %cond3A = arith.constant 0 : i32
      %cond3A_33 = arith.cmpi ne, %convert_element_type3A, %cond3A : i32
      scf.if %cond3A_33 {
        %mul3A_34 = arith.constant 200 : i32
        %mul3A_35 = arith.muli %add3A_31, %mul3A_34 : i32
        "tpu.region"() ({
          %run_scoped3A = tpu.sem_alloc : memref<!tpu.dma_semaphore, #tpu.memory_space<semaphore_mem>>
          %dma_start3A = arith.constant 0 : i32
          %dma_start3A_36 = tpu.memref_slice %arg8[%mul3A_35, %dma_start3A] : memref<10000x128xf32, #tpu.memory_space<vmem_shared>> -> memref<200x128xf32, #tpu.memory_space<vmem_shared>>
          %dma_start3A_37 = arith.constant 0 : i32
          %dma_start3A_38 = tpu.memref_slice %arg8[%mul3A_35, %dma_start3A_37] : memref<10000x128xf32, #tpu.memory_space<vmem_shared>> -> memref<200x128xf32, #tpu.memory_space<vmem_shared>>
          tpu.enqueue_dma source(%arg7 : memref<200x128xf32, #tpu.memory_space<vmem>>) target(%dma_start3A_38 : memref<200x128xf32, #tpu.memory_space<vmem_shared>>) target_semaphore(%run_scoped3A : memref<!tpu.dma_semaphore, #tpu.memory_space<semaphore_mem>>)
          %dma_wait3A = arith.constant 0 : i32
          %dma_wait3A_39 = tpu.memref_slice %arg8[%mul3A_35, %dma_wait3A] : memref<10000x128xf32, #tpu.memory_space<vmem_shared>> -> memref<200x128xf32, #tpu.memory_space<vmem_shared>>
          %dma_wait3A_40 = arith.constant 0 : i32
          %dma_wait3A_41 = tpu.memref_slice %arg8[%mul3A_35, %dma_wait3A_40] : memref<10000x128xf32, #tpu.memory_space<vmem_shared>> -> memref<200x128xf32, #tpu.memory_space<vmem_shared>>
          tpu.wait_dma2 semaphore(%run_scoped3A : memref<!tpu.dma_semaphore, #tpu.memory_space<semaphore_mem>>) src(%arg7 : memref<200x128xf32, #tpu.memory_space<vmem>>) dst(%dma_wait3A_41 : memref<200x128xf32, #tpu.memory_space<vmem_shared>>)
          tpu.yield
        }) : () -> ()
      } else {
      }
    }
    %scan3A_10 = arith.constant 4 : i32
    %barrier3A = arith.constant 0 : index
    tpu.barrier barrier_id(%barrier3A)
    %mul3A_11 = arith.constant 10000 : i32
    %mul3A_12 = arith.muli %add3A, %mul3A_11 : i32
    %scan3A_13 = arith.constant 0 : i32
    %scan3A_14 = arith.constant 125 : i32
    %scan3A_15 = arith.addi %scan3A_13, %scan3A_14 : i32
    %scan3A_16 = arith.constant 1 : i32
    scf.for %scan3A_24 = %scan3A_13 to %scan3A_15 step %scan3A_16  : i32 {
      %mul3A_25 = arith.constant 1 : i32
      %mul3A_26 = arith.muli %scan3A_24, %mul3A_25 : i32
      %add3A_27 = arith.constant 0 : i32
      %add3A_28 = arith.addi %add3A_27, %mul3A_26 : i32
      %mul3A_29 = arith.constant 80 : i32
      %mul3A_30 = arith.muli %add3A_28, %mul3A_29 : i32
      %add3A_31 = arith.addi %mul3A_12, %mul3A_30 : i32
      %dma_start3A = tpu.memref_slice %arg3[%add3A_31] : memref<320000xi32, #tpu.memory_space<hbm>> -> memref<80xi32, #tpu.memory_space<hbm>>
      %dma_start3A_32 = tpu.memref_slice %arg3[%add3A_31] : memref<320000xi32, #tpu.memory_space<hbm>> -> memref<80xi32, #tpu.memory_space<hbm>>
      tpu.enqueue_dma source(%dma_start3A_32 : memref<80xi32, #tpu.memory_space<hbm>>) target(%arg5 : memref<80xi32, #tpu.memory_space<vmem>>) target_semaphore(%arg9 : memref<!tpu.dma_semaphore, #tpu.memory_space<semaphore_mem>>)
      %dma_start3A_33 = arith.constant 0 : i32
      %dma_start3A_34 = tpu.memref_slice %arg2[%add3A_31, %dma_start3A_33] : memref<320000x128xf32, #tpu.memory_space<hbm>> -> memref<80x128xf32, #tpu.memory_space<hbm>>
      %dma_start3A_35 = arith.constant 0 : i32
      %dma_start3A_36 = tpu.memref_slice %arg2[%add3A_31, %dma_start3A_35] : memref<320000x128xf32, #tpu.memory_space<hbm>> -> memref<80x128xf32, #tpu.memory_space<hbm>>
      tpu.enqueue_dma source(%dma_start3A_36 : memref<80x128xf32, #tpu.memory_space<hbm>>) target(%arg6 : memref<80x128xf32, #tpu.memory_space<vmem>>) target_semaphore(%arg10 : memref<!tpu.dma_semaphore, #tpu.memory_space<semaphore_mem>>)
      %dma_wait3A = tpu.memref_slice %arg3[%add3A_31] : memref<320000xi32, #tpu.memory_space<hbm>> -> memref<80xi32, #tpu.memory_space<hbm>>
      %dma_wait3A_37 = tpu.memref_slice %arg3[%add3A_31] : memref<320000xi32, #tpu.memory_space<hbm>> -> memref<80xi32, #tpu.memory_space<hbm>>
      tpu.wait_dma2 semaphore(%arg9 : memref<!tpu.dma_semaphore, #tpu.memory_space<semaphore_mem>>) src(%dma_wait3A_37 : memref<80xi32, #tpu.memory_space<hbm>>) dst(%arg5 : memref<80xi32, #tpu.memory_space<vmem>>)
      %dma_wait3A_38 = arith.constant 0 : i32
      %dma_wait3A_39 = tpu.memref_slice %arg2[%add3A_31, %dma_wait3A_38] : memref<320000x128xf32, #tpu.memory_space<hbm>> -> memref<80x128xf32, #tpu.memory_space<hbm>>
      %dma_wait3A_40 = arith.constant 0 : i32
      %dma_wait3A_41 = tpu.memref_slice %arg2[%add3A_31, %dma_wait3A_40] : memref<320000x128xf32, #tpu.memory_space<hbm>> -> memref<80x128xf32, #tpu.memory_space<hbm>>
      tpu.wait_dma2 semaphore(%arg10 : memref<!tpu.dma_semaphore, #tpu.memory_space<semaphore_mem>>) src(%dma_wait3A_41 : memref<80x128xf32, #tpu.memory_space<hbm>>) dst(%arg6 : memref<80x128xf32, #tpu.memory_space<vmem>>)
      "tpu.region"() ({
        %run_scoped3A = tpu.sem_alloc : memref<!tpu.dma_semaphore, #tpu.memory_space<semaphore_mem>>
        %dma_start3A_42 = arith.constant 0 : i32
        %dma_start3A_43 = arith.constant 0 : i32
        %dma_start3A_44 = tpu.memref_slice %arg8[%dma_start3A_42, %dma_start3A_43] : memref<10000x128xf32, #tpu.memory_space<vmem_shared>> -> memref<10000x128xf32, #tpu.memory_space<vmem_shared>>
        tpu.enqueue_indirect_dma source(%arg6 : memref<80x128xf32, #tpu.memory_space<vmem>>) target(%dma_start3A_44 : memref<10000x128xf32, #tpu.memory_space<vmem_shared>>) offsets(%arg5 : memref<80xi32, #tpu.memory_space<vmem>>) semaphore(%run_scoped3A : memref<!tpu.dma_semaphore, #tpu.memory_space<semaphore_mem>>) {add = true}
        %dma_wait3A_45 = arith.constant 0 : i32
        %dma_wait3A_46 = arith.constant 0 : i32
        %dma_wait3A_47 = tpu.memref_slice %arg8[%dma_wait3A_45, %dma_wait3A_46] : memref<10000x128xf32, #tpu.memory_space<vmem_shared>> -> memref<10000x128xf32, #tpu.memory_space<vmem_shared>>
        tpu.wait_indirect_dma semaphore(%run_scoped3A : memref<!tpu.dma_semaphore, #tpu.memory_space<semaphore_mem>>) src(%arg6 : memref<80x128xf32, #tpu.memory_space<vmem>>) dst(%dma_wait3A_47 : memref<10000x128xf32, #tpu.memory_space<vmem_shared>>)
        tpu.yield
      }) : () -> ()
    }
    %scan3A_17 = arith.constant 125 : i32
    %barrier3A_18 = arith.constant 0 : index
    tpu.barrier barrier_id(%barrier3A_18)
    %scan3A_19 = arith.constant 0 : i32
    %scan3A_20 = arith.constant 4 : i32
    %scan3A_21 = arith.addi %scan3A_19, %scan3A_20 : i32
    %scan3A_22 = arith.constant 1 : i32
    scf.for %scan3A_24 = %scan3A_19 to %scan3A_21 step %scan3A_22  : i32 {
      %mul3A_25 = arith.constant 1 : i32
      %mul3A_26 = arith.muli %scan3A_24, %mul3A_25 : i32
      %add3A_27 = arith.constant 0 : i32
      %add3A_28 = arith.addi %add3A_27, %mul3A_26 : i32
      %mul3A_29 = arith.constant 16 : i32
      %mul3A_30 = arith.muli %add3A_28, %mul3A_29 : i32
      %add3A_31 = arith.addi %arg1, %mul3A_30 : i32
      %lt3A = arith.constant 50 : i32
      %lt3A_32 = arith.cmpi slt, %add3A_31, %lt3A : i32
      %convert_element_type3A = arith.extui %lt3A_32 : i1 to i32
      %cond3A = arith.constant 0 : i32
      %cond3A_33 = arith.cmpi ne, %convert_element_type3A, %cond3A : i32
      scf.if %cond3A_33 {
        %mul3A_34 = arith.constant 200 : i32
        %mul3A_35 = arith.muli %add3A_31, %mul3A_34 : i32
        %mul3A_36 = arith.constant 200 : i32
        %mul3A_37 = arith.muli %add3A_31, %mul3A_36 : i32
        "tpu.region"() ({
          %run_scoped3A = tpu.sem_alloc : memref<!tpu.dma_semaphore, #tpu.memory_space<semaphore_mem>>
          %dma_start3A = arith.constant 0 : i32
          %dma_start3A_38 = tpu.memref_slice %arg4[%arg0, %mul3A_37, %dma_start3A] : memref<2x10000x128xf32, #tpu.memory_space<hbm>> -> memref<1x200x128xf32, #tpu.memory_space<hbm>>
          %dma_start3A_39 = tpu.memref_squeeze %dma_start3A_38 : memref<1x200x128xf32, #tpu.memory_space<hbm>> -> memref<200x128xf32, #tpu.memory_space<hbm>>
          %dma_start3A_40 = arith.constant 0 : i32
          %dma_start3A_41 = tpu.memref_slice %arg8[%mul3A_35, %dma_start3A_40] : memref<10000x128xf32, #tpu.memory_space<vmem_shared>> -> memref<200x128xf32, #tpu.memory_space<vmem_shared>>
          tpu.enqueue_dma source(%dma_start3A_41 : memref<200x128xf32, #tpu.memory_space<vmem_shared>>) target(%dma_start3A_39 : memref<200x128xf32, #tpu.memory_space<hbm>>) target_semaphore(%run_scoped3A : memref<!tpu.dma_semaphore, #tpu.memory_space<semaphore_mem>>)
          %dma_wait3A = arith.constant 0 : i32
          %dma_wait3A_42 = tpu.memref_slice %arg4[%arg0, %mul3A_37, %dma_wait3A] : memref<2x10000x128xf32, #tpu.memory_space<hbm>> -> memref<1x200x128xf32, #tpu.memory_space<hbm>>
          %dma_wait3A_43 = tpu.memref_squeeze %dma_wait3A_42 : memref<1x200x128xf32, #tpu.memory_space<hbm>> -> memref<200x128xf32, #tpu.memory_space<hbm>>
          %dma_wait3A_44 = arith.constant 0 : i32
          %dma_wait3A_45 = tpu.memref_slice %arg8[%mul3A_35, %dma_wait3A_44] : memref<10000x128xf32, #tpu.memory_space<vmem_shared>> -> memref<200x128xf32, #tpu.memory_space<vmem_shared>>
          tpu.wait_dma2 semaphore(%run_scoped3A : memref<!tpu.dma_semaphore, #tpu.memory_space<semaphore_mem>>) src(%dma_wait3A_45 : memref<200x128xf32, #tpu.memory_space<vmem_shared>>) dst(%dma_wait3A_43 : memref<200x128xf32, #tpu.memory_space<hbm>>)
          tpu.yield
        }) : () -> ()
      } else {
      }
    }
    %scan3A_23 = arith.constant 4 : i32
    return
  }
}

#map = affine_map<(d0, d1) -> (0, 0)>
#map1 = affine_map<(d0, d1) -> (0)>
module attributes {stable_mosaic.version = 14 : i64} {
  func.func @_gather_sc_body(%arg0: i32, %arg1: i32, %arg2: memref<10000x128xf32, #tpu.memory_space<hbm>>, %arg3: memref<10000x128xf32, #tpu.memory_space<hbm>>, %arg4: memref<320000xi32, #tpu.memory_space<hbm>>, %arg5: memref<320000xi32, #tpu.memory_space<hbm>>, %arg6: memref<320000x128xf32, #tpu.memory_space<hbm>>, %arg7: memref<320000x128xf32, #tpu.memory_space<hbm>>, %arg8: memref<80xi32, #tpu.memory_space<vmem>>, %arg9: memref<80xi32, #tpu.memory_space<vmem>>, %arg10: memref<80x128xf32, #tpu.memory_space<vmem>>, %arg11: memref<80x128xf32, #tpu.memory_space<vmem>>, %arg12: memref<!tpu.dma_semaphore, #tpu.memory_space<semaphore_mem>>, %arg13: memref<!tpu.dma_semaphore, #tpu.memory_space<semaphore_mem>>) attributes {dimension_semantics = [#tpu.dimension_semantics<core_parallel>, #tpu.dimension_semantics<subcore_parallel>], iteration_bounds = array<i64: 2, 16>, scalar_prefetch = 0 : i64, scratch_operands = 6 : i64, tpu.core_type = #tpu.core_type<sc_vector_subcore>, window_params = [{transform_indices = #map}, {transform_indices = #map}, {transform_indices = #map1}, {transform_indices = #map1}, {transform_indices = #map}, {transform_indices = #map}]} {
    %mul3A = arith.constant 16 : i32
    %mul3A_0 = arith.muli %arg0, %mul3A : i32
    %add3A = arith.addi %mul3A_0, %arg1 : i32
    %mul3A_1 = arith.constant 10000 : i32
    %mul3A_2 = arith.muli %add3A, %mul3A_1 : i32
    %scan3A = arith.constant 0 : i32
    %scan3A_3 = arith.constant 125 : i32
    %scan3A_4 = arith.addi %scan3A, %scan3A_3 : i32
    %scan3A_5 = arith.constant 1 : i32
    scf.for %scan3A_7 = %scan3A to %scan3A_4 step %scan3A_5  : i32 {
      %mul3A_8 = arith.constant 1 : i32
      %mul3A_9 = arith.muli %scan3A_7, %mul3A_8 : i32
      %add3A_10 = arith.constant 0 : i32
      %add3A_11 = arith.addi %add3A_10, %mul3A_9 : i32
      %mul3A_12 = arith.constant 80 : i32
      %mul3A_13 = arith.muli %add3A_11, %mul3A_12 : i32
      %add3A_14 = arith.addi %mul3A_2, %mul3A_13 : i32
      %dma_start3A = tpu.memref_slice %arg4[%add3A_14] : memref<320000xi32, #tpu.memory_space<hbm>> -> memref<80xi32, #tpu.memory_space<hbm>>
      %dma_start3A_15 = tpu.memref_slice %arg4[%add3A_14] : memref<320000xi32, #tpu.memory_space<hbm>> -> memref<80xi32, #tpu.memory_space<hbm>>
      tpu.enqueue_dma source(%dma_start3A_15 : memref<80xi32, #tpu.memory_space<hbm>>) target(%arg8 : memref<80xi32, #tpu.memory_space<vmem>>) target_semaphore(%arg12 : memref<!tpu.dma_semaphore, #tpu.memory_space<semaphore_mem>>)
      %dma_start3A_16 = tpu.memref_slice %arg5[%add3A_14] : memref<320000xi32, #tpu.memory_space<hbm>> -> memref<80xi32, #tpu.memory_space<hbm>>
      %dma_start3A_17 = tpu.memref_slice %arg5[%add3A_14] : memref<320000xi32, #tpu.memory_space<hbm>> -> memref<80xi32, #tpu.memory_space<hbm>>
      tpu.enqueue_dma source(%dma_start3A_17 : memref<80xi32, #tpu.memory_space<hbm>>) target(%arg9 : memref<80xi32, #tpu.memory_space<vmem>>) target_semaphore(%arg13 : memref<!tpu.dma_semaphore, #tpu.memory_space<semaphore_mem>>)
      %dma_wait3A = tpu.memref_slice %arg4[%add3A_14] : memref<320000xi32, #tpu.memory_space<hbm>> -> memref<80xi32, #tpu.memory_space<hbm>>
      %dma_wait3A_18 = tpu.memref_slice %arg4[%add3A_14] : memref<320000xi32, #tpu.memory_space<hbm>> -> memref<80xi32, #tpu.memory_space<hbm>>
      tpu.wait_dma2 semaphore(%arg12 : memref<!tpu.dma_semaphore, #tpu.memory_space<semaphore_mem>>) src(%dma_wait3A_18 : memref<80xi32, #tpu.memory_space<hbm>>) dst(%arg8 : memref<80xi32, #tpu.memory_space<vmem>>)
      %dma_wait3A_19 = tpu.memref_slice %arg5[%add3A_14] : memref<320000xi32, #tpu.memory_space<hbm>> -> memref<80xi32, #tpu.memory_space<hbm>>
      %dma_wait3A_20 = tpu.memref_slice %arg5[%add3A_14] : memref<320000xi32, #tpu.memory_space<hbm>> -> memref<80xi32, #tpu.memory_space<hbm>>
      tpu.wait_dma2 semaphore(%arg13 : memref<!tpu.dma_semaphore, #tpu.memory_space<semaphore_mem>>) src(%dma_wait3A_20 : memref<80xi32, #tpu.memory_space<hbm>>) dst(%arg9 : memref<80xi32, #tpu.memory_space<vmem>>)
      %dma_start3A_21 = arith.constant 0 : i32
      %dma_start3A_22 = arith.constant 0 : i32
      %dma_start3A_23 = tpu.memref_slice %arg2[%dma_start3A_21, %dma_start3A_22] : memref<10000x128xf32, #tpu.memory_space<hbm>> -> memref<10000x128xf32, #tpu.memory_space<hbm>>
      tpu.enqueue_indirect_dma source(%dma_start3A_23 : memref<10000x128xf32, #tpu.memory_space<hbm>>) target(%arg10 : memref<80x128xf32, #tpu.memory_space<vmem>>) offsets(%arg8 : memref<80xi32, #tpu.memory_space<vmem>>) semaphore(%arg12 : memref<!tpu.dma_semaphore, #tpu.memory_space<semaphore_mem>>)
      %dma_start3A_24 = arith.constant 0 : i32
      %dma_start3A_25 = arith.constant 0 : i32
      %dma_start3A_26 = tpu.memref_slice %arg3[%dma_start3A_24, %dma_start3A_25] : memref<10000x128xf32, #tpu.memory_space<hbm>> -> memref<10000x128xf32, #tpu.memory_space<hbm>>
      tpu.enqueue_indirect_dma source(%dma_start3A_26 : memref<10000x128xf32, #tpu.memory_space<hbm>>) target(%arg11 : memref<80x128xf32, #tpu.memory_space<vmem>>) offsets(%arg9 : memref<80xi32, #tpu.memory_space<vmem>>) semaphore(%arg13 : memref<!tpu.dma_semaphore, #tpu.memory_space<semaphore_mem>>)
      %dma_wait3A_27 = arith.constant 0 : i32
      %dma_wait3A_28 = arith.constant 0 : i32
      %dma_wait3A_29 = tpu.memref_slice %arg2[%dma_wait3A_27, %dma_wait3A_28] : memref<10000x128xf32, #tpu.memory_space<hbm>> -> memref<10000x128xf32, #tpu.memory_space<hbm>>
      tpu.wait_indirect_dma semaphore(%arg12 : memref<!tpu.dma_semaphore, #tpu.memory_space<semaphore_mem>>) src(%dma_wait3A_29 : memref<10000x128xf32, #tpu.memory_space<hbm>>) dst(%arg10 : memref<80x128xf32, #tpu.memory_space<vmem>>)
      %dma_wait3A_30 = arith.constant 0 : i32
      %dma_wait3A_31 = arith.constant 0 : i32
      %dma_wait3A_32 = tpu.memref_slice %arg3[%dma_wait3A_30, %dma_wait3A_31] : memref<10000x128xf32, #tpu.memory_space<hbm>> -> memref<10000x128xf32, #tpu.memory_space<hbm>>
      tpu.wait_indirect_dma semaphore(%arg13 : memref<!tpu.dma_semaphore, #tpu.memory_space<semaphore_mem>>) src(%dma_wait3A_32 : memref<10000x128xf32, #tpu.memory_space<hbm>>) dst(%arg11 : memref<80x128xf32, #tpu.memory_space<vmem>>)
      %dma_start3A_33 = arith.constant 0 : i32
      %dma_start3A_34 = tpu.memref_slice %arg6[%add3A_14, %dma_start3A_33] : memref<320000x128xf32, #tpu.memory_space<hbm>> -> memref<80x128xf32, #tpu.memory_space<hbm>>
      %dma_start3A_35 = arith.constant 0 : i32
      %dma_start3A_36 = tpu.memref_slice %arg6[%add3A_14, %dma_start3A_35] : memref<320000x128xf32, #tpu.memory_space<hbm>> -> memref<80x128xf32, #tpu.memory_space<hbm>>
      tpu.enqueue_dma source(%arg10 : memref<80x128xf32, #tpu.memory_space<vmem>>) target(%dma_start3A_36 : memref<80x128xf32, #tpu.memory_space<hbm>>) target_semaphore(%arg12 : memref<!tpu.dma_semaphore, #tpu.memory_space<semaphore_mem>>)
      %dma_start3A_37 = arith.constant 0 : i32
      %dma_start3A_38 = tpu.memref_slice %arg7[%add3A_14, %dma_start3A_37] : memref<320000x128xf32, #tpu.memory_space<hbm>> -> memref<80x128xf32, #tpu.memory_space<hbm>>
      %dma_start3A_39 = arith.constant 0 : i32
      %dma_start3A_40 = tpu.memref_slice %arg7[%add3A_14, %dma_start3A_39] : memref<320000x128xf32, #tpu.memory_space<hbm>> -> memref<80x128xf32, #tpu.memory_space<hbm>>
      tpu.enqueue_dma source(%arg11 : memref<80x128xf32, #tpu.memory_space<vmem>>) target(%dma_start3A_40 : memref<80x128xf32, #tpu.memory_space<hbm>>) target_semaphore(%arg13 : memref<!tpu.dma_semaphore, #tpu.memory_space<semaphore_mem>>)
      %dma_wait3A_41 = arith.constant 0 : i32
      %dma_wait3A_42 = tpu.memref_slice %arg6[%add3A_14, %dma_wait3A_41] : memref<320000x128xf32, #tpu.memory_space<hbm>> -> memref<80x128xf32, #tpu.memory_space<hbm>>
      %dma_wait3A_43 = arith.constant 0 : i32
      %dma_wait3A_44 = tpu.memref_slice %arg6[%add3A_14, %dma_wait3A_43] : memref<320000x128xf32, #tpu.memory_space<hbm>> -> memref<80x128xf32, #tpu.memory_space<hbm>>
      tpu.wait_dma2 semaphore(%arg12 : memref<!tpu.dma_semaphore, #tpu.memory_space<semaphore_mem>>) src(%arg10 : memref<80x128xf32, #tpu.memory_space<vmem>>) dst(%dma_wait3A_44 : memref<80x128xf32, #tpu.memory_space<hbm>>)
      %dma_wait3A_45 = arith.constant 0 : i32
      %dma_wait3A_46 = tpu.memref_slice %arg7[%add3A_14, %dma_wait3A_45] : memref<320000x128xf32, #tpu.memory_space<hbm>> -> memref<80x128xf32, #tpu.memory_space<hbm>>
      %dma_wait3A_47 = arith.constant 0 : i32
      %dma_wait3A_48 = tpu.memref_slice %arg7[%add3A_14, %dma_wait3A_47] : memref<320000x128xf32, #tpu.memory_space<hbm>> -> memref<80x128xf32, #tpu.memory_space<hbm>>
      tpu.wait_dma2 semaphore(%arg13 : memref<!tpu.dma_semaphore, #tpu.memory_space<semaphore_mem>>) src(%arg11 : memref<80x128xf32, #tpu.memory_space<vmem>>) dst(%dma_wait3A_48 : memref<80x128xf32, #tpu.memory_space<hbm>>)
    }
    %scan3A_6 = arith.constant 125 : i32
    return
  }
}

#map = affine_map<(d0, d1) -> (0, 0)>
#map1 = affine_map<(d0, d1) -> (0)>
#map2 = affine_map<(d0, d1) -> (0, 0, 0)>
module attributes {stable_mosaic.version = 14 : i64} {
  func.func @_scatter_sc_body(%arg0: i32, %arg1: i32, %arg2: memref<320000x128xf32, #tpu.memory_space<hbm>>, %arg3: memref<320000xi32, #tpu.memory_space<hbm>>, %arg4: memref<2x10000x128xf32, #tpu.memory_space<hbm>>, %arg5: memref<80xi32, #tpu.memory_space<vmem>>, %arg6: memref<80x128xf32, #tpu.memory_space<vmem>>, %arg7: memref<200x128xf32, #tpu.memory_space<vmem>>, %arg8: memref<10000x128xf32, #tpu.memory_space<vmem_shared>>, %arg9: memref<!tpu.dma_semaphore, #tpu.memory_space<semaphore_mem>>, %arg10: memref<!tpu.dma_semaphore, #tpu.memory_space<semaphore_mem>>) attributes {dimension_semantics = [#tpu.dimension_semantics<core_parallel>, #tpu.dimension_semantics<subcore_parallel>], iteration_bounds = array<i64: 2, 16>, scalar_prefetch = 0 : i64, scratch_operands = 6 : i64, tpu.core_type = #tpu.core_type<sc_vector_subcore>, window_params = [{transform_indices = #map}, {transform_indices = #map1}, {transform_indices = #map2}]} {
    %mul3A = arith.constant 16 : i32
    %mul3A_0 = arith.muli %arg0, %mul3A : i32
    %add3A = arith.addi %mul3A_0, %arg1 : i32
    %broadcast_in_dim3A = arith.constant 0.000000e+00 : f32
    %broadcast_in_dim3A_1 = vector.broadcast %broadcast_in_dim3A : f32 to vector<16xf32>
    %scan3A = arith.constant 0 : i32
    %scan3A_2 = arith.constant 200 : i32
    %scan3A_3 = arith.addi %scan3A, %scan3A_2 : i32
    %scan3A_4 = arith.constant 1 : i32
    scf.for %scan3A_24 = %scan3A to %scan3A_3 step %scan3A_4  : i32 {
      %mul3A_25 = arith.constant 1 : i32
      %mul3A_26 = arith.muli %scan3A_24, %mul3A_25 : i32
      %add3A_27 = arith.constant 0 : i32
      %add3A_28 = arith.addi %add3A_27, %mul3A_26 : i32
      %swap3A = arith.index_cast %add3A_28 : i32 to index
      %swap3A_29 = arith.constant 0 : index
      %swap3A_30 = tpu.vector_load %arg7[%swap3A, %swap3A_29] {strides = array<i32>} : memref<200x128xf32, #tpu.memory_space<vmem>>, vector<1x16xf32>,
      %swap3A_31 = vector.shape_cast %swap3A_30 : vector<1x16xf32> to vector<16xf32>
      %swap3A_32 = vector.shape_cast %broadcast_in_dim3A_1 : vector<16xf32> to vector<1x16xf32>
      tpu.vector_store %arg7[%swap3A, %swap3A_29], %swap3A_32 {strides = array<i32>} : memref<200x128xf32, #tpu.memory_space<vmem>>, vector<1x16xf32>,
      %swap3A_33 = arith.index_cast %add3A_28 : i32 to index
      %swap3A_34 = arith.constant 16 : index
      %swap3A_35 = tpu.vector_load %arg7[%swap3A_33, %swap3A_34] {strides = array<i32>} : memref<200x128xf32, #tpu.memory_space<vmem>>, vector<1x16xf32>,
      %swap3A_36 = vector.shape_cast %swap3A_35 : vector<1x16xf32> to vector<16xf32>
      %swap3A_37 = vector.shape_cast %broadcast_in_dim3A_1 : vector<16xf32> to vector<1x16xf32>
      tpu.vector_store %arg7[%swap3A_33, %swap3A_34], %swap3A_37 {strides = array<i32>} : memref<200x128xf32, #tpu.memory_space<vmem>>, vector<1x16xf32>,
      %swap3A_38 = arith.index_cast %add3A_28 : i32 to index
      %swap3A_39 = arith.constant 32 : index
      %swap3A_40 = tpu.vector_load %arg7[%swap3A_38, %swap3A_39] {strides = array<i32>} : memref<200x128xf32, #tpu.memory_space<vmem>>, vector<1x16xf32>,
      %swap3A_41 = vector.shape_cast %swap3A_40 : vector<1x16xf32> to vector<16xf32>
      %swap3A_42 = vector.shape_cast %broadcast_in_dim3A_1 : vector<16xf32> to vector<1x16xf32>
      tpu.vector_store %arg7[%swap3A_38, %swap3A_39], %swap3A_42 {strides = array<i32>} : memref<200x128xf32, #tpu.memory_space<vmem>>, vector<1x16xf32>,
      %swap3A_43 = arith.index_cast %add3A_28 : i32 to index
      %swap3A_44 = arith.constant 48 : index
      %swap3A_45 = tpu.vector_load %arg7[%swap3A_43, %swap3A_44] {strides = array<i32>} : memref<200x128xf32, #tpu.memory_space<vmem>>, vector<1x16xf32>,
      %swap3A_46 = vector.shape_cast %swap3A_45 : vector<1x16xf32> to vector<16xf32>
      %swap3A_47 = vector.shape_cast %broadcast_in_dim3A_1 : vector<16xf32> to vector<1x16xf32>
      tpu.vector_store %arg7[%swap3A_43, %swap3A_44], %swap3A_47 {strides = array<i32>} : memref<200x128xf32, #tpu.memory_space<vmem>>, vector<1x16xf32>,
      %swap3A_48 = arith.index_cast %add3A_28 : i32 to index
      %swap3A_49 = arith.constant 64 : index
      %swap3A_50 = tpu.vector_load %arg7[%swap3A_48, %swap3A_49] {strides = array<i32>} : memref<200x128xf32, #tpu.memory_space<vmem>>, vector<1x16xf32>,
      %swap3A_51 = vector.shape_cast %swap3A_50 : vector<1x16xf32> to vector<16xf32>
      %swap3A_52 = vector.shape_cast %broadcast_in_dim3A_1 : vector<16xf32> to vector<1x16xf32>
      tpu.vector_store %arg7[%swap3A_48, %swap3A_49], %swap3A_52 {strides = array<i32>} : memref<200x128xf32, #tpu.memory_space<vmem>>, vector<1x16xf32>,
      %swap3A_53 = arith.index_cast %add3A_28 : i32 to index
      %swap3A_54 = arith.constant 80 : index
      %swap3A_55 = tpu.vector_load %arg7[%swap3A_53, %swap3A_54] {strides = array<i32>} : memref<200x128xf32, #tpu.memory_space<vmem>>, vector<1x16xf32>,
      %swap3A_56 = vector.shape_cast %swap3A_55 : vector<1x16xf32> to vector<16xf32>
      %swap3A_57 = vector.shape_cast %broadcast_in_dim3A_1 : vector<16xf32> to vector<1x16xf32>
      tpu.vector_store %arg7[%swap3A_53, %swap3A_54], %swap3A_57 {strides = array<i32>} : memref<200x128xf32, #tpu.memory_space<vmem>>, vector<1x16xf32>,
      %swap3A_58 = arith.index_cast %add3A_28 : i32 to index
      %swap3A_59 = arith.constant 96 : index
      %swap3A_60 = tpu.vector_load %arg7[%swap3A_58, %swap3A_59] {strides = array<i32>} : memref<200x128xf32, #tpu.memory_space<vmem>>, vector<1x16xf32>,
      %swap3A_61 = vector.shape_cast %swap3A_60 : vector<1x16xf32> to vector<16xf32>
      %swap3A_62 = vector.shape_cast %broadcast_in_dim3A_1 : vector<16xf32> to vector<1x16xf32>
      tpu.vector_store %arg7[%swap3A_58, %swap3A_59], %swap3A_62 {strides = array<i32>} : memref<200x128xf32, #tpu.memory_space<vmem>>, vector<1x16xf32>,
      %swap3A_63 = arith.index_cast %add3A_28 : i32 to index
      %swap3A_64 = arith.constant 112 : index
      %swap3A_65 = tpu.vector_load %arg7[%swap3A_63, %swap3A_64] {strides = array<i32>} : memref<200x128xf32, #tpu.memory_space<vmem>>, vector<1x16xf32>,
      %swap3A_66 = vector.shape_cast %swap3A_65 : vector<1x16xf32> to vector<16xf32>
      %swap3A_67 = vector.shape_cast %broadcast_in_dim3A_1 : vector<16xf32> to vector<1x16xf32>
      tpu.vector_store %arg7[%swap3A_63, %swap3A_64], %swap3A_67 {strides = array<i32>} : memref<200x128xf32, #tpu.memory_space<vmem>>, vector<1x16xf32>,
    }
    %scan3A_5 = arith.constant 200 : i32
    %scan3A_6 = arith.constant 0 : i32
    %scan3A_7 = arith.constant 4 : i32
    %scan3A_8 = arith.addi %scan3A_6, %scan3A_7 : i32
    %scan3A_9 = arith.constant 1 : i32
    scf.for %scan3A_24 = %scan3A_6 to %scan3A_8 step %scan3A_9  : i32 {
      %mul3A_25 = arith.constant 1 : i32
      %mul3A_26 = arith.muli %scan3A_24, %mul3A_25 : i32
      %add3A_27 = arith.constant 0 : i32
      %add3A_28 = arith.addi %add3A_27, %mul3A_26 : i32
      %mul3A_29 = arith.constant 16 : i32
      %mul3A_30 = arith.muli %add3A_28, %mul3A_29 : i32
      %add3A_31 = arith.addi %arg1, %mul3A_30 : i32
      %lt3A = arith.constant 50 : i32
      %lt3A_32 = arith.cmpi slt, %add3A_31, %lt3A : i32
      %convert_element_type3A = arith.extui %lt3A_32 : i1 to i32
      %cond3A = arith.constant 0 : i32
      %cond3A_33 = arith.cmpi ne, %convert_element_type3A, %cond3A : i32
      scf.if %cond3A_33 {
        %mul3A_34 = arith.constant 200 : i32
        %mul3A_35 = arith.muli %add3A_31, %mul3A_34 : i32
        "tpu.region"() ({
          %run_scoped3A = tpu.sem_alloc : memref<!tpu.dma_semaphore, #tpu.memory_space<semaphore_mem>>
          %dma_start3A = arith.constant 0 : i32
          %dma_start3A_36 = tpu.memref_slice %arg8[%mul3A_35, %dma_start3A] : memref<10000x128xf32, #tpu.memory_space<vmem_shared>> -> memref<200x128xf32, #tpu.memory_space<vmem_shared>>
          %dma_start3A_37 = arith.constant 0 : i32
          %dma_start3A_38 = tpu.memref_slice %arg8[%mul3A_35, %dma_start3A_37] : memref<10000x128xf32, #tpu.memory_space<vmem_shared>> -> memref<200x128xf32, #tpu.memory_space<vmem_shared>>
          tpu.enqueue_dma source(%arg7 : memref<200x128xf32, #tpu.memory_space<vmem>>) target(%dma_start3A_38 : memref<200x128xf32, #tpu.memory_space<vmem_shared>>) target_semaphore(%run_scoped3A : memref<!tpu.dma_semaphore, #tpu.memory_space<semaphore_mem>>)
          %dma_wait3A = arith.constant 0 : i32
          %dma_wait3A_39 = tpu.memref_slice %arg8[%mul3A_35, %dma_wait3A] : memref<10000x128xf32, #tpu.memory_space<vmem_shared>> -> memref<200x128xf32, #tpu.memory_space<vmem_shared>>
          %dma_wait3A_40 = arith.constant 0 : i32
          %dma_wait3A_41 = tpu.memref_slice %arg8[%mul3A_35, %dma_wait3A_40] : memref<10000x128xf32, #tpu.memory_space<vmem_shared>> -> memref<200x128xf32, #tpu.memory_space<vmem_shared>>
          tpu.wait_dma2 semaphore(%run_scoped3A : memref<!tpu.dma_semaphore, #tpu.memory_space<semaphore_mem>>) src(%arg7 : memref<200x128xf32, #tpu.memory_space<vmem>>) dst(%dma_wait3A_41 : memref<200x128xf32, #tpu.memory_space<vmem_shared>>)
          tpu.yield
        }) : () -> ()
      } else {
      }
    }
    %scan3A_10 = arith.constant 4 : i32
    %barrier3A = arith.constant 0 : index
    tpu.barrier barrier_id(%barrier3A)
    %mul3A_11 = arith.constant 10000 : i32
    %mul3A_12 = arith.muli %add3A, %mul3A_11 : i32
    %scan3A_13 = arith.constant 0 : i32
    %scan3A_14 = arith.constant 125 : i32
    %scan3A_15 = arith.addi %scan3A_13, %scan3A_14 : i32
    %scan3A_16 = arith.constant 1 : i32
    scf.for %scan3A_24 = %scan3A_13 to %scan3A_15 step %scan3A_16  : i32 {
      %mul3A_25 = arith.constant 1 : i32
      %mul3A_26 = arith.muli %scan3A_24, %mul3A_25 : i32
      %add3A_27 = arith.constant 0 : i32
      %add3A_28 = arith.addi %add3A_27, %mul3A_26 : i32
      %mul3A_29 = arith.constant 80 : i32
      %mul3A_30 = arith.muli %add3A_28, %mul3A_29 : i32
      %add3A_31 = arith.addi %mul3A_12, %mul3A_30 : i32
      %dma_start3A = tpu.memref_slice %arg3[%add3A_31] : memref<320000xi32, #tpu.memory_space<hbm>> -> memref<80xi32, #tpu.memory_space<hbm>>
      %dma_start3A_32 = tpu.memref_slice %arg3[%add3A_31] : memref<320000xi32, #tpu.memory_space<hbm>> -> memref<80xi32, #tpu.memory_space<hbm>>
      tpu.enqueue_dma source(%dma_start3A_32 : memref<80xi32, #tpu.memory_space<hbm>>) target(%arg5 : memref<80xi32, #tpu.memory_space<vmem>>) target_semaphore(%arg9 : memref<!tpu.dma_semaphore, #tpu.memory_space<semaphore_mem>>)
      %dma_start3A_33 = arith.constant 0 : i32
      %dma_start3A_34 = tpu.memref_slice %arg2[%add3A_31, %dma_start3A_33] : memref<320000x128xf32, #tpu.memory_space<hbm>> -> memref<80x128xf32, #tpu.memory_space<hbm>>
      %dma_start3A_35 = arith.constant 0 : i32
      %dma_start3A_36 = tpu.memref_slice %arg2[%add3A_31, %dma_start3A_35] : memref<320000x128xf32, #tpu.memory_space<hbm>> -> memref<80x128xf32, #tpu.memory_space<hbm>>
      tpu.enqueue_dma source(%dma_start3A_36 : memref<80x128xf32, #tpu.memory_space<hbm>>) target(%arg6 : memref<80x128xf32, #tpu.memory_space<vmem>>) target_semaphore(%arg10 : memref<!tpu.dma_semaphore, #tpu.memory_space<semaphore_mem>>)
      %dma_wait3A = tpu.memref_slice %arg3[%add3A_31] : memref<320000xi32, #tpu.memory_space<hbm>> -> memref<80xi32, #tpu.memory_space<hbm>>
      %dma_wait3A_37 = tpu.memref_slice %arg3[%add3A_31] : memref<320000xi32, #tpu.memory_space<hbm>> -> memref<80xi32, #tpu.memory_space<hbm>>
      tpu.wait_dma2 semaphore(%arg9 : memref<!tpu.dma_semaphore, #tpu.memory_space<semaphore_mem>>) src(%dma_wait3A_37 : memref<80xi32, #tpu.memory_space<hbm>>) dst(%arg5 : memref<80xi32, #tpu.memory_space<vmem>>)
      %dma_wait3A_38 = arith.constant 0 : i32
      %dma_wait3A_39 = tpu.memref_slice %arg2[%add3A_31, %dma_wait3A_38] : memref<320000x128xf32, #tpu.memory_space<hbm>> -> memref<80x128xf32, #tpu.memory_space<hbm>>
      %dma_wait3A_40 = arith.constant 0 : i32
      %dma_wait3A_41 = tpu.memref_slice %arg2[%add3A_31, %dma_wait3A_40] : memref<320000x128xf32, #tpu.memory_space<hbm>> -> memref<80x128xf32, #tpu.memory_space<hbm>>
      tpu.wait_dma2 semaphore(%arg10 : memref<!tpu.dma_semaphore, #tpu.memory_space<semaphore_mem>>) src(%dma_wait3A_41 : memref<80x128xf32, #tpu.memory_space<hbm>>) dst(%arg6 : memref<80x128xf32, #tpu.memory_space<vmem>>)
      "tpu.region"() ({
        %run_scoped3A = tpu.sem_alloc : memref<!tpu.dma_semaphore, #tpu.memory_space<semaphore_mem>>
        %dma_start3A_42 = arith.constant 0 : i32
        %dma_start3A_43 = arith.constant 0 : i32
        %dma_start3A_44 = tpu.memref_slice %arg8[%dma_start3A_42, %dma_start3A_43] : memref<10000x128xf32, #tpu.memory_space<vmem_shared>> -> memref<10000x128xf32, #tpu.memory_space<vmem_shared>>
        tpu.enqueue_indirect_dma source(%arg6 : memref<80x128xf32, #tpu.memory_space<vmem>>) target(%dma_start3A_44 : memref<10000x128xf32, #tpu.memory_space<vmem_shared>>) offsets(%arg5 : memref<80xi32, #tpu.memory_space<vmem>>) semaphore(%run_scoped3A : memref<!tpu.dma_semaphore, #tpu.memory_space<semaphore_mem>>) {add = true}
        %dma_wait3A_45 = arith.constant 0 : i32
        %dma_wait3A_46 = arith.constant 0 : i32
        %dma_wait3A_47 = tpu.memref_slice %arg8[%dma_wait3A_45, %dma_wait3A_46] : memref<10000x128xf32, #tpu.memory_space<vmem_shared>> -> memref<10000x128xf32, #tpu.memory_space<vmem_shared>>
        tpu.wait_indirect_dma semaphore(%run_scoped3A : memref<!tpu.dma_semaphore, #tpu.memory_space<semaphore_mem>>) src(%arg6 : memref<80x128xf32, #tpu.memory_space<vmem>>) dst(%dma_wait3A_47 : memref<10000x128xf32, #tpu.memory_space<vmem_shared>>)
        tpu.yield
      }) : () -> ()
    }
    %scan3A_17 = arith.constant 125 : i32
    %barrier3A_18 = arith.constant 0 : index
    tpu.barrier barrier_id(%barrier3A_18)
    %scan3A_19 = arith.constant 0 : i32
    %scan3A_20 = arith.constant 4 : i32
    %scan3A_21 = arith.addi %scan3A_19, %scan3A_20 : i32
    %scan3A_22 = arith.constant 1 : i32
    scf.for %scan3A_24 = %scan3A_19 to %scan3A_21 step %scan3A_22  : i32 {
      %mul3A_25 = arith.constant 1 : i32
      %mul3A_26 = arith.muli %scan3A_24, %mul3A_25 : i32
      %add3A_27 = arith.constant 0 : i32
      %add3A_28 = arith.addi %add3A_27, %mul3A_26 : i32
      %mul3A_29 = arith.constant 16 : i32
      %mul3A_30 = arith.muli %add3A_28, %mul3A_29 : i32
      %add3A_31 = arith.addi %arg1, %mul3A_30 : i32
      %lt3A = arith.constant 50 : i32
      %lt3A_32 = arith.cmpi slt, %add3A_31, %lt3A : i32
      %convert_element_type3A = arith.extui %lt3A_32 : i1 to i32
      %cond3A = arith.constant 0 : i32
      %cond3A_33 = arith.cmpi ne, %convert_element_type3A, %cond3A : i32
      scf.if %cond3A_33 {
        %mul3A_34 = arith.constant 200 : i32
        %mul3A_35 = arith.muli %add3A_31, %mul3A_34 : i32
        %mul3A_36 = arith.constant 200 : i32
        %mul3A_37 = arith.muli %add3A_31, %mul3A_36 : i32
        "tpu.region"() ({
          %run_scoped3A = tpu.sem_alloc : memref<!tpu.dma_semaphore, #tpu.memory_space<semaphore_mem>>
          %dma_start3A = arith.constant 0 : i32
          %dma_start3A_38 = tpu.memref_slice %arg4[%arg0, %mul3A_37, %dma_start3A] : memref<2x10000x128xf32, #tpu.memory_space<hbm>> -> memref<1x200x128xf32, #tpu.memory_space<hbm>>
          %dma_start3A_39 = tpu.memref_squeeze %dma_start3A_38 : memref<1x200x128xf32, #tpu.memory_space<hbm>> -> memref<200x128xf32, #tpu.memory_space<hbm>>
          %dma_start3A_40 = arith.constant 0 : i32
          %dma_start3A_41 = tpu.memref_slice %arg8[%mul3A_35, %dma_start3A_40] : memref<10000x128xf32, #tpu.memory_space<vmem_shared>> -> memref<200x128xf32, #tpu.memory_space<vmem_shared>>
          tpu.enqueue_dma source(%dma_start3A_41 : memref<200x128xf32, #tpu.memory_space<vmem_shared>>) target(%dma_start3A_39 : memref<200x128xf32, #tpu.memory_space<hbm>>) target_semaphore(%run_scoped3A : memref<!tpu.dma_semaphore, #tpu.memory_space<semaphore_mem>>)
          %dma_wait3A = arith.constant 0 : i32
          %dma_wait3A_42 = tpu.memref_slice %arg4[%arg0, %mul3A_37, %dma_wait3A] : memref<2x10000x128xf32, #tpu.memory_space<hbm>> -> memref<1x200x128xf32, #tpu.memory_space<hbm>>
          %dma_wait3A_43 = tpu.memref_squeeze %dma_wait3A_42 : memref<1x200x128xf32, #tpu.memory_space<hbm>> -> memref<200x128xf32, #tpu.memory_space<hbm>>
          %dma_wait3A_44 = arith.constant 0 : i32
          %dma_wait3A_45 = tpu.memref_slice %arg8[%mul3A_35, %dma_wait3A_44] : memref<10000x128xf32, #tpu.memory_space<vmem_shared>> -> memref<200x128xf32, #tpu.memory_space<vmem_shared>>
          tpu.wait_dma2 semaphore(%run_scoped3A : memref<!tpu.dma_semaphore, #tpu.memory_space<semaphore_mem>>) src(%dma_wait3A_45 : memref<200x128xf32, #tpu.memory_space<vmem_shared>>) dst(%dma_wait3A_43 : memref<200x128xf32, #tpu.memory_space<hbm>>)
          tpu.yield
        }) : () -> ()
      } else {
      }
    }
    %scan3A_23 = arith.constant 4 : i32
    return
  }
}

#map = affine_map<(d0, d1) -> (0, 0)>
#map1 = affine_map<(d0, d1) -> (0)>
module attributes {stable_mosaic.version = 14 : i64} {
  func.func @_gather_sc_body(%arg0: i32, %arg1: i32, %arg2: memref<10000x128xf32, #tpu.memory_space<hbm>>, %arg3: memref<10000x128xf32, #tpu.memory_space<hbm>>, %arg4: memref<320000xi32, #tpu.memory_space<hbm>>, %arg5: memref<320000xi32, #tpu.memory_space<hbm>>, %arg6: memref<320000x128xf32, #tpu.memory_space<hbm>>, %arg7: memref<320000x128xf32, #tpu.memory_space<hbm>>, %arg8: memref<80xi32, #tpu.memory_space<vmem>>, %arg9: memref<80xi32, #tpu.memory_space<vmem>>, %arg10: memref<80x128xf32, #tpu.memory_space<vmem>>, %arg11: memref<80x128xf32, #tpu.memory_space<vmem>>, %arg12: memref<!tpu.dma_semaphore, #tpu.memory_space<semaphore_mem>>, %arg13: memref<!tpu.dma_semaphore, #tpu.memory_space<semaphore_mem>>) attributes {dimension_semantics = [#tpu.dimension_semantics<core_parallel>, #tpu.dimension_semantics<subcore_parallel>], iteration_bounds = array<i64: 2, 16>, scalar_prefetch = 0 : i64, scratch_operands = 6 : i64, tpu.core_type = #tpu.core_type<sc_vector_subcore>, window_params = [{transform_indices = #map}, {transform_indices = #map}, {transform_indices = #map1}, {transform_indices = #map1}, {transform_indices = #map}, {transform_indices = #map}]} {
    %mul3A = arith.constant 16 : i32
    %mul3A_0 = arith.muli %arg0, %mul3A : i32
    %add3A = arith.addi %mul3A_0, %arg1 : i32
    %mul3A_1 = arith.constant 10000 : i32
    %mul3A_2 = arith.muli %add3A, %mul3A_1 : i32
    %scan3A = arith.constant 0 : i32
    %scan3A_3 = arith.constant 125 : i32
    %scan3A_4 = arith.addi %scan3A, %scan3A_3 : i32
    %scan3A_5 = arith.constant 1 : i32
    scf.for %scan3A_7 = %scan3A to %scan3A_4 step %scan3A_5  : i32 {
      %mul3A_8 = arith.constant 1 : i32
      %mul3A_9 = arith.muli %scan3A_7, %mul3A_8 : i32
      %add3A_10 = arith.constant 0 : i32
      %add3A_11 = arith.addi %add3A_10, %mul3A_9 : i32
      %mul3A_12 = arith.constant 80 : i32
      %mul3A_13 = arith.muli %add3A_11, %mul3A_12 : i32
      %add3A_14 = arith.addi %mul3A_2, %mul3A_13 : i32
      %dma_start3A = tpu.memref_slice %arg4[%add3A_14] : memref<320000xi32, #tpu.memory_space<hbm>> -> memref<80xi32, #tpu.memory_space<hbm>>
      %dma_start3A_15 = tpu.memref_slice %arg4[%add3A_14] : memref<320000xi32, #tpu.memory_space<hbm>> -> memref<80xi32, #tpu.memory_space<hbm>>
      tpu.enqueue_dma source(%dma_start3A_15 : memref<80xi32, #tpu.memory_space<hbm>>) target(%arg8 : memref<80xi32, #tpu.memory_space<vmem>>) target_semaphore(%arg12 : memref<!tpu.dma_semaphore, #tpu.memory_space<semaphore_mem>>)
      %dma_start3A_16 = tpu.memref_slice %arg5[%add3A_14] : memref<320000xi32, #tpu.memory_space<hbm>> -> memref<80xi32, #tpu.memory_space<hbm>>
      %dma_start3A_17 = tpu.memref_slice %arg5[%add3A_14] : memref<320000xi32, #tpu.memory_space<hbm>> -> memref<80xi32, #tpu.memory_space<hbm>>
      tpu.enqueue_dma source(%dma_start3A_17 : memref<80xi32, #tpu.memory_space<hbm>>) target(%arg9 : memref<80xi32, #tpu.memory_space<vmem>>) target_semaphore(%arg13 : memref<!tpu.dma_semaphore, #tpu.memory_space<semaphore_mem>>)
      %dma_wait3A = tpu.memref_slice %arg4[%add3A_14] : memref<320000xi32, #tpu.memory_space<hbm>> -> memref<80xi32, #tpu.memory_space<hbm>>
      %dma_wait3A_18 = tpu.memref_slice %arg4[%add3A_14] : memref<320000xi32, #tpu.memory_space<hbm>> -> memref<80xi32, #tpu.memory_space<hbm>>
      tpu.wait_dma2 semaphore(%arg12 : memref<!tpu.dma_semaphore, #tpu.memory_space<semaphore_mem>>) src(%dma_wait3A_18 : memref<80xi32, #tpu.memory_space<hbm>>) dst(%arg8 : memref<80xi32, #tpu.memory_space<vmem>>)
      %dma_wait3A_19 = tpu.memref_slice %arg5[%add3A_14] : memref<320000xi32, #tpu.memory_space<hbm>> -> memref<80xi32, #tpu.memory_space<hbm>>
      %dma_wait3A_20 = tpu.memref_slice %arg5[%add3A_14] : memref<320000xi32, #tpu.memory_space<hbm>> -> memref<80xi32, #tpu.memory_space<hbm>>
      tpu.wait_dma2 semaphore(%arg13 : memref<!tpu.dma_semaphore, #tpu.memory_space<semaphore_mem>>) src(%dma_wait3A_20 : memref<80xi32, #tpu.memory_space<hbm>>) dst(%arg9 : memref<80xi32, #tpu.memory_space<vmem>>)
      %dma_start3A_21 = arith.constant 0 : i32
      %dma_start3A_22 = arith.constant 0 : i32
      %dma_start3A_23 = tpu.memref_slice %arg2[%dma_start3A_21, %dma_start3A_22] : memref<10000x128xf32, #tpu.memory_space<hbm>> -> memref<10000x128xf32, #tpu.memory_space<hbm>>
      tpu.enqueue_indirect_dma source(%dma_start3A_23 : memref<10000x128xf32, #tpu.memory_space<hbm>>) target(%arg10 : memref<80x128xf32, #tpu.memory_space<vmem>>) offsets(%arg8 : memref<80xi32, #tpu.memory_space<vmem>>) semaphore(%arg12 : memref<!tpu.dma_semaphore, #tpu.memory_space<semaphore_mem>>)
      %dma_start3A_24 = arith.constant 0 : i32
      %dma_start3A_25 = arith.constant 0 : i32
      %dma_start3A_26 = tpu.memref_slice %arg3[%dma_start3A_24, %dma_start3A_25] : memref<10000x128xf32, #tpu.memory_space<hbm>> -> memref<10000x128xf32, #tpu.memory_space<hbm>>
      tpu.enqueue_indirect_dma source(%dma_start3A_26 : memref<10000x128xf32, #tpu.memory_space<hbm>>) target(%arg11 : memref<80x128xf32, #tpu.memory_space<vmem>>) offsets(%arg9 : memref<80xi32, #tpu.memory_space<vmem>>) semaphore(%arg13 : memref<!tpu.dma_semaphore, #tpu.memory_space<semaphore_mem>>)
      %dma_wait3A_27 = arith.constant 0 : i32
      %dma_wait3A_28 = arith.constant 0 : i32
      %dma_wait3A_29 = tpu.memref_slice %arg2[%dma_wait3A_27, %dma_wait3A_28] : memref<10000x128xf32, #tpu.memory_space<hbm>> -> memref<10000x128xf32, #tpu.memory_space<hbm>>
      tpu.wait_indirect_dma semaphore(%arg12 : memref<!tpu.dma_semaphore, #tpu.memory_space<semaphore_mem>>) src(%dma_wait3A_29 : memref<10000x128xf32, #tpu.memory_space<hbm>>) dst(%arg10 : memref<80x128xf32, #tpu.memory_space<vmem>>)
      %dma_wait3A_30 = arith.constant 0 : i32
      %dma_wait3A_31 = arith.constant 0 : i32
      %dma_wait3A_32 = tpu.memref_slice %arg3[%dma_wait3A_30, %dma_wait3A_31] : memref<10000x128xf32, #tpu.memory_space<hbm>> -> memref<10000x128xf32, #tpu.memory_space<hbm>>
      tpu.wait_indirect_dma semaphore(%arg13 : memref<!tpu.dma_semaphore, #tpu.memory_space<semaphore_mem>>) src(%dma_wait3A_32 : memref<10000x128xf32, #tpu.memory_space<hbm>>) dst(%arg11 : memref<80x128xf32, #tpu.memory_space<vmem>>)
      %dma_start3A_33 = arith.constant 0 : i32
      %dma_start3A_34 = tpu.memref_slice %arg6[%add3A_14, %dma_start3A_33] : memref<320000x128xf32, #tpu.memory_space<hbm>> -> memref<80x128xf32, #tpu.memory_space<hbm>>
      %dma_start3A_35 = arith.constant 0 : i32
      %dma_start3A_36 = tpu.memref_slice %arg6[%add3A_14, %dma_start3A_35] : memref<320000x128xf32, #tpu.memory_space<hbm>> -> memref<80x128xf32, #tpu.memory_space<hbm>>
      tpu.enqueue_dma source(%arg10 : memref<80x128xf32, #tpu.memory_space<vmem>>) target(%dma_start3A_36 : memref<80x128xf32, #tpu.memory_space<hbm>>) target_semaphore(%arg12 : memref<!tpu.dma_semaphore, #tpu.memory_space<semaphore_mem>>)
      %dma_start3A_37 = arith.constant 0 : i32
      %dma_start3A_38 = tpu.memref_slice %arg7[%add3A_14, %dma_start3A_37] : memref<320000x128xf32, #tpu.memory_space<hbm>> -> memref<80x128xf32, #tpu.memory_space<hbm>>
      %dma_start3A_39 = arith.constant 0 : i32
      %dma_start3A_40 = tpu.memref_slice %arg7[%add3A_14, %dma_start3A_39] : memref<320000x128xf32, #tpu.memory_space<hbm>> -> memref<80x128xf32, #tpu.memory_space<hbm>>
      tpu.enqueue_dma source(%arg11 : memref<80x128xf32, #tpu.memory_space<vmem>>) target(%dma_start3A_40 : memref<80x128xf32, #tpu.memory_space<hbm>>) target_semaphore(%arg13 : memref<!tpu.dma_semaphore, #tpu.memory_space<semaphore_mem>>)
      %dma_wait3A_41 = arith.constant 0 : i32
      %dma_wait3A_42 = tpu.memref_slice %arg6[%add3A_14, %dma_wait3A_41] : memref<320000x128xf32, #tpu.memory_space<hbm>> -> memref<80x128xf32, #tpu.memory_space<hbm>>
      %dma_wait3A_43 = arith.constant 0 : i32
      %dma_wait3A_44 = tpu.memref_slice %arg6[%add3A_14, %dma_wait3A_43] : memref<320000x128xf32, #tpu.memory_space<hbm>> -> memref<80x128xf32, #tpu.memory_space<hbm>>
      tpu.wait_dma2 semaphore(%arg12 : memref<!tpu.dma_semaphore, #tpu.memory_space<semaphore_mem>>) src(%arg10 : memref<80x128xf32, #tpu.memory_space<vmem>>) dst(%dma_wait3A_44 : memref<80x128xf32, #tpu.memory_space<hbm>>)
      %dma_wait3A_45 = arith.constant 0 : i32
      %dma_wait3A_46 = tpu.memref_slice %arg7[%add3A_14, %dma_wait3A_45] : memref<320000x128xf32, #tpu.memory_space<hbm>> -> memref<80x128xf32, #tpu.memory_space<hbm>>
      %dma_wait3A_47 = arith.constant 0 : i32
      %dma_wait3A_48 = tpu.memref_slice %arg7[%add3A_14, %dma_wait3A_47] : memref<320000x128xf32, #tpu.memory_space<hbm>> -> memref<80x128xf32, #tpu.memory_space<hbm>>
      tpu.wait_dma2 semaphore(%arg13 : memref<!tpu.dma_semaphore, #tpu.memory_space<semaphore_mem>>) src(%arg11 : memref<80x128xf32, #tpu.memory_space<vmem>>) dst(%dma_wait3A_48 : memref<80x128xf32, #tpu.memory_space<hbm>>)
    }
    %scan3A_6 = arith.constant 125 : i32
    return
  }
}

#map = affine_map<(d0, d1) -> (0, 0)>
#map1 = affine_map<(d0, d1) -> (0)>
#map2 = affine_map<(d0, d1) -> (0, 0, 0)>
module attributes {stable_mosaic.version = 14 : i64} {
  func.func @_scatter_sc_body(%arg0: i32, %arg1: i32, %arg2: memref<320000x128xf32, #tpu.memory_space<hbm>>, %arg3: memref<320000xi32, #tpu.memory_space<hbm>>, %arg4: memref<2x10000x128xf32, #tpu.memory_space<hbm>>, %arg5: memref<80xi32, #tpu.memory_space<vmem>>, %arg6: memref<80x128xf32, #tpu.memory_space<vmem>>, %arg7: memref<200x128xf32, #tpu.memory_space<vmem>>, %arg8: memref<10000x128xf32, #tpu.memory_space<vmem_shared>>, %arg9: memref<!tpu.dma_semaphore, #tpu.memory_space<semaphore_mem>>, %arg10: memref<!tpu.dma_semaphore, #tpu.memory_space<semaphore_mem>>) attributes {dimension_semantics = [#tpu.dimension_semantics<core_parallel>, #tpu.dimension_semantics<subcore_parallel>], iteration_bounds = array<i64: 2, 16>, scalar_prefetch = 0 : i64, scratch_operands = 6 : i64, tpu.core_type = #tpu.core_type<sc_vector_subcore>, window_params = [{transform_indices = #map}, {transform_indices = #map1}, {transform_indices = #map2}]} {
    %mul3A = arith.constant 16 : i32
    %mul3A_0 = arith.muli %arg0, %mul3A : i32
    %add3A = arith.addi %mul3A_0, %arg1 : i32
    %broadcast_in_dim3A = arith.constant 0.000000e+00 : f32
    %broadcast_in_dim3A_1 = vector.broadcast %broadcast_in_dim3A : f32 to vector<16xf32>
    %scan3A = arith.constant 0 : i32
    %scan3A_2 = arith.constant 200 : i32
    %scan3A_3 = arith.addi %scan3A, %scan3A_2 : i32
    %scan3A_4 = arith.constant 1 : i32
    scf.for %scan3A_24 = %scan3A to %scan3A_3 step %scan3A_4  : i32 {
      %mul3A_25 = arith.constant 1 : i32
      %mul3A_26 = arith.muli %scan3A_24, %mul3A_25 : i32
      %add3A_27 = arith.constant 0 : i32
      %add3A_28 = arith.addi %add3A_27, %mul3A_26 : i32
      %swap3A = arith.index_cast %add3A_28 : i32 to index
      %swap3A_29 = arith.constant 0 : index
      %swap3A_30 = tpu.vector_load %arg7[%swap3A, %swap3A_29] {strides = array<i32>} : memref<200x128xf32, #tpu.memory_space<vmem>>, vector<1x16xf32>,
      %swap3A_31 = vector.shape_cast %swap3A_30 : vector<1x16xf32> to vector<16xf32>
      %swap3A_32 = vector.shape_cast %broadcast_in_dim3A_1 : vector<16xf32> to vector<1x16xf32>
      tpu.vector_store %arg7[%swap3A, %swap3A_29], %swap3A_32 {strides = array<i32>} : memref<200x128xf32, #tpu.memory_space<vmem>>, vector<1x16xf32>,
      %swap3A_33 = arith.index_cast %add3A_28 : i32 to index
      %swap3A_34 = arith.constant 16 : index
      %swap3A_35 = tpu.vector_load %arg7[%swap3A_33, %swap3A_34] {strides = array<i32>} : memref<200x128xf32, #tpu.memory_space<vmem>>, vector<1x16xf32>,
      %swap3A_36 = vector.shape_cast %swap3A_35 : vector<1x16xf32> to vector<16xf32>
      %swap3A_37 = vector.shape_cast %broadcast_in_dim3A_1 : vector<16xf32> to vector<1x16xf32>
      tpu.vector_store %arg7[%swap3A_33, %swap3A_34], %swap3A_37 {strides = array<i32>} : memref<200x128xf32, #tpu.memory_space<vmem>>, vector<1x16xf32>,
      %swap3A_38 = arith.index_cast %add3A_28 : i32 to index
      %swap3A_39 = arith.constant 32 : index
      %swap3A_40 = tpu.vector_load %arg7[%swap3A_38, %swap3A_39] {strides = array<i32>} : memref<200x128xf32, #tpu.memory_space<vmem>>, vector<1x16xf32>,
      %swap3A_41 = vector.shape_cast %swap3A_40 : vector<1x16xf32> to vector<16xf32>
      %swap3A_42 = vector.shape_cast %broadcast_in_dim3A_1 : vector<16xf32> to vector<1x16xf32>
      tpu.vector_store %arg7[%swap3A_38, %swap3A_39], %swap3A_42 {strides = array<i32>} : memref<200x128xf32, #tpu.memory_space<vmem>>, vector<1x16xf32>,
      %swap3A_43 = arith.index_cast %add3A_28 : i32 to index
      %swap3A_44 = arith.constant 48 : index
      %swap3A_45 = tpu.vector_load %arg7[%swap3A_43, %swap3A_44] {strides = array<i32>} : memref<200x128xf32, #tpu.memory_space<vmem>>, vector<1x16xf32>,
      %swap3A_46 = vector.shape_cast %swap3A_45 : vector<1x16xf32> to vector<16xf32>
      %swap3A_47 = vector.shape_cast %broadcast_in_dim3A_1 : vector<16xf32> to vector<1x16xf32>
      tpu.vector_store %arg7[%swap3A_43, %swap3A_44], %swap3A_47 {strides = array<i32>} : memref<200x128xf32, #tpu.memory_space<vmem>>, vector<1x16xf32>,
      %swap3A_48 = arith.index_cast %add3A_28 : i32 to index
      %swap3A_49 = arith.constant 64 : index
      %swap3A_50 = tpu.vector_load %arg7[%swap3A_48, %swap3A_49] {strides = array<i32>} : memref<200x128xf32, #tpu.memory_space<vmem>>, vector<1x16xf32>,
      %swap3A_51 = vector.shape_cast %swap3A_50 : vector<1x16xf32> to vector<16xf32>
      %swap3A_52 = vector.shape_cast %broadcast_in_dim3A_1 : vector<16xf32> to vector<1x16xf32>
      tpu.vector_store %arg7[%swap3A_48, %swap3A_49], %swap3A_52 {strides = array<i32>} : memref<200x128xf32, #tpu.memory_space<vmem>>, vector<1x16xf32>,
      %swap3A_53 = arith.index_cast %add3A_28 : i32 to index
      %swap3A_54 = arith.constant 80 : index
      %swap3A_55 = tpu.vector_load %arg7[%swap3A_53, %swap3A_54] {strides = array<i32>} : memref<200x128xf32, #tpu.memory_space<vmem>>, vector<1x16xf32>,
      %swap3A_56 = vector.shape_cast %swap3A_55 : vector<1x16xf32> to vector<16xf32>
      %swap3A_57 = vector.shape_cast %broadcast_in_dim3A_1 : vector<16xf32> to vector<1x16xf32>
      tpu.vector_store %arg7[%swap3A_53, %swap3A_54], %swap3A_57 {strides = array<i32>} : memref<200x128xf32, #tpu.memory_space<vmem>>, vector<1x16xf32>,
      %swap3A_58 = arith.index_cast %add3A_28 : i32 to index
      %swap3A_59 = arith.constant 96 : index
      %swap3A_60 = tpu.vector_load %arg7[%swap3A_58, %swap3A_59] {strides = array<i32>} : memref<200x128xf32, #tpu.memory_space<vmem>>, vector<1x16xf32>,
      %swap3A_61 = vector.shape_cast %swap3A_60 : vector<1x16xf32> to vector<16xf32>
      %swap3A_62 = vector.shape_cast %broadcast_in_dim3A_1 : vector<16xf32> to vector<1x16xf32>
      tpu.vector_store %arg7[%swap3A_58, %swap3A_59], %swap3A_62 {strides = array<i32>} : memref<200x128xf32, #tpu.memory_space<vmem>>, vector<1x16xf32>,
      %swap3A_63 = arith.index_cast %add3A_28 : i32 to index
      %swap3A_64 = arith.constant 112 : index
      %swap3A_65 = tpu.vector_load %arg7[%swap3A_63, %swap3A_64] {strides = array<i32>} : memref<200x128xf32, #tpu.memory_space<vmem>>, vector<1x16xf32>,
      %swap3A_66 = vector.shape_cast %swap3A_65 : vector<1x16xf32> to vector<16xf32>
      %swap3A_67 = vector.shape_cast %broadcast_in_dim3A_1 : vector<16xf32> to vector<1x16xf32>
      tpu.vector_store %arg7[%swap3A_63, %swap3A_64], %swap3A_67 {strides = array<i32>} : memref<200x128xf32, #tpu.memory_space<vmem>>, vector<1x16xf32>,
    }
    %scan3A_5 = arith.constant 200 : i32
    %scan3A_6 = arith.constant 0 : i32
    %scan3A_7 = arith.constant 4 : i32
    %scan3A_8 = arith.addi %scan3A_6, %scan3A_7 : i32
    %scan3A_9 = arith.constant 1 : i32
    scf.for %scan3A_24 = %scan3A_6 to %scan3A_8 step %scan3A_9  : i32 {
      %mul3A_25 = arith.constant 1 : i32
      %mul3A_26 = arith.muli %scan3A_24, %mul3A_25 : i32
      %add3A_27 = arith.constant 0 : i32
      %add3A_28 = arith.addi %add3A_27, %mul3A_26 : i32
      %mul3A_29 = arith.constant 16 : i32
      %mul3A_30 = arith.muli %add3A_28, %mul3A_29 : i32
      %add3A_31 = arith.addi %arg1, %mul3A_30 : i32
      %lt3A = arith.constant 50 : i32
      %lt3A_32 = arith.cmpi slt, %add3A_31, %lt3A : i32
      %convert_element_type3A = arith.extui %lt3A_32 : i1 to i32
      %cond3A = arith.constant 0 : i32
      %cond3A_33 = arith.cmpi ne, %convert_element_type3A, %cond3A : i32
      scf.if %cond3A_33 {
        %mul3A_34 = arith.constant 200 : i32
        %mul3A_35 = arith.muli %add3A_31, %mul3A_34 : i32
        "tpu.region"() ({
          %run_scoped3A = tpu.sem_alloc : memref<!tpu.dma_semaphore, #tpu.memory_space<semaphore_mem>>
          %dma_start3A = arith.constant 0 : i32
          %dma_start3A_36 = tpu.memref_slice %arg8[%mul3A_35, %dma_start3A] : memref<10000x128xf32, #tpu.memory_space<vmem_shared>> -> memref<200x128xf32, #tpu.memory_space<vmem_shared>>
          %dma_start3A_37 = arith.constant 0 : i32
          %dma_start3A_38 = tpu.memref_slice %arg8[%mul3A_35, %dma_start3A_37] : memref<10000x128xf32, #tpu.memory_space<vmem_shared>> -> memref<200x128xf32, #tpu.memory_space<vmem_shared>>
          tpu.enqueue_dma source(%arg7 : memref<200x128xf32, #tpu.memory_space<vmem>>) target(%dma_start3A_38 : memref<200x128xf32, #tpu.memory_space<vmem_shared>>) target_semaphore(%run_scoped3A : memref<!tpu.dma_semaphore, #tpu.memory_space<semaphore_mem>>)
          %dma_wait3A = arith.constant 0 : i32
          %dma_wait3A_39 = tpu.memref_slice %arg8[%mul3A_35, %dma_wait3A] : memref<10000x128xf32, #tpu.memory_space<vmem_shared>> -> memref<200x128xf32, #tpu.memory_space<vmem_shared>>
          %dma_wait3A_40 = arith.constant 0 : i32
          %dma_wait3A_41 = tpu.memref_slice %arg8[%mul3A_35, %dma_wait3A_40] : memref<10000x128xf32, #tpu.memory_space<vmem_shared>> -> memref<200x128xf32, #tpu.memory_space<vmem_shared>>
          tpu.wait_dma2 semaphore(%run_scoped3A : memref<!tpu.dma_semaphore, #tpu.memory_space<semaphore_mem>>) src(%arg7 : memref<200x128xf32, #tpu.memory_space<vmem>>) dst(%dma_wait3A_41 : memref<200x128xf32, #tpu.memory_space<vmem_shared>>)
          tpu.yield
        }) : () -> ()
      } else {
      }
    }
    %scan3A_10 = arith.constant 4 : i32
    %barrier3A = arith.constant 0 : index
    tpu.barrier barrier_id(%barrier3A)
    %mul3A_11 = arith.constant 10000 : i32
    %mul3A_12 = arith.muli %add3A, %mul3A_11 : i32
    %scan3A_13 = arith.constant 0 : i32
    %scan3A_14 = arith.constant 125 : i32
    %scan3A_15 = arith.addi %scan3A_13, %scan3A_14 : i32
    %scan3A_16 = arith.constant 1 : i32
    scf.for %scan3A_24 = %scan3A_13 to %scan3A_15 step %scan3A_16  : i32 {
      %mul3A_25 = arith.constant 1 : i32
      %mul3A_26 = arith.muli %scan3A_24, %mul3A_25 : i32
      %add3A_27 = arith.constant 0 : i32
      %add3A_28 = arith.addi %add3A_27, %mul3A_26 : i32
      %mul3A_29 = arith.constant 80 : i32
      %mul3A_30 = arith.muli %add3A_28, %mul3A_29 : i32
      %add3A_31 = arith.addi %mul3A_12, %mul3A_30 : i32
      %dma_start3A = tpu.memref_slice %arg3[%add3A_31] : memref<320000xi32, #tpu.memory_space<hbm>> -> memref<80xi32, #tpu.memory_space<hbm>>
      %dma_start3A_32 = tpu.memref_slice %arg3[%add3A_31] : memref<320000xi32, #tpu.memory_space<hbm>> -> memref<80xi32, #tpu.memory_space<hbm>>
      tpu.enqueue_dma source(%dma_start3A_32 : memref<80xi32, #tpu.memory_space<hbm>>) target(%arg5 : memref<80xi32, #tpu.memory_space<vmem>>) target_semaphore(%arg9 : memref<!tpu.dma_semaphore, #tpu.memory_space<semaphore_mem>>)
      %dma_start3A_33 = arith.constant 0 : i32
      %dma_start3A_34 = tpu.memref_slice %arg2[%add3A_31, %dma_start3A_33] : memref<320000x128xf32, #tpu.memory_space<hbm>> -> memref<80x128xf32, #tpu.memory_space<hbm>>
      %dma_start3A_35 = arith.constant 0 : i32
      %dma_start3A_36 = tpu.memref_slice %arg2[%add3A_31, %dma_start3A_35] : memref<320000x128xf32, #tpu.memory_space<hbm>> -> memref<80x128xf32, #tpu.memory_space<hbm>>
      tpu.enqueue_dma source(%dma_start3A_36 : memref<80x128xf32, #tpu.memory_space<hbm>>) target(%arg6 : memref<80x128xf32, #tpu.memory_space<vmem>>) target_semaphore(%arg10 : memref<!tpu.dma_semaphore, #tpu.memory_space<semaphore_mem>>)
      %dma_wait3A = tpu.memref_slice %arg3[%add3A_31] : memref<320000xi32, #tpu.memory_space<hbm>> -> memref<80xi32, #tpu.memory_space<hbm>>
      %dma_wait3A_37 = tpu.memref_slice %arg3[%add3A_31] : memref<320000xi32, #tpu.memory_space<hbm>> -> memref<80xi32, #tpu.memory_space<hbm>>
      tpu.wait_dma2 semaphore(%arg9 : memref<!tpu.dma_semaphore, #tpu.memory_space<semaphore_mem>>) src(%dma_wait3A_37 : memref<80xi32, #tpu.memory_space<hbm>>) dst(%arg5 : memref<80xi32, #tpu.memory_space<vmem>>)
      %dma_wait3A_38 = arith.constant 0 : i32
      %dma_wait3A_39 = tpu.memref_slice %arg2[%add3A_31, %dma_wait3A_38] : memref<320000x128xf32, #tpu.memory_space<hbm>> -> memref<80x128xf32, #tpu.memory_space<hbm>>
      %dma_wait3A_40 = arith.constant 0 : i32
      %dma_wait3A_41 = tpu.memref_slice %arg2[%add3A_31, %dma_wait3A_40] : memref<320000x128xf32, #tpu.memory_space<hbm>> -> memref<80x128xf32, #tpu.memory_space<hbm>>
      tpu.wait_dma2 semaphore(%arg10 : memref<!tpu.dma_semaphore, #tpu.memory_space<semaphore_mem>>) src(%dma_wait3A_41 : memref<80x128xf32, #tpu.memory_space<hbm>>) dst(%arg6 : memref<80x128xf32, #tpu.memory_space<vmem>>)
      "tpu.region"() ({
        %run_scoped3A = tpu.sem_alloc : memref<!tpu.dma_semaphore, #tpu.memory_space<semaphore_mem>>
        %dma_start3A_42 = arith.constant 0 : i32
        %dma_start3A_43 = arith.constant 0 : i32
        %dma_start3A_44 = tpu.memref_slice %arg8[%dma_start3A_42, %dma_start3A_43] : memref<10000x128xf32, #tpu.memory_space<vmem_shared>> -> memref<10000x128xf32, #tpu.memory_space<vmem_shared>>
        tpu.enqueue_indirect_dma source(%arg6 : memref<80x128xf32, #tpu.memory_space<vmem>>) target(%dma_start3A_44 : memref<10000x128xf32, #tpu.memory_space<vmem_shared>>) offsets(%arg5 : memref<80xi32, #tpu.memory_space<vmem>>) semaphore(%run_scoped3A : memref<!tpu.dma_semaphore, #tpu.memory_space<semaphore_mem>>) {add = true}
        %dma_wait3A_45 = arith.constant 0 : i32
        %dma_wait3A_46 = arith.constant 0 : i32
        %dma_wait3A_47 = tpu.memref_slice %arg8[%dma_wait3A_45, %dma_wait3A_46] : memref<10000x128xf32, #tpu.memory_space<vmem_shared>> -> memref<10000x128xf32, #tpu.memory_space<vmem_shared>>
        tpu.wait_indirect_dma semaphore(%run_scoped3A : memref<!tpu.dma_semaphore, #tpu.memory_space<semaphore_mem>>) src(%arg6 : memref<80x128xf32, #tpu.memory_space<vmem>>) dst(%dma_wait3A_47 : memref<10000x128xf32, #tpu.memory_space<vmem_shared>>)
        tpu.yield
      }) : () -> ()
    }
    %scan3A_17 = arith.constant 125 : i32
    %barrier3A_18 = arith.constant 0 : index
    tpu.barrier barrier_id(%barrier3A_18)
    %scan3A_19 = arith.constant 0 : i32
    %scan3A_20 = arith.constant 4 : i32
    %scan3A_21 = arith.addi %scan3A_19, %scan3A_20 : i32
    %scan3A_22 = arith.constant 1 : i32
    scf.for %scan3A_24 = %scan3A_19 to %scan3A_21 step %scan3A_22  : i32 {
      %mul3A_25 = arith.constant 1 : i32
      %mul3A_26 = arith.muli %scan3A_24, %mul3A_25 : i32
      %add3A_27 = arith.constant 0 : i32
      %add3A_28 = arith.addi %add3A_27, %mul3A_26 : i32
      %mul3A_29 = arith.constant 16 : i32
      %mul3A_30 = arith.muli %add3A_28, %mul3A_29 : i32
      %add3A_31 = arith.addi %arg1, %mul3A_30 : i32
      %lt3A = arith.constant 50 : i32
      %lt3A_32 = arith.cmpi slt, %add3A_31, %lt3A : i32
      %convert_element_type3A = arith.extui %lt3A_32 : i1 to i32
      %cond3A = arith.constant 0 : i32
      %cond3A_33 = arith.cmpi ne, %convert_element_type3A, %cond3A : i32
      scf.if %cond3A_33 {
        %mul3A_34 = arith.constant 200 : i32
        %mul3A_35 = arith.muli %add3A_31, %mul3A_34 : i32
        %mul3A_36 = arith.constant 200 : i32
        %mul3A_37 = arith.muli %add3A_31, %mul3A_36 : i32
        "tpu.region"() ({
          %run_scoped3A = tpu.sem_alloc : memref<!tpu.dma_semaphore, #tpu.memory_space<semaphore_mem>>
          %dma_start3A = arith.constant 0 : i32
          %dma_start3A_38 = tpu.memref_slice %arg4[%arg0, %mul3A_37, %dma_start3A] : memref<2x10000x128xf32, #tpu.memory_space<hbm>> -> memref<1x200x128xf32, #tpu.memory_space<hbm>>
          %dma_start3A_39 = tpu.memref_squeeze %dma_start3A_38 : memref<1x200x128xf32, #tpu.memory_space<hbm>> -> memref<200x128xf32, #tpu.memory_space<hbm>>
          %dma_start3A_40 = arith.constant 0 : i32
          %dma_start3A_41 = tpu.memref_slice %arg8[%mul3A_35, %dma_start3A_40] : memref<10000x128xf32, #tpu.memory_space<vmem_shared>> -> memref<200x128xf32, #tpu.memory_space<vmem_shared>>
          tpu.enqueue_dma source(%dma_start3A_41 : memref<200x128xf32, #tpu.memory_space<vmem_shared>>) target(%dma_start3A_39 : memref<200x128xf32, #tpu.memory_space<hbm>>) target_semaphore(%run_scoped3A : memref<!tpu.dma_semaphore, #tpu.memory_space<semaphore_mem>>)
          %dma_wait3A = arith.constant 0 : i32
          %dma_wait3A_42 = tpu.memref_slice %arg4[%arg0, %mul3A_37, %dma_wait3A] : memref<2x10000x128xf32, #tpu.memory_space<hbm>> -> memref<1x200x128xf32, #tpu.memory_space<hbm>>
          %dma_wait3A_43 = tpu.memref_squeeze %dma_wait3A_42 : memref<1x200x128xf32, #tpu.memory_space<hbm>> -> memref<200x128xf32, #tpu.memory_space<hbm>>
          %dma_wait3A_44 = arith.constant 0 : i32
          %dma_wait3A_45 = tpu.memref_slice %arg8[%mul3A_35, %dma_wait3A_44] : memref<10000x128xf32, #tpu.memory_space<vmem_shared>> -> memref<200x128xf32, #tpu.memory_space<vmem_shared>>
          tpu.wait_dma2 semaphore(%run_scoped3A : memref<!tpu.dma_semaphore, #tpu.memory_space<semaphore_mem>>) src(%dma_wait3A_45 : memref<200x128xf32, #tpu.memory_space<vmem_shared>>) dst(%dma_wait3A_43 : memref<200x128xf32, #tpu.memory_space<hbm>>)
          tpu.yield
        }) : () -> ()
      } else {
      }
    }
    %scan3A_23 = arith.constant 4 : i32
    return
  }
}

module attributes {stable_mosaic.version = 14 : i64} {
  func.func @_prep_nodes_k(%arg0: i32, %arg1: memref<1000x128xf32, #tpu.memory_space<vmem>>, %arg2: memref<64x128xf32, #tpu.memory_space<vmem>>, %arg3: memref<1x64xf32, #tpu.memory_space<vmem>>, %arg4: memref<128x64xf32, #tpu.memory_space<vmem>>, %arg5: memref<128x64xf32, #tpu.memory_space<vmem>>, %arg6: memref<1000x64xf32, #tpu.memory_space<vmem>>, %arg7: memref<1000x128xf32, #tpu.memory_space<vmem>>, %arg8: memref<1000x128xf32, #tpu.memory_space<vmem>>) attributes {dimension_semantics = [#tpu.dimension_semantics<arbitrary>], iteration_bounds = array<i64: 10>, scalar_prefetch = 0 : i64, scratch_operands = 0 : i64, tpu.core_type = #tpu.core_type<tc>, window_params = [{transform_indices = @transform_0, window_bounds = array<i64: 1000, 128>}, {pipeline_mode = #tpu.pipeline_mode<synchronous>, transform_indices = @transform_1, window_bounds = array<i64: 64, 128>}, {pipeline_mode = #tpu.pipeline_mode<synchronous>, transform_indices = @transform_2, window_bounds = array<i64: 1, 64>}, {pipeline_mode = #tpu.pipeline_mode<synchronous>, transform_indices = @transform_3, window_bounds = array<i64: 128, 64>}, {pipeline_mode = #tpu.pipeline_mode<synchronous>, transform_indices = @transform_4, window_bounds = array<i64: 128, 64>}, {transform_indices = @transform_5, window_bounds = array<i64: 1000, 64>}, {transform_indices = @transform_6, window_bounds = array<i64: 1000, 128>}, {transform_indices = @transform_7, window_bounds = array<i64: 1000, 128>}]} {
    %get3A = arith.constant 0 : index
    %get3A_0 = arith.constant 0 : index
    %get3A_1 = vector.load %arg1[%get3A, %get3A_0] : memref<1000x128xf32, #tpu.memory_space<vmem>>, vector<1000x128xf32>
    %get3A_2 = arith.constant 0 : index
    %get3A_3 = arith.constant 0 : index
    %get3A_4 = vector.load %arg2[%get3A_2, %get3A_3] : memref<64x128xf32, #tpu.memory_space<vmem>>, vector<64x128xf32>
    %dot_general3A = arith.constant dense<0.000000e+00> : vector<1000x64xf32>
    %dot_general3A_5 = tpu.matmul %get3A_1, %get3A_4, %dot_general3A {dimension_numbers = #tpu.dot_dimension_numbers<[1], [1], [0], [0], [0, 0, 1, 0], [], []>, precision = #tpu.contract_precision<fp32>, transpose_lhs_hint = false} : vector<1000x128xf32>, vector<64x128xf32>, vector<1000x64xf32> -> vector<1000x64xf32>
    %get3A_6 = arith.constant 0 : index
    %get3A_7 = arith.constant 0 : index
    %get3A_8 = vector.load %arg3[%get3A_6, %get3A_7] : memref<1x64xf32, #tpu.memory_space<vmem>>, vector<1x64xf32>
    %add3A = vector.broadcast %get3A_8 : vector<1x64xf32> to vector<1000x64xf32>
    %add3A_9 = arith.addf %dot_general3A_5, %add3A : vector<1000x64xf32>
    %max3A = arith.constant 0.000000e+00 : f32
    %max3A_10 = vector.broadcast %max3A : f32 to vector<1000x64xf32>
    %max3A_11 = arith.maximumf %add3A_9, %max3A_10 : vector<1000x64xf32>
    %swap3A = arith.constant 0 : index
    %swap3A_12 = arith.constant 0 : index
    %swap3A_13 = vector.load %arg6[%swap3A, %swap3A_12] : memref<1000x64xf32, #tpu.memory_space<vmem>>, vector<1000x64xf32>
    tpu.vector_store %arg6[%swap3A, %swap3A_12], %max3A_11 {strides = array<i32>} : memref<1000x64xf32, #tpu.memory_space<vmem>>, vector<1000x64xf32>,
    %get3A_14 = arith.constant 0 : index
    %get3A_15 = arith.constant 0 : index
    %get3A_16 = vector.load %arg4[%get3A_14, %get3A_15] : memref<128x64xf32, #tpu.memory_space<vmem>>, vector<128x64xf32>
    %dot_general3A_17 = arith.constant dense<0.000000e+00> : vector<1000x128xf32>
    %dot_general3A_18 = tpu.matmul %max3A_11, %get3A_16, %dot_general3A_17 {dimension_numbers = #tpu.dot_dimension_numbers<[1], [1], [0], [0], [0, 0, 1, 0], [], []>, precision = #tpu.contract_precision<fp32>, transpose_lhs_hint = false} : vector<1000x64xf32>, vector<128x64xf32>, vector<1000x128xf32> -> vector<1000x128xf32>
    %swap3A_19 = arith.constant 0 : index
    %swap3A_20 = arith.constant 0 : index
    %swap3A_21 = vector.load %arg7[%swap3A_19, %swap3A_20] : memref<1000x128xf32, #tpu.memory_space<vmem>>, vector<1000x128xf32>
    tpu.vector_store %arg7[%swap3A_19, %swap3A_20], %dot_general3A_18 {strides = array<i32>} : memref<1000x128xf32, #tpu.memory_space<vmem>>, vector<1000x128xf32>,
    %get3A_22 = arith.constant 0 : index
    %get3A_23 = arith.constant 0 : index
    %get3A_24 = vector.load %arg5[%get3A_22, %get3A_23] : memref<128x64xf32, #tpu.memory_space<vmem>>, vector<128x64xf32>
    %dot_general3A_25 = arith.constant dense<0.000000e+00> : vector<1000x128xf32>
    %dot_general3A_26 = tpu.matmul %max3A_11, %get3A_24, %dot_general3A_25 {dimension_numbers = #tpu.dot_dimension_numbers<[1], [1], [0], [0], [0, 0, 1, 0], [], []>, precision = #tpu.contract_precision<fp32>, transpose_lhs_hint = false} : vector<1000x64xf32>, vector<128x64xf32>, vector<1000x128xf32> -> vector<1000x128xf32>
    %swap3A_27 = arith.constant 0 : index
    %swap3A_28 = arith.constant 0 : index
    %swap3A_29 = vector.load %arg8[%swap3A_27, %swap3A_28] : memref<1000x128xf32, #tpu.memory_space<vmem>>, vector<1000x128xf32>
    tpu.vector_store %arg8[%swap3A_27, %swap3A_28], %dot_general3A_26 {strides = array<i32>} : memref<1000x128xf32, #tpu.memory_space<vmem>>, vector<1000x128xf32>,
    return
  }
  func.func @transform_0(%arg0: i32) -> (i32, i32) {
    %c0_i32 = arith.constant 0 : i32
    %c0_i32_0 = arith.constant 0 : i32
    return %arg0, %c0_i32 : i32, i32
  }
  func.func @transform_1(%arg0: i32) -> (i32, i32) {
    %c0_i32 = arith.constant 0 : i32
    %c0_i32_0 = arith.constant 0 : i32
    %c0_i32_1 = arith.constant 0 : i32
    return %c0_i32, %c0_i32_0 : i32, i32
  }
  func.func @transform_2(%arg0: i32) -> (i32, i32) {
    %c0_i32 = arith.constant 0 : i32
    %c0_i32_0 = arith.constant 0 : i32
    %c0_i32_1 = arith.constant 0 : i32
    return %c0_i32, %c0_i32_0 : i32, i32
  }
  func.func @transform_3(%arg0: i32) -> (i32, i32) {
    %c0_i32 = arith.constant 0 : i32
    %c0_i32_0 = arith.constant 0 : i32
    %c0_i32_1 = arith.constant 0 : i32
    return %c0_i32, %c0_i32_0 : i32, i32
  }
  func.func @transform_4(%arg0: i32) -> (i32, i32) {
    %c0_i32 = arith.constant 0 : i32
    %c0_i32_0 = arith.constant 0 : i32
    %c0_i32_1 = arith.constant 0 : i32
    return %c0_i32, %c0_i32_0 : i32, i32
  }
  func.func @transform_5(%arg0: i32) -> (i32, i32) {
    %c0_i32 = arith.constant 0 : i32
    %c0_i32_0 = arith.constant 0 : i32
    return %arg0, %c0_i32 : i32, i32
  }
  func.func @transform_6(%arg0: i32) -> (i32, i32) {
    %c0_i32 = arith.constant 0 : i32
    %c0_i32_0 = arith.constant 0 : i32
    return %arg0, %c0_i32 : i32, i32
  }
  func.func @transform_7(%arg0: i32) -> (i32, i32) {
    %c0_i32 = arith.constant 0 : i32
    %c0_i32_0 = arith.constant 0 : i32
    return %arg0, %c0_i32 : i32, i32
  }
}

module attributes {stable_mosaic.version = 14 : i64} {
  func.func @_edge_proj_k(%arg0: i32, %arg1: memref<2000x16xf32, #tpu.memory_space<vmem>>, %arg2: memref<128x16xf32, #tpu.memory_space<vmem>>, %arg3: memref<1x128xf32, #tpu.memory_space<vmem>>, %arg4: memref<2000x128xf32, #tpu.memory_space<vmem>>) attributes {dimension_semantics = [#tpu.dimension_semantics<arbitrary>], iteration_bounds = array<i64: 160>, scalar_prefetch = 0 : i64, scratch_operands = 0 : i64, tpu.core_type = #tpu.core_type<tc>, window_params = [{transform_indices = @transform_0, window_bounds = array<i64: 2000, 16>}, {pipeline_mode = #tpu.pipeline_mode<synchronous>, transform_indices = @transform_1, window_bounds = array<i64: 128, 16>}, {pipeline_mode = #tpu.pipeline_mode<synchronous>, transform_indices = @transform_2, window_bounds = array<i64: 1, 128>}, {transform_indices = @transform_3, window_bounds = array<i64: 2000, 128>}]} {
    %get3A = arith.constant 0 : index
    %get3A_0 = arith.constant 0 : index
    %get3A_1 = vector.load %arg1[%get3A, %get3A_0] : memref<2000x16xf32, #tpu.memory_space<vmem>>, vector<2000x16xf32>
    %get3A_2 = arith.constant 0 : index
    %get3A_3 = arith.constant 0 : index
    %get3A_4 = vector.load %arg2[%get3A_2, %get3A_3] : memref<128x16xf32, #tpu.memory_space<vmem>>, vector<128x16xf32>
    %dot_general3A = arith.constant dense<0.000000e+00> : vector<2000x128xf32>
    %dot_general3A_5 = tpu.matmul %get3A_1, %get3A_4, %dot_general3A {dimension_numbers = #tpu.dot_dimension_numbers<[1], [1], [0], [0], [0, 0, 1, 0], [], []>, precision = #tpu.contract_precision<fp32>, transpose_lhs_hint = false} : vector<2000x16xf32>, vector<128x16xf32>, vector<2000x128xf32> -> vector<2000x128xf32>
    %get3A_6 = arith.constant 0 : index
    %get3A_7 = arith.constant 0 : index
    %get3A_8 = vector.load %arg3[%get3A_6, %get3A_7] : memref<1x128xf32, #tpu.memory_space<vmem>>, vector<1x128xf32>
    %add3A = vector.broadcast %get3A_8 : vector<1x128xf32> to vector<2000x128xf32>
    %add3A_9 = arith.addf %dot_general3A_5, %add3A : vector<2000x128xf32>
    %swap3A = arith.constant 0 : index
    %swap3A_10 = arith.constant 0 : index
    %swap3A_11 = vector.load %arg4[%swap3A, %swap3A_10] : memref<2000x128xf32, #tpu.memory_space<vmem>>, vector<2000x128xf32>
    tpu.vector_store %arg4[%swap3A, %swap3A_10], %add3A_9 {strides = array<i32>} : memref<2000x128xf32, #tpu.memory_space<vmem>>, vector<2000x128xf32>,
    return
  }
  func.func @transform_0(%arg0: i32) -> (i32, i32) {
    %c0_i32 = arith.constant 0 : i32
    %c0_i32_0 = arith.constant 0 : i32
    return %arg0, %c0_i32 : i32, i32
  }
  func.func @transform_1(%arg0: i32) -> (i32, i32) {
    %c0_i32 = arith.constant 0 : i32
    %c0_i32_0 = arith.constant 0 : i32
    %c0_i32_1 = arith.constant 0 : i32
    return %c0_i32, %c0_i32_0 : i32, i32
  }
  func.func @transform_2(%arg0: i32) -> (i32, i32) {
    %c0_i32 = arith.constant 0 : i32
    %c0_i32_0 = arith.constant 0 : i32
    %c0_i32_1 = arith.constant 0 : i32
    return %c0_i32, %c0_i32_0 : i32, i32
  }
  func.func @transform_3(%arg0: i32) -> (i32, i32) {
    %c0_i32 = arith.constant 0 : i32
    %c0_i32_0 = arith.constant 0 : i32
    return %arg0, %c0_i32 : i32, i32
  }
}

module attributes {stable_mosaic.version = 14 : i64} {
  func.func @_gate_k(%arg0: i32, %arg1: memref<2000x128xf32, #tpu.memory_space<vmem>>, %arg2: memref<2000x128xf32, #tpu.memory_space<vmem>>, %arg3: memref<2000x128xf32, #tpu.memory_space<vmem>>, %arg4: memref<2000x128xf32, #tpu.memory_space<vmem>>) attributes {dimension_semantics = [#tpu.dimension_semantics<arbitrary>], iteration_bounds = array<i64: 160>, scalar_prefetch = 0 : i64, scratch_operands = 0 : i64, tpu.core_type = #tpu.core_type<tc>, window_params = [{transform_indices = @transform_0, window_bounds = array<i64: 2000, 128>}, {transform_indices = @transform_1, window_bounds = array<i64: 2000, 128>}, {transform_indices = @transform_2, window_bounds = array<i64: 2000, 128>}, {transform_indices = @transform_3, window_bounds = array<i64: 2000, 128>}]} {
    %get3A = arith.constant 0 : index
    %get3A_0 = arith.constant 0 : index
    %get3A_1 = vector.load %arg1[%get3A, %get3A_0] : memref<2000x128xf32, #tpu.memory_space<vmem>>, vector<2000x64xf32>
    %get3A_2 = arith.constant 0 : index
    %get3A_3 = arith.constant 0 : index
    %get3A_4 = vector.load %arg2[%get3A_2, %get3A_3] : memref<2000x128xf32, #tpu.memory_space<vmem>>, vector<2000x64xf32>
    %add3A = arith.addf %get3A_1, %get3A_4 : vector<2000x64xf32>
    %get3A_5 = arith.constant 0 : index
    %get3A_6 = arith.constant 0 : index
    %get3A_7 = vector.load %arg3[%get3A_5, %get3A_6] : memref<2000x128xf32, #tpu.memory_space<vmem>>, vector<2000x64xf32>
    %add3A_8 = arith.addf %add3A, %get3A_7 : vector<2000x64xf32>
    %get3A_9 = arith.constant 0 : index
    %get3A_10 = arith.constant 64 : index
    %get3A_11 = vector.load %arg1[%get3A_9, %get3A_10] : memref<2000x128xf32, #tpu.memory_space<vmem>>, vector<2000x64xf32>
    %get3A_12 = arith.constant 0 : index
    %get3A_13 = arith.constant 64 : index
    %get3A_14 = vector.load %arg2[%get3A_12, %get3A_13] : memref<2000x128xf32, #tpu.memory_space<vmem>>, vector<2000x64xf32>
    %add3A_15 = arith.addf %get3A_11, %get3A_14 : vector<2000x64xf32>
    %get3A_16 = arith.constant 0 : index
    %get3A_17 = arith.constant 64 : index
    %get3A_18 = vector.load %arg3[%get3A_16, %get3A_17] : memref<2000x128xf32, #tpu.memory_space<vmem>>, vector<2000x64xf32>
    %add3A_19 = arith.addf %add3A_15, %get3A_18 : vector<2000x64xf32>
    %neg3A = arith.constant 0.000000e+00 : f32
    %neg3A_20 = vector.broadcast %neg3A : f32 to vector<2000x64xf32>
    %neg3A_21 = arith.subf %neg3A_20, %add3A_8 : vector<2000x64xf32>
    %exp3A = math.exp %neg3A_21 : vector<2000x64xf32>
    %add3A_22 = arith.constant 1.000000e+00 : f32
    %add3A_23 = vector.broadcast %add3A_22 : f32 to vector<2000x64xf32>
    %add3A_24 = arith.addf %add3A_23, %exp3A : vector<2000x64xf32>
    %div3A = arith.constant 1.000000e+00 : f32
    %div3A_25 = vector.broadcast %div3A : f32 to vector<2000x64xf32>
    %div3A_26 = arith.divf %div3A_25, %add3A_24 : vector<2000x64xf32>
    %custom_jvp_call3A = arith.constant 0.000000e+00 : f32
    %max3A = vector.broadcast %custom_jvp_call3A : f32 to vector<2000x64xf32>
    %max3A_27 = arith.maximumf %add3A_19, %max3A : vector<2000x64xf32>
    %sub3A = vector.broadcast %custom_jvp_call3A : f32 to vector<2000x64xf32>
    %sub3A_28 = arith.subf %add3A_19, %sub3A : vector<2000x64xf32>
    %ne3A = arith.cmpf one, %sub3A_28, %sub3A_28 : vector<2000x64xf32>
    %add3A_29 = vector.broadcast %custom_jvp_call3A : f32 to vector<2000x64xf32>
    %add3A_30 = arith.addf %add3A_19, %add3A_29 : vector<2000x64xf32>
    %abs3A = math.absf %sub3A_28 : vector<2000x64xf32>
    %neg3A_31 = arith.constant 0.000000e+00 : f32
    %neg3A_32 = vector.broadcast %neg3A_31 : f32 to vector<2000x64xf32>
    %neg3A_33 = arith.subf %neg3A_32, %abs3A : vector<2000x64xf32>
    %exp3A_34 = math.exp %neg3A_33 : vector<2000x64xf32>
    %log1p3A = math.log1p %exp3A_34 : vector<2000x64xf32>
    %add3A_35 = arith.addf %max3A_27, %log1p3A : vector<2000x64xf32>
    %select_n3A = arith.select %ne3A, %add3A_30, %add3A_35 : vector<2000x64xi1>, vector<2000x64xf32>
    %mul3A = arith.mulf %div3A_26, %select_n3A : vector<2000x64xf32>
    %broadcast_in_dim3A = arith.constant 1.000000e+00 : f32
    %broadcast_in_dim3A_36 = vector.broadcast %broadcast_in_dim3A : f32 to vector<2000x64xf32>
    %concatenate3A = tpu.concatenate %mul3A, %broadcast_in_dim3A_36 in 1 : vector<2000x64xf32>, vector<2000x64xf32> -> vector<2000x128xf32>
    %swap3A = arith.constant 0 : index
    %swap3A_37 = arith.constant 0 : index
    %swap3A_38 = vector.load %arg4[%swap3A, %swap3A_37] : memref<2000x128xf32, #tpu.memory_space<vmem>>, vector<2000x128xf32>
    tpu.vector_store %arg4[%swap3A, %swap3A_37], %concatenate3A {strides = array<i32>} : memref<2000x128xf32, #tpu.memory_space<vmem>>, vector<2000x128xf32>,
    return
  }
  func.func @transform_0(%arg0: i32) -> (i32, i32) {
    %c0_i32 = arith.constant 0 : i32
    %c0_i32_0 = arith.constant 0 : i32
    return %arg0, %c0_i32 : i32, i32
  }
  func.func @transform_1(%arg0: i32) -> (i32, i32) {
    %c0_i32 = arith.constant 0 : i32
    %c0_i32_0 = arith.constant 0 : i32
    return %arg0, %c0_i32 : i32, i32
  }
  func.func @transform_2(%arg0: i32) -> (i32, i32) {
    %c0_i32 = arith.constant 0 : i32
    %c0_i32_0 = arith.constant 0 : i32
    return %arg0, %c0_i32 : i32, i32
  }
  func.func @transform_3(%arg0: i32) -> (i32, i32) {
    %c0_i32 = arith.constant 0 : i32
    %c0_i32_0 = arith.constant 0 : i32
    return %arg0, %c0_i32 : i32, i32
  }
}

module attributes {stable_mosaic.version = 14 : i64} {
  func.func @_moments_k(%arg0: i32, %arg1: memref<1000x64xf32, #tpu.memory_space<vmem>>, %arg2: memref<2x1000x128xf32, #tpu.memory_space<vmem>>, %arg3: memref<10x64xf32, #tpu.memory_space<vmem>>, %arg4: memref<1x10xf32, #tpu.memory_space<vmem>>, %arg5: memref<1000x64xf32, #tpu.memory_space<vmem>>, %arg6: memref<1000x10xf32, #tpu.memory_space<vmem>>, %arg7: memref<10x64xf32, #tpu.memory_space<vmem>>, %arg8: memref<10x64xf32, #tpu.memory_space<vmem>>) attributes {dimension_semantics = [#tpu.dimension_semantics<arbitrary>], iteration_bounds = array<i64: 10>, scalar_prefetch = 0 : i64, scratch_operands = 0 : i64, tpu.core_type = #tpu.core_type<tc>, window_params = [{transform_indices = @transform_0, window_bounds = array<i64: 1000, 64>}, {transform_indices = @transform_1, window_bounds = array<i64: 2, 1000, 128>}, {pipeline_mode = #tpu.pipeline_mode<synchronous>, transform_indices = @transform_2, window_bounds = array<i64: 10, 64>}, {pipeline_mode = #tpu.pipeline_mode<synchronous>, transform_indices = @transform_3, window_bounds = array<i64: 1, 10>}, {transform_indices = @transform_4, window_bounds = array<i64: 1000, 64>}, {transform_indices = @transform_5, window_bounds = array<i64: 1000, 10>}, {pipeline_mode = #tpu.pipeline_mode<synchronous>, transform_indices = @transform_6, window_bounds = array<i64: 10, 64>}, {pipeline_mode = #tpu.pipeline_mode<synchronous>, transform_indices = @transform_7, window_bounds = array<i64: 10, 64>}]} {
    %get3A = arith.constant 0 : index
    %get3A_0 = arith.constant 0 : index
    %get3A_1 = arith.constant 0 : index
    %get3A_2 = vector.load %arg2[%get3A, %get3A_0, %get3A_1] : memref<2x1000x128xf32, #tpu.memory_space<vmem>>, vector<1x1000x64xf32>
    %get3A_3 = vector.shape_cast %get3A_2 : vector<1x1000x64xf32> to vector<1000x64xf32>
    %get3A_4 = arith.constant 1 : index
    %get3A_5 = arith.constant 0 : index
    %get3A_6 = arith.constant 0 : index
    %get3A_7 = vector.load %arg2[%get3A_4, %get3A_5, %get3A_6] : memref<2x1000x128xf32, #tpu.memory_space<vmem>>, vector<1x1000x64xf32>
    %get3A_8 = vector.shape_cast %get3A_7 : vector<1x1000x64xf32> to vector<1000x64xf32>
    %add3A = arith.addf %get3A_3, %get3A_8 : vector<1000x64xf32>
    %get3A_9 = arith.constant 0 : index
    %get3A_10 = arith.constant 0 : index
    %get3A_11 = arith.constant 64 : index
    %get3A_12 = vector.load %arg2[%get3A_9, %get3A_10, %get3A_11] : memref<2x1000x128xf32, #tpu.memory_space<vmem>>, vector<1x1000x1xf32>
    %get3A_13 = vector.shape_cast %get3A_12 : vector<1x1000x1xf32> to vector<1000x1xf32>
    %get3A_14 = arith.constant 1 : index
    %get3A_15 = arith.constant 0 : index
    %get3A_16 = arith.constant 64 : index
    %get3A_17 = vector.load %arg2[%get3A_14, %get3A_15, %get3A_16] : memref<2x1000x128xf32, #tpu.memory_space<vmem>>, vector<1x1000x1xf32>
    %get3A_18 = vector.shape_cast %get3A_17 : vector<1x1000x1xf32> to vector<1000x1xf32>
    %add3A_19 = arith.addf %get3A_13, %get3A_18 : vector<1000x1xf32>
    %get3A_20 = arith.constant 0 : index
    %get3A_21 = arith.constant 0 : index
    %get3A_22 = vector.load %arg1[%get3A_20, %get3A_21] : memref<1000x64xf32, #tpu.memory_space<vmem>>, vector<1000x64xf32>
    %max3A = arith.constant 1.000000e+00 : f32
    %max3A_23 = vector.broadcast %max3A : f32 to vector<1000x1xf32>
    %max3A_24 = arith.maximumf %add3A_19, %max3A_23 : vector<1000x1xf32>
    %div3A = vector.broadcast %max3A_24 : vector<1000x1xf32> to vector<1000x64xf32>
    %div3A_25 = arith.divf %add3A, %div3A : vector<1000x64xf32>
    %add3A_26 = arith.addf %get3A_22, %div3A_25 : vector<1000x64xf32>
    %swap3A = arith.constant 0 : index
    %swap3A_27 = arith.constant 0 : index
    %swap3A_28 = vector.load %arg5[%swap3A, %swap3A_27] : memref<1000x64xf32, #tpu.memory_space<vmem>>, vector<1000x64xf32>
    tpu.vector_store %arg5[%swap3A, %swap3A_27], %add3A_26 {strides = array<i32>} : memref<1000x64xf32, #tpu.memory_space<vmem>>, vector<1000x64xf32>,
    %get3A_29 = arith.constant 0 : index
    %get3A_30 = arith.constant 0 : index
    %get3A_31 = vector.load %arg3[%get3A_29, %get3A_30] : memref<10x64xf32, #tpu.memory_space<vmem>>, vector<10x64xf32>
    %dot_general3A = arith.constant dense<0.000000e+00> : vector<1000x10xf32>
    %dot_general3A_32 = tpu.matmul %add3A_26, %get3A_31, %dot_general3A {dimension_numbers = #tpu.dot_dimension_numbers<[1], [1], [0], [0], [0, 0, 1, 0], [], []>, precision = #tpu.contract_precision<fp32>, transpose_lhs_hint = false} : vector<1000x64xf32>, vector<10x64xf32>, vector<1000x10xf32> -> vector<1000x10xf32>
    %get3A_33 = arith.constant 0 : index
    %get3A_34 = arith.constant 0 : index
    %get3A_35 = vector.load %arg4[%get3A_33, %get3A_34] : memref<1x10xf32, #tpu.memory_space<vmem>>, vector<1x10xf32>
    %add3A_36 = vector.broadcast %get3A_35 : vector<1x10xf32> to vector<1000x10xf32>
    %add3A_37 = arith.addf %dot_general3A_32, %add3A_36 : vector<1000x10xf32>
    %reduce_max3A = arith.constant dense<0xFF800000> : vector<1000xf32>
    %reduce_max3A_38 = vector.multi_reduction <maximumf>, %add3A_37, %reduce_max3A [1] : vector<1000x10xf32> to vector<1000xf32>
    %broadcast_in_dim3A = vector.shape_cast %reduce_max3A_38 : vector<1000xf32> to vector<1000x1xf32>
    %sub3A = vector.broadcast %broadcast_in_dim3A : vector<1000x1xf32> to vector<1000x10xf32>
    %sub3A_39 = arith.subf %add3A_37, %sub3A : vector<1000x10xf32>
    %exp3A = math.exp %sub3A_39 : vector<1000x10xf32>
    %reduce_sum3A = arith.constant dense<0.000000e+00> : vector<1000xf32>
    %reduce_sum3A_40 = vector.multi_reduction <add>, %exp3A, %reduce_sum3A [1] : vector<1000x10xf32> to vector<1000xf32>
    %broadcast_in_dim3A_41 = vector.shape_cast %reduce_sum3A_40 : vector<1000xf32> to vector<1000x1xf32>
    %div3A_42 = vector.broadcast %broadcast_in_dim3A_41 : vector<1000x1xf32> to vector<1000x10xf32>
    %div3A_43 = arith.divf %exp3A, %div3A_42 : vector<1000x10xf32>
    %swap3A_44 = arith.constant 0 : index
    %swap3A_45 = arith.constant 0 : index
    %swap3A_46 = vector.load %arg6[%swap3A_44, %swap3A_45] : memref<1000x10xf32, #tpu.memory_space<vmem>>, vector<1000x10xf32>
    tpu.vector_store %arg6[%swap3A_44, %swap3A_45], %div3A_43 {strides = array<i32>} : memref<1000x10xf32, #tpu.memory_space<vmem>>, vector<1000x10xf32>,
    %dot_general3A_47 = arith.constant dense<0.000000e+00> : vector<10x64xf32>
    %dot_general3A_48 = tpu.matmul %div3A_43, %add3A_26, %dot_general3A_47 {dimension_numbers = #tpu.dot_dimension_numbers<[0], [0], [1], [1], [0, 1, 1, 1], [], []>, precision = #tpu.contract_precision<fp32>, transpose_lhs_hint = false} : vector<1000x10xf32>, vector<1000x64xf32>, vector<10x64xf32> -> vector<10x64xf32>
    %mul3A = arith.constant 9.99999974E-5 : f32
    %mul3A_49 = vector.broadcast %mul3A : f32 to vector<10x64xf32>
    %mul3A_50 = arith.mulf %dot_general3A_48, %mul3A_49 : vector<10x64xf32>
    %mul3A_51 = arith.mulf %div3A_43, %div3A_43 : vector<1000x10xf32>
    %mul3A_52 = arith.mulf %add3A_26, %add3A_26 : vector<1000x64xf32>
    %dot_general3A_53 = arith.constant dense<0.000000e+00> : vector<10x64xf32>
    %dot_general3A_54 = tpu.matmul %mul3A_51, %mul3A_52, %dot_general3A_53 {dimension_numbers = #tpu.dot_dimension_numbers<[0], [0], [1], [1], [0, 1, 1, 1], [], []>, precision = #tpu.contract_precision<fp32>, transpose_lhs_hint = false} : vector<1000x10xf32>, vector<1000x64xf32>, vector<10x64xf32> -> vector<10x64xf32>
    %mul3A_55 = arith.constant 9.99999974E-5 : f32
    %mul3A_56 = vector.broadcast %mul3A_55 : f32 to vector<10x64xf32>
    %mul3A_57 = arith.mulf %dot_general3A_54, %mul3A_56 : vector<10x64xf32>
    %eq3A = arith.constant 0 : i32
    %eq3A_58 = arith.cmpi eq, %arg0, %eq3A : i32
    %convert_element_type3A = arith.extui %eq3A_58 : i1 to i32
    %cond3A = arith.constant 0 : i32
    %cond3A_59 = arith.cmpi ne, %convert_element_type3A, %cond3A : i32
    scf.if %cond3A_59 {
      %swap3A_64 = arith.constant 0 : index
      %swap3A_65 = arith.constant 0 : index
      %swap3A_66 = vector.load %arg7[%swap3A_64, %swap3A_65] : memref<10x64xf32, #tpu.memory_space<vmem>>, vector<10x64xf32>
      tpu.vector_store %arg7[%swap3A_64, %swap3A_65], %mul3A_50 {strides = array<i32>} : memref<10x64xf32, #tpu.memory_space<vmem>>, vector<10x64xf32>,
      %swap3A_67 = arith.constant 0 : index
      %swap3A_68 = arith.constant 0 : index
      %swap3A_69 = vector.load %arg8[%swap3A_67, %swap3A_68] : memref<10x64xf32, #tpu.memory_space<vmem>>, vector<10x64xf32>
      tpu.vector_store %arg8[%swap3A_67, %swap3A_68], %mul3A_57 {strides = array<i32>} : memref<10x64xf32, #tpu.memory_space<vmem>>, vector<10x64xf32>,
    } else {
    }
    %gt3A = arith.constant 0 : i32
    %gt3A_60 = arith.cmpi sgt, %arg0, %gt3A : i32
    %convert_element_type3A_61 = arith.extui %gt3A_60 : i1 to i32
    %cond3A_62 = arith.constant 0 : i32
    %cond3A_63 = arith.cmpi ne, %convert_element_type3A_61, %cond3A_62 : i32
    scf.if %cond3A_63 {
      %get3A_64 = arith.constant 0 : index
      %get3A_65 = arith.constant 0 : index
      %get3A_66 = vector.load %arg7[%get3A_64, %get3A_65] : memref<10x64xf32, #tpu.memory_space<vmem>>, vector<10x64xf32>
      %add3A_67 = arith.addf %get3A_66, %mul3A_50 : vector<10x64xf32>
      %swap3A_68 = arith.constant 0 : index
      %swap3A_69 = arith.constant 0 : index
      %swap3A_70 = vector.load %arg7[%swap3A_68, %swap3A_69] : memref<10x64xf32, #tpu.memory_space<vmem>>, vector<10x64xf32>
      tpu.vector_store %arg7[%swap3A_68, %swap3A_69], %add3A_67 {strides = array<i32>} : memref<10x64xf32, #tpu.memory_space<vmem>>, vector<10x64xf32>,
      %get3A_71 = arith.constant 0 : index
      %get3A_72 = arith.constant 0 : index
      %get3A_73 = vector.load %arg8[%get3A_71, %get3A_72] : memref<10x64xf32, #tpu.memory_space<vmem>>, vector<10x64xf32>
      %add3A_74 = arith.addf %get3A_73, %mul3A_57 : vector<10x64xf32>
      %swap3A_75 = arith.constant 0 : index
      %swap3A_76 = arith.constant 0 : index
      %swap3A_77 = vector.load %arg8[%swap3A_75, %swap3A_76] : memref<10x64xf32, #tpu.memory_space<vmem>>, vector<10x64xf32>
      tpu.vector_store %arg8[%swap3A_75, %swap3A_76], %add3A_74 {strides = array<i32>} : memref<10x64xf32, #tpu.memory_space<vmem>>, vector<10x64xf32>,
    } else {
    }
    return
  }
  func.func @transform_0(%arg0: i32) -> (i32, i32) {
    %c0_i32 = arith.constant 0 : i32
    %c0_i32_0 = arith.constant 0 : i32
    return %arg0, %c0_i32 : i32, i32
  }
  func.func @transform_1(%arg0: i32) -> (i32, i32, i32) {
    %c0_i32 = arith.constant 0 : i32
    %c0_i32_0 = arith.constant 0 : i32
    %c0_i32_1 = arith.constant 0 : i32
    return %c0_i32, %arg0, %c0_i32_0 : i32, i32, i32
  }
  func.func @transform_2(%arg0: i32) -> (i32, i32) {
    %c0_i32 = arith.constant 0 : i32
    %c0_i32_0 = arith.constant 0 : i32
    %c0_i32_1 = arith.constant 0 : i32
    return %c0_i32, %c0_i32_0 : i32, i32
  }
  func.func @transform_3(%arg0: i32) -> (i32, i32) {
    %c0_i32 = arith.constant 0 : i32
    %c0_i32_0 = arith.constant 0 : i32
    %c0_i32_1 = arith.constant 0 : i32
    return %c0_i32, %c0_i32_0 : i32, i32
  }
  func.func @transform_4(%arg0: i32) -> (i32, i32) {
    %c0_i32 = arith.constant 0 : i32
    %c0_i32_0 = arith.constant 0 : i32
    return %arg0, %c0_i32 : i32, i32
  }
  func.func @transform_5(%arg0: i32) -> (i32, i32) {
    %c0_i32 = arith.constant 0 : i32
    %c0_i32_0 = arith.constant 0 : i32
    return %arg0, %c0_i32 : i32, i32
  }
  func.func @transform_6(%arg0: i32) -> (i32, i32) {
    %c0_i32 = arith.constant 0 : i32
    %c0_i32_0 = arith.constant 0 : i32
    %c0_i32_1 = arith.constant 0 : i32
    return %c0_i32, %c0_i32_0 : i32, i32
  }
  func.func @transform_7(%arg0: i32) -> (i32, i32) {
    %c0_i32 = arith.constant 0 : i32
    %c0_i32_0 = arith.constant 0 : i32
    %c0_i32_1 = arith.constant 0 : i32
    return %c0_i32, %c0_i32_0 : i32, i32
  }
}

module attributes {stable_mosaic.version = 14 : i64} {
  func.func @_apply_k(%arg0: i32, %arg1: memref<1000x64xf32, #tpu.memory_space<vmem>>, %arg2: memref<1000x64xf32, #tpu.memory_space<vmem>>, %arg3: memref<1000x10xf32, #tpu.memory_space<vmem>>, %arg4: memref<10x64xf32, #tpu.memory_space<vmem>>, %arg5: memref<10x64xf32, #tpu.memory_space<vmem>>, %arg6: memref<10x64xf32, #tpu.memory_space<vmem>>, %arg7: memref<10x64xf32, #tpu.memory_space<vmem>>, %arg8: memref<128x64xf32, #tpu.memory_space<vmem>>, %arg9: memref<128x64xf32, #tpu.memory_space<vmem>>, %arg10: memref<1000x64xf32, #tpu.memory_space<vmem>>, %arg11: memref<1000x128xf32, #tpu.memory_space<vmem>>, %arg12: memref<1000x128xf32, #tpu.memory_space<vmem>>) attributes {dimension_semantics = [#tpu.dimension_semantics<arbitrary>], iteration_bounds = array<i64: 10>, scalar_prefetch = 0 : i64, scratch_operands = 0 : i64, tpu.core_type = #tpu.core_type<tc>, window_params = [{transform_indices = @transform_0, window_bounds = array<i64: 1000, 64>}, {transform_indices = @transform_1, window_bounds = array<i64: 1000, 64>}, {transform_indices = @transform_2, window_bounds = array<i64: 1000, 10>}, {pipeline_mode = #tpu.pipeline_mode<synchronous>, transform_indices = @transform_3, window_bounds = array<i64: 10, 64>}, {pipeline_mode = #tpu.pipeline_mode<synchronous>, transform_indices = @transform_4, window_bounds = array<i64: 10, 64>}, {pipeline_mode = #tpu.pipeline_mode<synchronous>, transform_indices = @transform_5, window_bounds = array<i64: 10, 64>}, {pipeline_mode = #tpu.pipeline_mode<synchronous>, transform_indices = @transform_6, window_bounds = array<i64: 10, 64>}, {pipeline_mode = #tpu.pipeline_mode<synchronous>, transform_indices = @transform_7, window_bounds = array<i64: 128, 64>}, {pipeline_mode = #tpu.pipeline_mode<synchronous>, transform_indices = @transform_8, window_bounds = array<i64: 128, 64>}, {transform_indices = @transform_9, window_bounds = array<i64: 1000, 64>}, {transform_indices = @transform_10, window_bounds = array<i64: 1000, 128>}, {transform_indices = @transform_11, window_bounds = array<i64: 1000, 128>}]} {
    %get3A = arith.constant 0 : index
    %get3A_0 = arith.constant 0 : index
    %get3A_1 = vector.load %arg1[%get3A, %get3A_0] : memref<1000x64xf32, #tpu.memory_space<vmem>>, vector<1000x64xf32>
    %get3A_2 = arith.constant 0 : index
    %get3A_3 = arith.constant 0 : index
    %get3A_4 = vector.load %arg2[%get3A_2, %get3A_3] : memref<1000x64xf32, #tpu.memory_space<vmem>>, vector<1000x64xf32>
    %get3A_5 = arith.constant 0 : index
    %get3A_6 = arith.constant 0 : index
    %get3A_7 = vector.load %arg3[%get3A_5, %get3A_6] : memref<1000x10xf32, #tpu.memory_space<vmem>>, vector<1000x10xf32>
    %get3A_8 = arith.constant 0 : index
    %get3A_9 = arith.constant 0 : index
    %get3A_10 = vector.load %arg5[%get3A_8, %get3A_9] : memref<10x64xf32, #tpu.memory_space<vmem>>, vector<10x64xf32>
    %get3A_11 = arith.constant 0 : index
    %get3A_12 = arith.constant 0 : index
    %get3A_13 = vector.load %arg4[%get3A_11, %get3A_12] : memref<10x64xf32, #tpu.memory_space<vmem>>, vector<10x64xf32>
    %get3A_14 = arith.constant 0 : index
    %get3A_15 = arith.constant 0 : index
    %get3A_16 = vector.load %arg4[%get3A_14, %get3A_15] : memref<10x64xf32, #tpu.memory_space<vmem>>, vector<10x64xf32>
    %mul3A = arith.mulf %get3A_13, %get3A_16 : vector<10x64xf32>
    %sub3A = arith.subf %get3A_10, %mul3A : vector<10x64xf32>
    %get3A_17 = arith.constant 0 : index
    %get3A_18 = arith.constant 0 : index
    %get3A_19 = vector.load %arg6[%get3A_17, %get3A_18] : memref<10x64xf32, #tpu.memory_space<vmem>>, vector<10x64xf32>
    %add3A = arith.constant 9.99999974E-6 : f32
    %add3A_20 = vector.broadcast %add3A : f32 to vector<10x64xf32>
    %add3A_21 = arith.addf %sub3A, %add3A_20 : vector<10x64xf32>
    %sqrt3A = math.sqrt %add3A_21 : vector<10x64xf32>
    %div3A = arith.divf %get3A_19, %sqrt3A : vector<10x64xf32>
    %get3A_22 = arith.constant 0 : index
    %get3A_23 = arith.constant 0 : index
    %get3A_24 = vector.load %arg7[%get3A_22, %get3A_23] : memref<10x64xf32, #tpu.memory_space<vmem>>, vector<10x64xf32>
    %get3A_25 = arith.constant 0 : index
    %get3A_26 = arith.constant 0 : index
    %get3A_27 = vector.load %arg4[%get3A_25, %get3A_26] : memref<10x64xf32, #tpu.memory_space<vmem>>, vector<10x64xf32>
    %mul3A_28 = arith.mulf %get3A_27, %div3A : vector<10x64xf32>
    %sub3A_29 = arith.subf %get3A_24, %mul3A_28 : vector<10x64xf32>
    %reduce_sum3A = arith.constant dense<0.000000e+00> : vector<64xf32>
    %reduce_sum3A_30 = vector.multi_reduction <add>, %sub3A_29, %reduce_sum3A [0] : vector<10x64xf32> to vector<64xf32>
    %broadcast_in_dim3A = vector.shape_cast %reduce_sum3A_30 : vector<64xf32> to vector<1x64xf32>
    %dot_general3A = arith.constant dense<0.000000e+00> : vector<1000x64xf32>
    %dot_general3A_31 = tpu.matmul %get3A_7, %div3A, %dot_general3A {dimension_numbers = #tpu.dot_dimension_numbers<[1], [0], [0], [1], [0, 0, 1, 1], [], []>, precision = #tpu.contract_precision<fp32>, transpose_lhs_hint = false} : vector<1000x10xf32>, vector<10x64xf32>, vector<1000x64xf32> -> vector<1000x64xf32>
    %mul3A_32 = arith.mulf %get3A_4, %dot_general3A_31 : vector<1000x64xf32>
    %add3A_33 = vector.broadcast %broadcast_in_dim3A : vector<1x64xf32> to vector<1000x64xf32>
    %add3A_34 = arith.addf %mul3A_32, %add3A_33 : vector<1000x64xf32>
    %mul3A_35 = arith.constant 0.00999999977 : f32
    %mul3A_36 = vector.broadcast %mul3A_35 : f32 to vector<1000x64xf32>
    %mul3A_37 = arith.mulf %mul3A_36, %add3A_34 : vector<1000x64xf32>
    %add3A_38 = arith.addf %get3A_4, %mul3A_37 : vector<1000x64xf32>
    %add3A_39 = arith.addf %add3A_38, %get3A_1 : vector<1000x64xf32>
    %swap3A = arith.constant 0 : index
    %swap3A_40 = arith.constant 0 : index
    %swap3A_41 = vector.load %arg10[%swap3A, %swap3A_40] : memref<1000x64xf32, #tpu.memory_space<vmem>>, vector<1000x64xf32>
    tpu.vector_store %arg10[%swap3A, %swap3A_40], %add3A_39 {strides = array<i32>} : memref<1000x64xf32, #tpu.memory_space<vmem>>, vector<1000x64xf32>,
    %get3A_42 = arith.constant 0 : index
    %get3A_43 = arith.constant 0 : index
    %get3A_44 = vector.load %arg8[%get3A_42, %get3A_43] : memref<128x64xf32, #tpu.memory_space<vmem>>, vector<128x64xf32>
    %dot_general3A_45 = arith.constant dense<0.000000e+00> : vector<1000x128xf32>
    %dot_general3A_46 = tpu.matmul %add3A_39, %get3A_44, %dot_general3A_45 {dimension_numbers = #tpu.dot_dimension_numbers<[1], [1], [0], [0], [0, 0, 1, 0], [], []>, precision = #tpu.contract_precision<fp32>, transpose_lhs_hint = false} : vector<1000x64xf32>, vector<128x64xf32>, vector<1000x128xf32> -> vector<1000x128xf32>
    %swap3A_47 = arith.constant 0 : index
    %swap3A_48 = arith.constant 0 : index
    %swap3A_49 = vector.load %arg11[%swap3A_47, %swap3A_48] : memref<1000x128xf32, #tpu.memory_space<vmem>>, vector<1000x128xf32>
    tpu.vector_store %arg11[%swap3A_47, %swap3A_48], %dot_general3A_46 {strides = array<i32>} : memref<1000x128xf32, #tpu.memory_space<vmem>>, vector<1000x128xf32>,
    %get3A_50 = arith.constant 0 : index
    %get3A_51 = arith.constant 0 : index
    %get3A_52 = vector.load %arg9[%get3A_50, %get3A_51] : memref<128x64xf32, #tpu.memory_space<vmem>>, vector<128x64xf32>
    %dot_general3A_53 = arith.constant dense<0.000000e+00> : vector<1000x128xf32>
    %dot_general3A_54 = tpu.matmul %add3A_39, %get3A_52, %dot_general3A_53 {dimension_numbers = #tpu.dot_dimension_numbers<[1], [1], [0], [0], [0, 0, 1, 0], [], []>, precision = #tpu.contract_precision<fp32>, transpose_lhs_hint = false} : vector<1000x64xf32>, vector<128x64xf32>, vector<1000x128xf32> -> vector<1000x128xf32>
    %swap3A_55 = arith.constant 0 : index
    %swap3A_56 = arith.constant 0 : index
    %swap3A_57 = vector.load %arg12[%swap3A_55, %swap3A_56] : memref<1000x128xf32, #tpu.memory_space<vmem>>, vector<1000x128xf32>
    tpu.vector_store %arg12[%swap3A_55, %swap3A_56], %dot_general3A_54 {strides = array<i32>} : memref<1000x128xf32, #tpu.memory_space<vmem>>, vector<1000x128xf32>,
    return
  }
  func.func @transform_0(%arg0: i32) -> (i32, i32) {
    %c0_i32 = arith.constant 0 : i32
    %c0_i32_0 = arith.constant 0 : i32
    return %arg0, %c0_i32 : i32, i32
  }
  func.func @transform_1(%arg0: i32) -> (i32, i32) {
    %c0_i32 = arith.constant 0 : i32
    %c0_i32_0 = arith.constant 0 : i32
    return %arg0, %c0_i32 : i32, i32
  }
  func.func @transform_2(%arg0: i32) -> (i32, i32) {
    %c0_i32 = arith.constant 0 : i32
    %c0_i32_0 = arith.constant 0 : i32
    return %arg0, %c0_i32 : i32, i32
  }
  func.func @transform_3(%arg0: i32) -> (i32, i32) {
    %c0_i32 = arith.constant 0 : i32
    %c0_i32_0 = arith.constant 0 : i32
    %c0_i32_1 = arith.constant 0 : i32
    return %c0_i32, %c0_i32_0 : i32, i32
  }
  func.func @transform_4(%arg0: i32) -> (i32, i32) {
    %c0_i32 = arith.constant 0 : i32
    %c0_i32_0 = arith.constant 0 : i32
    %c0_i32_1 = arith.constant 0 : i32
    return %c0_i32, %c0_i32_0 : i32, i32
  }
  func.func @transform_5(%arg0: i32) -> (i32, i32) {
    %c0_i32 = arith.constant 0 : i32
    %c0_i32_0 = arith.constant 0 : i32
    %c0_i32_1 = arith.constant 0 : i32
    return %c0_i32, %c0_i32_0 : i32, i32
  }
  func.func @transform_6(%arg0: i32) -> (i32, i32) {
    %c0_i32 = arith.constant 0 : i32
    %c0_i32_0 = arith.constant 0 : i32
    %c0_i32_1 = arith.constant 0 : i32
    return %c0_i32, %c0_i32_0 : i32, i32
  }
  func.func @transform_7(%arg0: i32) -> (i32, i32) {
    %c0_i32 = arith.constant 0 : i32
    %c0_i32_0 = arith.constant 0 : i32
    %c0_i32_1 = arith.constant 0 : i32
    return %c0_i32, %c0_i32_0 : i32, i32
  }
  func.func @transform_8(%arg0: i32) -> (i32, i32) {
    %c0_i32 = arith.constant 0 : i32
    %c0_i32_0 = arith.constant 0 : i32
    %c0_i32_1 = arith.constant 0 : i32
    return %c0_i32, %c0_i32_0 : i32, i32
  }
  func.func @transform_9(%arg0: i32) -> (i32, i32) {
    %c0_i32 = arith.constant 0 : i32
    %c0_i32_0 = arith.constant 0 : i32
    return %arg0, %c0_i32 : i32, i32
  }
  func.func @transform_10(%arg0: i32) -> (i32, i32) {
    %c0_i32 = arith.constant 0 : i32
    %c0_i32_0 = arith.constant 0 : i32
    return %arg0, %c0_i32 : i32, i32
  }
  func.func @transform_11(%arg0: i32) -> (i32, i32) {
    %c0_i32 = arith.constant 0 : i32
    %c0_i32_0 = arith.constant 0 : i32
    return %arg0, %c0_i32 : i32, i32
  }
}

module attributes {stable_mosaic.version = 14 : i64} {
  func.func @_pool_k(%arg0: i32, %arg1: memref<1000x64xf32, #tpu.memory_space<vmem>>, %arg2: memref<1000x64xf32, #tpu.memory_space<vmem>>, %arg3: memref<1000x10xf32, #tpu.memory_space<vmem>>, %arg4: memref<10x64xf32, #tpu.memory_space<vmem>>, %arg5: memref<10x64xf32, #tpu.memory_space<vmem>>, %arg6: memref<10x64xf32, #tpu.memory_space<vmem>>, %arg7: memref<10x64xf32, #tpu.memory_space<vmem>>, %arg8: memref<1000x1xi32, #tpu.memory_space<vmem>>, %arg9: memref<64x64xf32, #tpu.memory_space<vmem>>, %arg10: memref<64x1xf32, #tpu.memory_space<vmem>>) attributes {dimension_semantics = [#tpu.dimension_semantics<arbitrary>], iteration_bounds = array<i64: 10>, scalar_prefetch = 0 : i64, scratch_operands = 0 : i64, tpu.core_type = #tpu.core_type<tc>, window_params = [{transform_indices = @transform_0, window_bounds = array<i64: 1000, 64>}, {transform_indices = @transform_1, window_bounds = array<i64: 1000, 64>}, {transform_indices = @transform_2, window_bounds = array<i64: 1000, 10>}, {pipeline_mode = #tpu.pipeline_mode<synchronous>, transform_indices = @transform_3, window_bounds = array<i64: 10, 64>}, {pipeline_mode = #tpu.pipeline_mode<synchronous>, transform_indices = @transform_4, window_bounds = array<i64: 10, 64>}, {pipeline_mode = #tpu.pipeline_mode<synchronous>, transform_indices = @transform_5, window_bounds = array<i64: 10, 64>}, {pipeline_mode = #tpu.pipeline_mode<synchronous>, transform_indices = @transform_6, window_bounds = array<i64: 10, 64>}, {transform_indices = @transform_7, window_bounds = array<i64: 1000, 1>}, {pipeline_mode = #tpu.pipeline_mode<synchronous>, transform_indices = @transform_8, window_bounds = array<i64: 64, 64>}, {pipeline_mode = #tpu.pipeline_mode<synchronous>, transform_indices = @transform_9, window_bounds = array<i64: 64, 1>}]} {
    %get3A = arith.constant 0 : index
    %get3A_0 = arith.constant 0 : index
    %get3A_1 = vector.load %arg1[%get3A, %get3A_0] : memref<1000x64xf32, #tpu.memory_space<vmem>>, vector<1000x64xf32>
    %get3A_2 = arith.constant 0 : index
    %get3A_3 = arith.constant 0 : index
    %get3A_4 = vector.load %arg2[%get3A_2, %get3A_3] : memref<1000x64xf32, #tpu.memory_space<vmem>>, vector<1000x64xf32>
    %get3A_5 = arith.constant 0 : index
    %get3A_6 = arith.constant 0 : index
    %get3A_7 = vector.load %arg3[%get3A_5, %get3A_6] : memref<1000x10xf32, #tpu.memory_space<vmem>>, vector<1000x10xf32>
    %get3A_8 = arith.constant 0 : index
    %get3A_9 = arith.constant 0 : index
    %get3A_10 = vector.load %arg5[%get3A_8, %get3A_9] : memref<10x64xf32, #tpu.memory_space<vmem>>, vector<10x64xf32>
    %get3A_11 = arith.constant 0 : index
    %get3A_12 = arith.constant 0 : index
    %get3A_13 = vector.load %arg4[%get3A_11, %get3A_12] : memref<10x64xf32, #tpu.memory_space<vmem>>, vector<10x64xf32>
    %get3A_14 = arith.constant 0 : index
    %get3A_15 = arith.constant 0 : index
    %get3A_16 = vector.load %arg4[%get3A_14, %get3A_15] : memref<10x64xf32, #tpu.memory_space<vmem>>, vector<10x64xf32>
    %mul3A = arith.mulf %get3A_13, %get3A_16 : vector<10x64xf32>
    %sub3A = arith.subf %get3A_10, %mul3A : vector<10x64xf32>
    %get3A_17 = arith.constant 0 : index
    %get3A_18 = arith.constant 0 : index
    %get3A_19 = vector.load %arg6[%get3A_17, %get3A_18] : memref<10x64xf32, #tpu.memory_space<vmem>>, vector<10x64xf32>
    %add3A = arith.constant 9.99999974E-6 : f32
    %add3A_20 = vector.broadcast %add3A : f32 to vector<10x64xf32>
    %add3A_21 = arith.addf %sub3A, %add3A_20 : vector<10x64xf32>
    %sqrt3A = math.sqrt %add3A_21 : vector<10x64xf32>
    %div3A = arith.divf %get3A_19, %sqrt3A : vector<10x64xf32>
    %get3A_22 = arith.constant 0 : index
    %get3A_23 = arith.constant 0 : index
    %get3A_24 = vector.load %arg7[%get3A_22, %get3A_23] : memref<10x64xf32, #tpu.memory_space<vmem>>, vector<10x64xf32>
    %get3A_25 = arith.constant 0 : index
    %get3A_26 = arith.constant 0 : index
    %get3A_27 = vector.load %arg4[%get3A_25, %get3A_26] : memref<10x64xf32, #tpu.memory_space<vmem>>, vector<10x64xf32>
    %mul3A_28 = arith.mulf %get3A_27, %div3A : vector<10x64xf32>
    %sub3A_29 = arith.subf %get3A_24, %mul3A_28 : vector<10x64xf32>
    %reduce_sum3A = arith.constant dense<0.000000e+00> : vector<64xf32>
    %reduce_sum3A_30 = vector.multi_reduction <add>, %sub3A_29, %reduce_sum3A [0] : vector<10x64xf32> to vector<64xf32>
    %broadcast_in_dim3A = vector.shape_cast %reduce_sum3A_30 : vector<64xf32> to vector<1x64xf32>
    %dot_general3A = arith.constant dense<0.000000e+00> : vector<1000x64xf32>
    %dot_general3A_31 = tpu.matmul %get3A_7, %div3A, %dot_general3A {dimension_numbers = #tpu.dot_dimension_numbers<[1], [0], [0], [1], [0, 0, 1, 1], [], []>, precision = #tpu.contract_precision<fp32>, transpose_lhs_hint = false} : vector<1000x10xf32>, vector<10x64xf32>, vector<1000x64xf32> -> vector<1000x64xf32>
    %mul3A_32 = arith.mulf %get3A_4, %dot_general3A_31 : vector<1000x64xf32>
    %add3A_33 = vector.broadcast %broadcast_in_dim3A : vector<1x64xf32> to vector<1000x64xf32>
    %add3A_34 = arith.addf %mul3A_32, %add3A_33 : vector<1000x64xf32>
    %mul3A_35 = arith.constant 0.00999999977 : f32
    %mul3A_36 = vector.broadcast %mul3A_35 : f32 to vector<1000x64xf32>
    %mul3A_37 = arith.mulf %mul3A_36, %add3A_34 : vector<1000x64xf32>
    %add3A_38 = arith.addf %get3A_4, %mul3A_37 : vector<1000x64xf32>
    %add3A_39 = arith.addf %add3A_38, %get3A_1 : vector<1000x64xf32>
    %iota3A = tpu.iota {dimensions = array<i32: 1>} : vector<1000x64xi32>
    %get3A_40 = arith.constant 0 : index
    %get3A_41 = arith.constant 0 : index
    %get3A_42 = vector.load %arg8[%get3A_40, %get3A_41] : memref<1000x1xi32, #tpu.memory_space<vmem>>, vector<1000x1xi32>
    %eq3A = vector.broadcast %get3A_42 : vector<1000x1xi32> to vector<1000x64xi32>
    %eq3A_43 = arith.cmpi eq, %eq3A, %iota3A : vector<1000x64xi32>
    %convert_element_type3A = arith.extui %eq3A_43 : vector<1000x64xi1> to vector<1000x64xi32>
    %convert_element_type3A_44 = arith.sitofp %convert_element_type3A : vector<1000x64xi32> to vector<1000x64xf32>
    %dot_general3A_45 = arith.constant dense<0.000000e+00> : vector<64x64xf32>
    %dot_general3A_46 = tpu.matmul %convert_element_type3A_44, %add3A_39, %dot_general3A_45 {dimension_numbers = #tpu.dot_dimension_numbers<[0], [0], [1], [1], [0, 1, 1, 1], [], []>, precision = #tpu.contract_precision<fp32>, transpose_lhs_hint = false} : vector<1000x64xf32>, vector<1000x64xf32>, vector<64x64xf32> -> vector<64x64xf32>
    %broadcast_in_dim3A_47 = arith.constant 1.000000e+00 : f32
    %broadcast_in_dim3A_48 = vector.broadcast %broadcast_in_dim3A_47 : f32 to vector<1000x1xf32>
    %dot_general3A_49 = arith.constant dense<0.000000e+00> : vector<64x1xf32>
    %dot_general3A_50 = tpu.matmul %convert_element_type3A_44, %broadcast_in_dim3A_48, %dot_general3A_49 {dimension_numbers = #tpu.dot_dimension_numbers<[0], [0], [1], [1], [0, 1, 1, 1], [], []>, precision = #tpu.contract_precision<fp32>, transpose_lhs_hint = false} : vector<1000x64xf32>, vector<1000x1xf32>, vector<64x1xf32> -> vector<64x1xf32>
    %eq3A_51 = arith.constant 0 : i32
    %eq3A_52 = arith.cmpi eq, %arg0, %eq3A_51 : i32
    %convert_element_type3A_53 = arith.extui %eq3A_52 : i1 to i32
    %cond3A = arith.constant 0 : i32
    %cond3A_54 = arith.cmpi ne, %convert_element_type3A_53, %cond3A : i32
    scf.if %cond3A_54 {
      %swap3A = arith.constant 0 : index
      %swap3A_59 = arith.constant 0 : index
      %swap3A_60 = vector.load %arg9[%swap3A, %swap3A_59] : memref<64x64xf32, #tpu.memory_space<vmem>>, vector<64x64xf32>
      tpu.vector_store %arg9[%swap3A, %swap3A_59], %dot_general3A_46 {strides = array<i32>} : memref<64x64xf32, #tpu.memory_space<vmem>>, vector<64x64xf32>,
      %swap3A_61 = arith.constant 0 : index
      %swap3A_62 = arith.constant 0 : index
      %swap3A_63 = vector.load %arg10[%swap3A_61, %swap3A_62] : memref<64x1xf32, #tpu.memory_space<vmem>>, vector<64x1xf32>
      tpu.vector_store %arg10[%swap3A_61, %swap3A_62], %dot_general3A_50 {strides = array<i32>} : memref<64x1xf32, #tpu.memory_space<vmem>>, vector<64x1xf32>,
    } else {
    }
    %gt3A = arith.constant 0 : i32
    %gt3A_55 = arith.cmpi sgt, %arg0, %gt3A : i32
    %convert_element_type3A_56 = arith.extui %gt3A_55 : i1 to i32
    %cond3A_57 = arith.constant 0 : i32
    %cond3A_58 = arith.cmpi ne, %convert_element_type3A_56, %cond3A_57 : i32
    scf.if %cond3A_58 {
      %get3A_59 = arith.constant 0 : index
      %get3A_60 = arith.constant 0 : index
      %get3A_61 = vector.load %arg9[%get3A_59, %get3A_60] : memref<64x64xf32, #tpu.memory_space<vmem>>, vector<64x64xf32>
      %add3A_62 = arith.addf %get3A_61, %dot_general3A_46 : vector<64x64xf32>
      %swap3A = arith.constant 0 : index
      %swap3A_63 = arith.constant 0 : index
      %swap3A_64 = vector.load %arg9[%swap3A, %swap3A_63] : memref<64x64xf32, #tpu.memory_space<vmem>>, vector<64x64xf32>
      tpu.vector_store %arg9[%swap3A, %swap3A_63], %add3A_62 {strides = array<i32>} : memref<64x64xf32, #tpu.memory_space<vmem>>, vector<64x64xf32>,
      %get3A_65 = arith.constant 0 : index
      %get3A_66 = arith.constant 0 : index
      %get3A_67 = vector.load %arg10[%get3A_65, %get3A_66] : memref<64x1xf32, #tpu.memory_space<vmem>>, vector<64x1xf32>
      %add3A_68 = arith.addf %get3A_67, %dot_general3A_50 : vector<64x1xf32>
      %swap3A_69 = arith.constant 0 : index
      %swap3A_70 = arith.constant 0 : index
      %swap3A_71 = vector.load %arg10[%swap3A_69, %swap3A_70] : memref<64x1xf32, #tpu.memory_space<vmem>>, vector<64x1xf32>
      tpu.vector_store %arg10[%swap3A_69, %swap3A_70], %add3A_68 {strides = array<i32>} : memref<64x1xf32, #tpu.memory_space<vmem>>, vector<64x1xf32>,
    } else {
    }
    return
  }
  func.func @transform_0(%arg0: i32) -> (i32, i32) {
    %c0_i32 = arith.constant 0 : i32
    %c0_i32_0 = arith.constant 0 : i32
    return %arg0, %c0_i32 : i32, i32
  }
  func.func @transform_1(%arg0: i32) -> (i32, i32) {
    %c0_i32 = arith.constant 0 : i32
    %c0_i32_0 = arith.constant 0 : i32
    return %arg0, %c0_i32 : i32, i32
  }
  func.func @transform_2(%arg0: i32) -> (i32, i32) {
    %c0_i32 = arith.constant 0 : i32
    %c0_i32_0 = arith.constant 0 : i32
    return %arg0, %c0_i32 : i32, i32
  }
  func.func @transform_3(%arg0: i32) -> (i32, i32) {
    %c0_i32 = arith.constant 0 : i32
    %c0_i32_0 = arith.constant 0 : i32
    %c0_i32_1 = arith.constant 0 : i32
    return %c0_i32, %c0_i32_0 : i32, i32
  }
  func.func @transform_4(%arg0: i32) -> (i32, i32) {
    %c0_i32 = arith.constant 0 : i32
    %c0_i32_0 = arith.constant 0 : i32
    %c0_i32_1 = arith.constant 0 : i32
    return %c0_i32, %c0_i32_0 : i32, i32
  }
  func.func @transform_5(%arg0: i32) -> (i32, i32) {
    %c0_i32 = arith.constant 0 : i32
    %c0_i32_0 = arith.constant 0 : i32
    %c0_i32_1 = arith.constant 0 : i32
    return %c0_i32, %c0_i32_0 : i32, i32
  }
  func.func @transform_6(%arg0: i32) -> (i32, i32) {
    %c0_i32 = arith.constant 0 : i32
    %c0_i32_0 = arith.constant 0 : i32
    %c0_i32_1 = arith.constant 0 : i32
    return %c0_i32, %c0_i32_0 : i32, i32
  }
  func.func @transform_7(%arg0: i32) -> (i32, i32) {
    %c0_i32 = arith.constant 0 : i32
    %c0_i32_0 = arith.constant 0 : i32
    return %arg0, %c0_i32 : i32, i32
  }
  func.func @transform_8(%arg0: i32) -> (i32, i32) {
    %c0_i32 = arith.constant 0 : i32
    %c0_i32_0 = arith.constant 0 : i32
    %c0_i32_1 = arith.constant 0 : i32
    return %c0_i32, %c0_i32_0 : i32, i32
  }
  func.func @transform_9(%arg0: i32) -> (i32, i32) {
    %c0_i32 = arith.constant 0 : i32
    %c0_i32_0 = arith.constant 0 : i32
    %c0_i32_1 = arith.constant 0 : i32
    return %c0_i32, %c0_i32_0 : i32, i32
  }
}

module attributes {stable_mosaic.version = 14 : i64} {
  func.func @_head_k(%arg0: memref<64x64xf32, #tpu.memory_space<vmem>>, %arg1: memref<64x1xf32, #tpu.memory_space<vmem>>, %arg2: memref<64x64xf32, #tpu.memory_space<vmem>>, %arg3: memref<64x64xf32, #tpu.memory_space<vmem>>, %arg4: memref<1x64xf32, #tpu.memory_space<vmem>>, %arg5: memref<1x64xf32, #tpu.memory_space<vmem>>, %arg6: memref<1x64xf32, #tpu.memory_space<vmem>>, %arg7: memref<1x64xf32, #tpu.memory_space<vmem>>, %arg8: memref<1x1xf32, #tpu.memory_space<vmem>>, %arg9: memref<1x1xf32, #tpu.memory_space<vmem>>, %arg10: memref<64x64xf32, #tpu.memory_space<vmem>>, %arg11: memref<1x64xf32, #tpu.memory_space<vmem>>, %arg12: memref<1x64xf32, #tpu.memory_space<vmem>>, %arg13: memref<1x1xf32, #tpu.memory_space<vmem>>, %arg14: memref<64x1xf32, #tpu.memory_space<vmem>>, %arg15: memref<1x1xf32, #tpu.memory_space<vmem>>) attributes {dimension_semantics = [], scalar_prefetch = 0 : i64, scratch_operands = 0 : i64, tpu.core_type = #tpu.core_type<tc>} {
    %get3A = arith.constant 0 : index
    %get3A_0 = arith.constant 0 : index
    %get3A_1 = vector.load %arg0[%get3A, %get3A_0] : memref<64x64xf32, #tpu.memory_space<vmem>>, vector<64x64xf32>
    %get3A_2 = arith.constant 0 : index
    %get3A_3 = arith.constant 0 : index
    %get3A_4 = vector.load %arg1[%get3A_2, %get3A_3] : memref<64x1xf32, #tpu.memory_space<vmem>>, vector<64x1xf32>
    %max3A = arith.constant 1.000000e+00 : f32
    %max3A_5 = vector.broadcast %max3A : f32 to vector<64x1xf32>
    %max3A_6 = arith.maximumf %get3A_4, %max3A_5 : vector<64x1xf32>
    %div3A = vector.broadcast %max3A_6 : vector<64x1xf32> to vector<64x64xf32>
    %div3A_7 = arith.divf %get3A_1, %div3A : vector<64x64xf32>
    %get3A_8 = arith.constant 0 : index
    %get3A_9 = arith.constant 0 : index
    %get3A_10 = vector.load %arg3[%get3A_8, %get3A_9] : memref<64x64xf32, #tpu.memory_space<vmem>>, vector<64x64xf32>
    %custom_jvp_call3A = arith.constant 0.000000e+00 : f32
    %max3A_11 = vector.broadcast %custom_jvp_call3A : f32 to vector<64x64xf32>
    %max3A_12 = arith.maximumf %get3A_10, %max3A_11 : vector<64x64xf32>
    %sub3A = vector.broadcast %custom_jvp_call3A : f32 to vector<64x64xf32>
    %sub3A_13 = arith.subf %get3A_10, %sub3A : vector<64x64xf32>
    %ne3A = arith.cmpf one, %sub3A_13, %sub3A_13 : vector<64x64xf32>
    %add3A = vector.broadcast %custom_jvp_call3A : f32 to vector<64x64xf32>
    %add3A_14 = arith.addf %get3A_10, %add3A : vector<64x64xf32>
    %abs3A = math.absf %sub3A_13 : vector<64x64xf32>
    %neg3A = arith.constant 0.000000e+00 : f32
    %neg3A_15 = vector.broadcast %neg3A : f32 to vector<64x64xf32>
    %neg3A_16 = arith.subf %neg3A_15, %abs3A : vector<64x64xf32>
    %exp3A = math.exp %neg3A_16 : vector<64x64xf32>
    %log1p3A = math.log1p %exp3A : vector<64x64xf32>
    %add3A_17 = arith.addf %max3A_12, %log1p3A : vector<64x64xf32>
    %select_n3A = arith.select %ne3A, %add3A_14, %add3A_17 : vector<64x64xi1>, vector<64x64xf32>
    %get3A_18 = arith.constant 0 : index
    %get3A_19 = arith.constant 0 : index
    %get3A_20 = vector.load %arg5[%get3A_18, %get3A_19] : memref<1x64xf32, #tpu.memory_space<vmem>>, vector<1x64xf32>
    %custom_jvp_call3A_21 = arith.constant 0.000000e+00 : f32
    %max3A_22 = vector.broadcast %custom_jvp_call3A_21 : f32 to vector<1x64xf32>
    %max3A_23 = arith.maximumf %get3A_20, %max3A_22 : vector<1x64xf32>
    %sub3A_24 = vector.broadcast %custom_jvp_call3A_21 : f32 to vector<1x64xf32>
    %sub3A_25 = arith.subf %get3A_20, %sub3A_24 : vector<1x64xf32>
    %ne3A_26 = arith.cmpf one, %sub3A_25, %sub3A_25 : vector<1x64xf32>
    %add3A_27 = vector.broadcast %custom_jvp_call3A_21 : f32 to vector<1x64xf32>
    %add3A_28 = arith.addf %get3A_20, %add3A_27 : vector<1x64xf32>
    %abs3A_29 = math.absf %sub3A_25 : vector<1x64xf32>
    %neg3A_30 = arith.constant 0.000000e+00 : f32
    %neg3A_31 = vector.broadcast %neg3A_30 : f32 to vector<1x64xf32>
    %neg3A_32 = arith.subf %neg3A_31, %abs3A_29 : vector<1x64xf32>
    %exp3A_33 = math.exp %neg3A_32 : vector<1x64xf32>
    %log1p3A_34 = math.log1p %exp3A_33 : vector<1x64xf32>
    %add3A_35 = arith.addf %max3A_23, %log1p3A_34 : vector<1x64xf32>
    %select_n3A_36 = arith.select %ne3A_26, %add3A_28, %add3A_35 : vector<1x64xi1>, vector<1x64xf32>
    %get3A_37 = arith.constant 0 : index
    %get3A_38 = arith.constant 0 : index
    %get3A_39 = vector.load %arg2[%get3A_37, %get3A_38] : memref<64x64xf32, #tpu.memory_space<vmem>>, vector<64x64xf32>
    %get3A_40 = arith.constant 0 : index
    %get3A_41 = arith.constant 0 : index
    %get3A_42 = vector.load %arg10[%get3A_40, %get3A_41] : memref<64x64xf32, #tpu.memory_space<vmem>>, vector<64x64xf32>
    %mul3A = arith.mulf %select_n3A, %get3A_42 : vector<64x64xf32>
    %add3A_43 = arith.addf %get3A_39, %mul3A : vector<64x64xf32>
    %get3A_44 = arith.constant 0 : index
    %get3A_45 = arith.constant 0 : index
    %get3A_46 = vector.load %arg4[%get3A_44, %get3A_45] : memref<1x64xf32, #tpu.memory_space<vmem>>, vector<1x64xf32>
    %get3A_47 = arith.constant 0 : index
    %get3A_48 = arith.constant 0 : index
    %get3A_49 = vector.load %arg11[%get3A_47, %get3A_48] : memref<1x64xf32, #tpu.memory_space<vmem>>, vector<1x64xf32>
    %mul3A_50 = arith.mulf %select_n3A_36, %get3A_49 : vector<1x64xf32>
    %add3A_51 = arith.addf %get3A_46, %mul3A_50 : vector<1x64xf32>
    %dot_general3A = arith.constant dense<0.000000e+00> : vector<64x64xf32>
    %dot_general3A_52 = tpu.matmul %div3A_7, %add3A_43, %dot_general3A {dimension_numbers = #tpu.dot_dimension_numbers<[1], [1], [0], [0], [0, 0, 1, 0], [], []>, precision = #tpu.contract_precision<fp32>, transpose_lhs_hint = false} : vector<64x64xf32>, vector<64x64xf32>, vector<64x64xf32> -> vector<64x64xf32>
    %add3A_53 = vector.broadcast %add3A_51 : vector<1x64xf32> to vector<64x64xf32>
    %add3A_54 = arith.addf %dot_general3A_52, %add3A_53 : vector<64x64xf32>
    %max3A_55 = arith.constant 0.000000e+00 : f32
    %max3A_56 = vector.broadcast %max3A_55 : f32 to vector<64x64xf32>
    %max3A_57 = arith.maximumf %add3A_54, %max3A_56 : vector<64x64xf32>
    %get3A_58 = arith.constant 0 : index
    %get3A_59 = arith.constant 0 : index
    %get3A_60 = vector.load %arg7[%get3A_58, %get3A_59] : memref<1x64xf32, #tpu.memory_space<vmem>>, vector<1x64xf32>
    %custom_jvp_call3A_61 = arith.constant 0.000000e+00 : f32
    %max3A_62 = vector.broadcast %custom_jvp_call3A_61 : f32 to vector<1x64xf32>
    %max3A_63 = arith.maximumf %get3A_60, %max3A_62 : vector<1x64xf32>
    %sub3A_64 = vector.broadcast %custom_jvp_call3A_61 : f32 to vector<1x64xf32>
    %sub3A_65 = arith.subf %get3A_60, %sub3A_64 : vector<1x64xf32>
    %ne3A_66 = arith.cmpf one, %sub3A_65, %sub3A_65 : vector<1x64xf32>
    %add3A_67 = vector.broadcast %custom_jvp_call3A_61 : f32 to vector<1x64xf32>
    %add3A_68 = arith.addf %get3A_60, %add3A_67 : vector<1x64xf32>
    %abs3A_69 = math.absf %sub3A_65 : vector<1x64xf32>
    %neg3A_70 = arith.constant 0.000000e+00 : f32
    %neg3A_71 = vector.broadcast %neg3A_70 : f32 to vector<1x64xf32>
    %neg3A_72 = arith.subf %neg3A_71, %abs3A_69 : vector<1x64xf32>
    %exp3A_73 = math.exp %neg3A_72 : vector<1x64xf32>
    %log1p3A_74 = math.log1p %exp3A_73 : vector<1x64xf32>
    %add3A_75 = arith.addf %max3A_63, %log1p3A_74 : vector<1x64xf32>
    %select_n3A_76 = arith.select %ne3A_66, %add3A_68, %add3A_75 : vector<1x64xi1>, vector<1x64xf32>
    %get3A_77 = arith.constant 0 : index
    %get3A_78 = arith.constant 0 : index
    %get3A_79 = vector.load %arg9[%get3A_77, %get3A_78] : memref<1x1xf32, #tpu.memory_space<vmem>>, vector<1x1xf32>
    %custom_jvp_call3A_80 = arith.constant 0.000000e+00 : f32
    %max3A_81 = vector.broadcast %custom_jvp_call3A_80 : f32 to vector<1x1xf32>
    %max3A_82 = arith.maximumf %get3A_79, %max3A_81 : vector<1x1xf32>
    %sub3A_83 = vector.broadcast %custom_jvp_call3A_80 : f32 to vector<1x1xf32>
    %sub3A_84 = arith.subf %get3A_79, %sub3A_83 : vector<1x1xf32>
    %ne3A_85 = arith.cmpf one, %sub3A_84, %sub3A_84 : vector<1x1xf32>
    %add3A_86 = vector.broadcast %custom_jvp_call3A_80 : f32 to vector<1x1xf32>
    %add3A_87 = arith.addf %get3A_79, %add3A_86 : vector<1x1xf32>
    %abs3A_88 = math.absf %sub3A_84 : vector<1x1xf32>
    %neg3A_89 = arith.constant 0.000000e+00 : f32
    %neg3A_90 = vector.broadcast %neg3A_89 : f32 to vector<1x1xf32>
    %neg3A_91 = arith.subf %neg3A_90, %abs3A_88 : vector<1x1xf32>
    %exp3A_92 = math.exp %neg3A_91 : vector<1x1xf32>
    %log1p3A_93 = math.log1p %exp3A_92 : vector<1x1xf32>
    %add3A_94 = arith.addf %max3A_82, %log1p3A_93 : vector<1x1xf32>
    %select_n3A_95 = arith.select %ne3A_85, %add3A_87, %add3A_94 : vector<1x1xi1>, vector<1x1xf32>
    %get3A_96 = arith.constant 0 : index
    %get3A_97 = arith.constant 0 : index
    %get3A_98 = vector.load %arg6[%get3A_96, %get3A_97] : memref<1x64xf32, #tpu.memory_space<vmem>>, vector<1x64xf32>
    %get3A_99 = arith.constant 0 : index
    %get3A_100 = arith.constant 0 : index
    %get3A_101 = vector.load %arg12[%get3A_99, %get3A_100] : memref<1x64xf32, #tpu.memory_space<vmem>>, vector<1x64xf32>
    %mul3A_102 = arith.mulf %select_n3A_76, %get3A_101 : vector<1x64xf32>
    %add3A_103 = arith.addf %get3A_98, %mul3A_102 : vector<1x64xf32>
    %get3A_104 = arith.constant 0 : index
    %get3A_105 = arith.constant 0 : index
    %get3A_106 = vector.load %arg8[%get3A_104, %get3A_105] : memref<1x1xf32, #tpu.memory_space<vmem>>, vector<1x1xf32>
    %get3A_107 = arith.constant 0 : index
    %get3A_108 = arith.constant 0 : index
    %get3A_109 = vector.load %arg13[%get3A_107, %get3A_108] : memref<1x1xf32, #tpu.memory_space<vmem>>, vector<1x1xf32>
    %mul3A_110 = arith.mulf %select_n3A_95, %get3A_109 : vector<1x1xf32>
    %add3A_111 = arith.addf %get3A_106, %mul3A_110 : vector<1x1xf32>
    %mul3A_112 = vector.broadcast %add3A_103 : vector<1x64xf32> to vector<64x64xf32>
    %mul3A_113 = arith.mulf %max3A_57, %mul3A_112 : vector<64x64xf32>
    %reduce_sum3A = arith.constant dense<0.000000e+00> : vector<64xf32>
    %reduce_sum3A_114 = vector.multi_reduction <add>, %mul3A_113, %reduce_sum3A [1] : vector<64x64xf32> to vector<64xf32>
    %broadcast_in_dim3A = vector.shape_cast %reduce_sum3A_114 : vector<64xf32> to vector<64x1xf32>
    %add3A_115 = vector.broadcast %add3A_111 : vector<1x1xf32> to vector<64x1xf32>
    %add3A_116 = arith.addf %broadcast_in_dim3A, %add3A_115 : vector<64x1xf32>
    %swap3A = arith.constant 0 : index
    %swap3A_117 = arith.constant 0 : index
    %swap3A_118 = vector.load %arg14[%swap3A, %swap3A_117] : memref<64x1xf32, #tpu.memory_space<vmem>>, vector<64x1xf32>
    tpu.vector_store %arg14[%swap3A, %swap3A_117], %add3A_116 {strides = array<i32>} : memref<64x1xf32, #tpu.memory_space<vmem>>, vector<64x1xf32>,
    %get3A_119 = arith.constant 0 : index
    %get3A_120 = arith.constant 0 : index
    %get3A_121 = vector.load %arg2[%get3A_119, %get3A_120] : memref<64x64xf32, #tpu.memory_space<vmem>>, vector<64x64xf32>
    %log3A = math.log %select_n3A : vector<64x64xf32>
    %sub3A_122 = arith.constant -0.366512924 : f32
    %sub3A_123 = vector.broadcast %sub3A_122 : f32 to vector<64x64xf32>
    %sub3A_124 = arith.subf %sub3A_123, %log3A : vector<64x64xf32>
    %mul3A_125 = arith.constant 2.000000e+00 : f32
    %mul3A_126 = vector.broadcast %mul3A_125 : f32 to vector<64x64xf32>
    %mul3A_127 = arith.mulf %mul3A_126, %sub3A_124 : vector<64x64xf32>
    %mul3A_128 = arith.mulf %select_n3A, %select_n3A : vector<64x64xf32>
    %mul3A_129 = arith.mulf %get3A_121, %get3A_121 : vector<64x64xf32>
    %add3A_130 = arith.addf %mul3A_128, %mul3A_129 : vector<64x64xf32>
    %mul3A_131 = arith.constant 2.08136892 : f32
    %mul3A_132 = vector.broadcast %mul3A_131 : f32 to vector<64x64xf32>
    %mul3A_133 = arith.mulf %add3A_130, %mul3A_132 : vector<64x64xf32>
    %add3A_134 = arith.addf %mul3A_127, %mul3A_133 : vector<64x64xf32>
    %sub3A_135 = arith.constant 1.000000e+00 : f32
    %sub3A_136 = vector.broadcast %sub3A_135 : f32 to vector<64x64xf32>
    %sub3A_137 = arith.subf %add3A_134, %sub3A_136 : vector<64x64xf32>
    %reduce_sum3A_138 = vector.shape_cast %sub3A_137 : vector<64x64xf32> to vector<1x64x64xf32>
    %reduce_sum3A_139 = arith.constant dense<0.000000e+00> : vector<1xf32>
    %reduce_sum3A_140 = vector.multi_reduction <add>, %reduce_sum3A_138, %reduce_sum3A_139 [1, 2] : vector<1x64x64xf32> to vector<1xf32>
    %reduce_sum3A_141 = vector.shape_cast %reduce_sum3A_140 : vector<1xf32> to vector<1x1x1xf32>
    %reduce_sum3A_142 = vector.extract %reduce_sum3A_141[0, 0, 0] : f32 from vector<1x1x1xf32>
    %mul3A_143 = arith.constant 5.000000e-01 : f32
    %mul3A_144 = arith.mulf %mul3A_143, %reduce_sum3A_142 : f32
    %get3A_145 = arith.constant 0 : index
    %get3A_146 = arith.constant 0 : index
    %get3A_147 = vector.load %arg4[%get3A_145, %get3A_146] : memref<1x64xf32, #tpu.memory_space<vmem>>, vector<1x64xf32>
    %log3A_148 = math.log %select_n3A_36 : vector<1x64xf32>
    %sub3A_149 = arith.constant -0.366512924 : f32
    %sub3A_150 = vector.broadcast %sub3A_149 : f32 to vector<1x64xf32>
    %sub3A_151 = arith.subf %sub3A_150, %log3A_148 : vector<1x64xf32>
    %mul3A_152 = arith.constant 2.000000e+00 : f32
    %mul3A_153 = vector.broadcast %mul3A_152 : f32 to vector<1x64xf32>
    %mul3A_154 = arith.mulf %mul3A_153, %sub3A_151 : vector<1x64xf32>
    %mul3A_155 = arith.mulf %select_n3A_36, %select_n3A_36 : vector<1x64xf32>
    %mul3A_156 = arith.mulf %get3A_147, %get3A_147 : vector<1x64xf32>
    %add3A_157 = arith.addf %mul3A_155, %mul3A_156 : vector<1x64xf32>
    %mul3A_158 = arith.constant 2.08136892 : f32
    %mul3A_159 = vector.broadcast %mul3A_158 : f32 to vector<1x64xf32>
    %mul3A_160 = arith.mulf %add3A_157, %mul3A_159 : vector<1x64xf32>
    %add3A_161 = arith.addf %mul3A_154, %mul3A_160 : vector<1x64xf32>
    %sub3A_162 = arith.constant 1.000000e+00 : f32
    %sub3A_163 = vector.broadcast %sub3A_162 : f32 to vector<1x64xf32>
    %sub3A_164 = arith.subf %add3A_161, %sub3A_163 : vector<1x64xf32>
    %reduce_sum3A_165 = vector.shape_cast %sub3A_164 : vector<1x64xf32> to vector<1x1x64xf32>
    %reduce_sum3A_166 = arith.constant dense<0.000000e+00> : vector<1xf32>
    %reduce_sum3A_167 = vector.multi_reduction <add>, %reduce_sum3A_165, %reduce_sum3A_166 [1, 2] : vector<1x1x64xf32> to vector<1xf32>
    %reduce_sum3A_168 = vector.shape_cast %reduce_sum3A_167 : vector<1xf32> to vector<1x1x1xf32>
    %reduce_sum3A_169 = vector.extract %reduce_sum3A_168[0, 0, 0] : f32 from vector<1x1x1xf32>
    %mul3A_170 = arith.constant 5.000000e-01 : f32
    %mul3A_171 = arith.mulf %mul3A_170, %reduce_sum3A_169 : f32
    %add3A_172 = arith.addf %mul3A_144, %mul3A_171 : f32
    %get3A_173 = arith.constant 0 : index
    %get3A_174 = arith.constant 0 : index
    %get3A_175 = vector.load %arg6[%get3A_173, %get3A_174] : memref<1x64xf32, #tpu.memory_space<vmem>>, vector<1x64xf32>
    %log3A_176 = math.log %select_n3A_76 : vector<1x64xf32>
    %sub3A_177 = arith.constant -0.366512924 : f32
    %sub3A_178 = vector.broadcast %sub3A_177 : f32 to vector<1x64xf32>
    %sub3A_179 = arith.subf %sub3A_178, %log3A_176 : vector<1x64xf32>
    %mul3A_180 = arith.constant 2.000000e+00 : f32
    %mul3A_181 = vector.broadcast %mul3A_180 : f32 to vector<1x64xf32>
    %mul3A_182 = arith.mulf %mul3A_181, %sub3A_179 : vector<1x64xf32>
    %mul3A_183 = arith.mulf %select_n3A_76, %select_n3A_76 : vector<1x64xf32>
    %mul3A_184 = arith.mulf %get3A_175, %get3A_175 : vector<1x64xf32>
    %add3A_185 = arith.addf %mul3A_183, %mul3A_184 : vector<1x64xf32>
    %mul3A_186 = arith.constant 2.08136892 : f32
    %mul3A_187 = vector.broadcast %mul3A_186 : f32 to vector<1x64xf32>
    %mul3A_188 = arith.mulf %add3A_185, %mul3A_187 : vector<1x64xf32>
    %add3A_189 = arith.addf %mul3A_182, %mul3A_188 : vector<1x64xf32>
    %sub3A_190 = arith.constant 1.000000e+00 : f32
    %sub3A_191 = vector.broadcast %sub3A_190 : f32 to vector<1x64xf32>
    %sub3A_192 = arith.subf %add3A_189, %sub3A_191 : vector<1x64xf32>
    %reduce_sum3A_193 = vector.shape_cast %sub3A_192 : vector<1x64xf32> to vector<1x1x64xf32>
    %reduce_sum3A_194 = arith.constant dense<0.000000e+00> : vector<1xf32>
    %reduce_sum3A_195 = vector.multi_reduction <add>, %reduce_sum3A_193, %reduce_sum3A_194 [1, 2] : vector<1x1x64xf32> to vector<1xf32>
    %reduce_sum3A_196 = vector.shape_cast %reduce_sum3A_195 : vector<1xf32> to vector<1x1x1xf32>
    %reduce_sum3A_197 = vector.extract %reduce_sum3A_196[0, 0, 0] : f32 from vector<1x1x1xf32>
    %mul3A_198 = arith.constant 5.000000e-01 : f32
    %mul3A_199 = arith.mulf %mul3A_198, %reduce_sum3A_197 : f32
    %add3A_200 = arith.addf %add3A_172, %mul3A_199 : f32
    %get3A_201 = arith.constant 0 : index
    %get3A_202 = arith.constant 0 : index
    %get3A_203 = vector.load %arg8[%get3A_201, %get3A_202] : memref<1x1xf32, #tpu.memory_space<vmem>>, vector<1x1xf32>
    %log3A_204 = math.log %select_n3A_95 : vector<1x1xf32>
    %sub3A_205 = arith.constant -0.366512924 : f32
    %sub3A_206 = vector.broadcast %sub3A_205 : f32 to vector<1x1xf32>
    %sub3A_207 = arith.subf %sub3A_206, %log3A_204 : vector<1x1xf32>
    %mul3A_208 = arith.constant 2.000000e+00 : f32
    %mul3A_209 = vector.broadcast %mul3A_208 : f32 to vector<1x1xf32>
    %mul3A_210 = arith.mulf %mul3A_209, %sub3A_207 : vector<1x1xf32>
    %mul3A_211 = arith.mulf %select_n3A_95, %select_n3A_95 : vector<1x1xf32>
    %mul3A_212 = arith.mulf %get3A_203, %get3A_203 : vector<1x1xf32>
    %add3A_213 = arith.addf %mul3A_211, %mul3A_212 : vector<1x1xf32>
    %mul3A_214 = arith.constant 2.08136892 : f32
    %mul3A_215 = vector.broadcast %mul3A_214 : f32 to vector<1x1xf32>
    %mul3A_216 = arith.mulf %add3A_213, %mul3A_215 : vector<1x1xf32>
    %add3A_217 = arith.addf %mul3A_210, %mul3A_216 : vector<1x1xf32>
    %sub3A_218 = arith.constant 1.000000e+00 : f32
    %sub3A_219 = vector.broadcast %sub3A_218 : f32 to vector<1x1xf32>
    %sub3A_220 = arith.subf %add3A_217, %sub3A_219 : vector<1x1xf32>
    %reduce_sum3A_221 = vector.shape_cast %sub3A_220 : vector<1x1xf32> to vector<1x1x1xf32>
    %reduce_sum3A_222 = arith.constant dense<0.000000e+00> : vector<1xf32>
    %reduce_sum3A_223 = vector.multi_reduction <add>, %reduce_sum3A_221, %reduce_sum3A_222 [1, 2] : vector<1x1x1xf32> to vector<1xf32>
    %reduce_sum3A_224 = vector.shape_cast %reduce_sum3A_223 : vector<1xf32> to vector<1x1x1xf32>
    %reduce_sum3A_225 = vector.extract %reduce_sum3A_224[0, 0, 0] : f32 from vector<1x1x1xf32>
    %mul3A_226 = arith.constant 5.000000e-01 : f32
    %mul3A_227 = arith.mulf %mul3A_226, %reduce_sum3A_225 : f32
    %add3A_228 = arith.addf %add3A_200, %mul3A_227 : f32
    %reshape3A = vector.broadcast %add3A_228 : f32 to vector<1x1xf32>
    %swap3A_229 = arith.constant 0 : index
    %swap3A_230 = arith.constant 0 : index
    %swap3A_231 = vector.load %arg15[%swap3A_229, %swap3A_230] : memref<1x1xf32, #tpu.memory_space<vmem>>, vector<1x1xf32>
    tpu.vector_store %arg15[%swap3A_229, %swap3A_230], %reshape3A {strides = array<i32>} : memref<1x1xf32, #tpu.memory_space<vmem>>, vector<1x1xf32>,
    return
  }
}

</mosaic_0001>

<sc_bundles>
// kernel: kernel.22.cloned.1.call-start
scs
__scs_entry_jumppad:
0x0: {  	(pc) =	sbr.rel $0x88, $3  }
0x1: {  	(tag) =	ssettag $0x0;
	lr =	simm.s32 $0x1  }
0x2: {  	[smem:$0x3F7B] =	sst lr;
	_ =	strace $0xD0000000  }
0x3: {  	_ = 	snop  }
0x4: {  	_ = 	snop  }
0x5: {  	_ = 	snop  }
0x6: {  	_ = 	snop  }
0x7: {  	_ = 	snop  }
__scs_overlays_trampoline_lowered:
0x8: {  	[smem:$0x3F8A] =	sst s0  }
0x9: {  	[smem:$0x3F8B] =	sst s1  }
0xa: {  	[smem:$0x3F8C] =	sst s2  }
0xb: {  	[smem:$0x3F8D] =	sst s3  }
0xc: {  	[smem:$0x3F8E] =	sst s4  }
0xd: {  	[smem:$0x3F8F] =	sst s5  }
0xe: {  	[smem:$0x3F90] =	sst s6  }
0xf: {  	[smem:$0x3F91] =	sst s7  }
0x10: {  	[smem:$0x3F92] =	sst s8  }
0x11: {  	[smem:$0x3F93] =	sst s9;
	s0 =	simm.s32 @!p0 $0x0  }
0x12: {  	s1 =	sld [smem:$0x3F79];
	s0 =	simm.s32 @p0 $0x1  }
0x13: {  	[smem:$0x3F94] =	sst s0;
	s0 =	simm.s32 @!p1 $0x0  }
0x14: {  	s2 =	sld [smem:$0x3F78];
	s0 =	simm.s32 @p1 $0x1  }
0x15: {  	[smem:$0x3F95] =	sst s0;
	s0 =	simm.s32 @!p2 $0x0  }
0x16: {  	s3 =	sld [smem:$0x3FDB];
	s0 =	simm.s32 @p2 $0x1  }
0x17: {  	s4 =	simm.s32 $0x1BF5;
	[smem:$0x3F97] =	sst s0  }
0x18: {  	s0 =	sld [smem:$0x3F7A];
	_ =	swait.ge [sflag:s4], $0x0  }
0x19: {  	s7 =	sld [smem:$0x3F7B]  }
0x1a: {  	s8 =	sadd.s32 $0xFFFFE003, lr  }
0x1b: {  	s9 =	sadd.s32 $0xFFFFFEF7, lr;
	s5 =	simm.s32 $0xFFFFFFFF;
	p2 =	slt.u32 s8, $0xFFFFF086  }
0x1c: {  	p1 =	slt.u32 s9, $0xF7A;
	s5 =	simm.s32 @!p2 $0x0  }
0x1d: {  	s5 =	simm.s32 @p1 $0x1;
	p0 =	seq.s32 s7, s2  }
0x1e: {  	s7 =	smul.u32 @!p0 $0xF7A, s2;
	p2 =	seq.s32 @!p0 s5, $0x0  }
0x1f: {  	s9 =	smul.u32 $0xF7A, s1;
	s8 =	simm.s32 @!p0 $0x1BF5;
	p2 =	por !p2, p0  }
0x20: {  	[sflag:s8] =	ssyncset.s32 @!p0 $0xFFFFF086;
	s6 =	sadd.s32 @!p0 s3, s7;
	s7 =	simm.s32 @!p0 $0x108  }
0x21: {  	s3 =	sadd.s32 s3, s9;
	s6 =	sadd.s32 @!p0 $0x88, s6;
	s7 =	simm.s32 @p2 $0x1082  }
0x22: {  	[simem:s7], [sflag:s8] =	dma.local @!p0 [hbm:s6], $0xF7A  }
0x23: {  	s9 =	sor.u32 $0xD0000000, s2;
	s6 =	simm.s32 $0x108;
	_ =	swait.ge @!p0 [sflag:s8], $0x0  }
0x24: {  	s3 =	sadd.s32 $0x88, s3;
	s6 =	simm.s32 @!p1 $0x1082;
	[sflag:s4] =	ssyncset.s32 $0xFFFFF086  }
0x25: {  	[simem:s6], [sflag:s4] =	dma.local [hbm:s3], $0xF7A  }
0x26: {  	[smem:$0x3F7B] =	sst s1;
	(tag) =	ssettag s2;
	_ =	strace s9  }
0x27: {  	s1 =	sld [smem:$0x3F8B]  }
0x28: {  	s2 =	sld [smem:$0x3F8C]  }
0x29: {  	s4 =	sld [smem:$0x3F8E]  }
0x2a: {  	p0 =	seq.s32 s5, $0x0;
	s5 =	sld [smem:$0x3F8F]  }
0x2b: {  	s6 =	sld [smem:$0x3F90]  }
0x2c: {  	s7 =	sld [smem:$0x3F91]  }
0x2d: {  	s3 =	simm.s32 $0x108;
	s8 =	sld [smem:$0x3F92]  }
0x2e: {  	s3 =	simm.s32 @!p0 $0x1082;
	s9 =	sld [smem:$0x3F93]  }
0x2f: {  	lr =	sadd.s32 s0, s3;
	s0 =	sld [smem:$0x3F8A]  }
0x30: {  	s3 =	sld [smem:$0x3F8D]  }
0x31: {  	[smem:$0x3F96] =	sst s10  }
0x32: {  	s10 =	sld [smem:$0x3F94];
	_ =	sdelay $0x3  }
0x33: {  	p0 =	seq.s32 s10, $0x1;
	s10 =	sld [smem:$0x3F96];
	_ =	sdelay $0x3  }
0x34: {  	[smem:$0x3F96] =	sst s10  }
0x35: {  	s10 =	sld [smem:$0x3F95];
	_ =	sdelay $0x3  }
0x36: {  	p1 =	seq.s32 s10, $0x1;
	s10 =	sld [smem:$0x3F96];
	_ =	sdelay $0x3  }
0x37: {  	[smem:$0x3F96] =	sst s10  }
0x38: {  	s10 =	sld [smem:$0x3F97]  }
0x39: {  	_ = 	snop;
	(pc) =	sbr.ind lr, $3  }
0x3a: {  	_ = 	snop  }
0x3b: {  	_ = 	snop  }
0x3c: {  	p2 =	seq.s32 s10, $0x1;
	s10 =	sld [smem:$0x3F96]  }
0x3d: {  	_ =	shalt  }
0x3e: {  	_ =	shalt  }
0x3f: {  	_ =	shalt  }
0x40: {  	_ =	shalt  }
0x41: {  	_ =	shalt  }
0x42: {  	_ =	shalt  }
0x43: {  	_ =	shalt  }
0x44: {  	_ =	shalt  }
0x45: {  	_ =	shalt  }
0x46: {  	_ =	shalt  }
0x47: {  	_ =	shalt  }
0x48: {  	_ =	shalt  }
0x49: {  	_ =	shalt  }
0x4a: {  	_ =	shalt  }
0x4b: {  	_ =	shalt  }
0x4c: {  	_ =	shalt  }
0x4d: {  	_ =	shalt  }
0x4e: {  	_ =	shalt  }
0x4f: {  	_ =	shalt  }
0x50: {  	_ =	shalt  }
0x51: {  	_ =	shalt  }
0x52: {  	_ =	shalt  }
0x53: {  	_ =	shalt  }
0x54: {  	_ =	shalt  }
0x55: {  	_ =	shalt  }
0x56: {  	_ =	shalt  }
0x57: {  	_ =	shalt  }
0x58: {  	_ =	shalt  }
0x59: {  	_ =	shalt  }
0x5a: {  	_ =	shalt  }
0x5b: {  	_ =	shalt  }
0x5c: {  	_ =	shalt  }
0x5d: {  	_ =	shalt  }
0x5e: {  	_ =	shalt  }
0x5f: {  	_ =	shalt  }
0x60: {  	_ =	shalt  }
0x61: {  	_ =	shalt  }
0x62: {  	_ =	shalt  }
0x63: {  	_ =	shalt  }
0x64: {  	_ =	shalt  }
0x65: {  	_ =	shalt  }
0x66: {  	_ =	shalt  }
0x67: {  	_ =	shalt  }
0x68: {  	_ =	shalt  }
0x69: {  	_ =	shalt  }
0x6a: {  	_ =	shalt  }
0x6b: {  	_ =	shalt  }
0x6c: {  	_ =	shalt  }
0x6d: {  	_ =	shalt  }
0x6e: {  	_ =	shalt  }
0x6f: {  	_ =	shalt  }
0x70: {  	_ =	shalt  }
0x71: {  	_ =	shalt  }
0x72: {  	_ =	shalt  }
0x73: {  	_ =	shalt  }
0x74: {  	_ =	shalt  }
0x75: {  	_ =	shalt  }
0x76: {  	_ =	shalt  }
0x77: {  	_ =	shalt  }
0x78: {  	_ =	shalt  }
0x79: {  	_ =	shalt  }
0x7a: {  	_ =	shalt  }
0x7b: {  	_ =	shalt  }
0x7c: {  	_ =	shalt  }
0x7d: {  	_ =	shalt  }
0x7e: {  	_ =	shalt  }
0x7f: {  	_ =	shalt  }
0x80: {  	_ =	shalt  }
0x81: {  	_ =	shalt  }
0x82: {  	_ =	shalt  }
0x83: {  	_ =	shalt  }
0x84: {  	_ =	shalt  }
0x85: {  	_ =	shalt  }
0x86: {  	_ =	shalt  }
0x87: {  	_ =	shalt  }
.Lfunc_end0:
.L_simem_size_0:
called_computation_lowered:
.L_overlay_start_0:
0x88: {  	s2 =	sld [smem:$0x3FD9]  }
0x89: {  	s3 =	sld [smem:$0x3FFE];
	_ =	sdelay $0x1  }
0x8a: {  	s1 =	srdreg.scid  }
0x8b: {  	s0 =	sand.u32 $0x1, s1  }
0x8c: {  	s16 =	sshll.u32 s0, $0xA;
	s2 =	sadd.s32 s3, s2  }
0x8d: {  	s2 =	sadd.s32 s2, s16  }
0x8e: {  	[smem:$0x3FA2] =	sst s2  }
0x8f: {  	_ = 	snop  }
0x90: {  	(tm) =	ssettm $0x1  }
0x91: {  	s17 =	sld [smem:$0x3FFB];
	_ =	sdelay $0x3  }
0x92: {  	_ =	strace s17  }
0x93: {  	s2 =	sld [smem:$0x3FFC];
	_ =	sdelay $0x3  }
0x94: {  	_ =	strace s2  }
0x95: {  	s2 =	sld [smem:$0x3FFD];
	_ =	sdelay $0x3  }
0x96: {  	_ =	strace s2  }
0x97: {  	_ =	strace $0x8FFFFFFF  }
0x98: {  	s18 =	sld [smem:$0x3FDB];
	_ =	sdelay $0x1  }
0x99: {  	s19 =	simm.s32 $_scs_section_size  }
0x9a: {  	s4 =	simm.s32 $_size__tile_overlayer_lowered;
	s5 =	simm.s32 $_tile_overlayer_lowered  }
0x9b: {  	s22 =	simm.s32 $0x1BFF;
	s21 =	sshll.u32 s5, $0x1;
	s2 =	sadd.s32 s19, s18  }
0x9c: {  	s6 =	simm.s32 $0x0;
	s20 =	sshll.u32 s4, $0x1;
	s4 =	sadd.s32 s21, s2  }
0x9d: {  	[timem:s6], [sflag:s22] =	dma.local [hbm:s4], s20  }
0x9e: {  	_ =	swait.ge [sflag:s22], s20  }
0x9f: {  	s3 =	ssub.s32 $0x0, s20;
	[sflag:s22] =	ssyncset.done $0x0  }
0xa0: {  	[sflag:s22] =	ssyncadd.s32 s3;
	_ =	sdelay $0x1  }
0xa1: {  	s23 =	simm.s32 $0x1B8B  }
0xa2: {  	_ =	swait.ge [sflag:s23], $0x1  }
0xa3: {  	[sflag:s23] =	ssyncset.done $0x0  }
0xa4: {  	s25 =	simm.s32 $0x1B8E;
	s24 =	sld [smem:$0x3FFE];
	[sflag:s23] =	ssyncadd.s32 $0xFFFFFFFF  }
0xa5: {  	s26 =	simm.s32 $execute0_lowered;
	[smem:$0x3FD2] =	sst s25  }
0xa6: {  	s4 =	sshll.u32 s26, $0x1;
	_ =	strace $0x80000046;
	[dreg:$0x1] =	wrdreg $0xFFFFFFFF  }
0xa7: {  	s28 =	simm.s32 $_size_execute0_lowered;
	s2 =	sadd.s32 s2, s4;
	[dreg:$0x0] =	wrdreg $0x0  }
0xa8: {  	s4 =	sshll.u32 s28, $0x1;
	[dreg:$0x2] =	wrdreg s2  }
0xa9: {  	[dreg:$0x3] =	wrdreg s4  }
0xaa: {  	[dreg:$0x4] =	wrdreg $0xC0  }
0xab: {  	_ =	task [dreg:s6], $0x5FFFF  }
0xac: {  	[dreg:$0x1] =	wrdreg $0xFFFFFFFF  }
0xad: {  	[dreg:$0x0] =	wrdreg $0x60  }
0xae: {  	[dreg:$0x2] =	wrdreg s24  }
0xaf: {  	[dreg:$0x3] =	wrdreg $0x9  }
0xb0: {  	_ =	task.clear_ibuf [dreg:s6], $0x4FFFF;
	_ =	strace $0x90000046  }
0xb1: {  	s29 =	simm.s32 $0x9;
	_ =	strace $0x80000048  }
0xb2: {  	_ =	swait.ge [sflag:s29], $0x1  }
0xb3: {  	[sflag:s29] =	ssyncadd.s32 $0xFFFFFFFF  }
0xb4: {  	_ =	strace $0x90000048  }
0xb5: {  	_ =	sfence  }
0xb6: {  	s30 =	sld [smem:$0x0];
	_ =	sdelay $0x2  }
0xb7: {  	s31 =	sshll.u32 s1, $0xD;
	s1 =	sshrl.u32 s1, $0x2  }
0xb8: {  	s3 =	sand.u32 $0x4000, s31;
	s1 =	sadd.s32 s1, s30  }
0xb9: {  	s0 =	sor.u32 s3, s0;
	s1 =	sshll.u32 s1, $0x11  }
0xba: {  	s0 =	sor.u32 s1, s0  }
0xbb: {  	s0 =	sadd.s32 $0x8F2B, s0  }
0xbc: {  	[sflag:s0] =	ssyncadd.remote.s32 $0x1  }
0xbd: {  	_ =	sfence.sel $0xFFFF  }
0xbe: {  	[dreg:$0x0] =	wrdreg $0xFFFFFFFF;
	(pc) =	sbr.abs _section_cstart, $3  }
0xbf: {  	[dreg:$0x1] =	wrdreg $0xFFFFFFFF  }
0xc0: {  	_ =	task.clear_ibuf [dreg:s6], $0x2FFFF;
	_ =	strace $0x9FFFFFFF  }
0xc1: {  	(tm) =	ssettm $0x7FFFFFFF  }
tec
execute0_lowered:
.L_overlay_start_1:
0x0: {  	(tag) =	ssettag $0x1  }
0x1: {  	s5 =	rddreg [dreg:$0x0]  }
0x2: {  	s0 =	rddreg [dreg:$0x1];
	s2 =	simm.s32 $0x0;
	s1 =	srdreg.scid  }
0x3: {  	s12 =	simm.s32 $0x2;
	s13 =	simm.s32 $0x50;
	s14 =	simm.s32 $0x100  }
0x4: {  	s15 =	simm.s32 $0x2900;
	[smem:$0x7FF] =	sst s2;
	s6 =	sand.u32 $0x1, s1  }
0x5: {  	s16 =	simm.s32 $0x0;
	s1 =	stileid.u32;
	s7 =	smul.u32 $0x27100, s6  }
0x6: {  	s3 =	sadd.s32 $0x21400, s5;
	s4 =	sadd.s32 $0x48600, s5;
	s8 =	smul.u32 $0x2710, s1  }
0x7: {  	_ =	strace $0x80000047;
	s9 =	smul.u32 $0x271000, s6;
	s6 =	ssub.s32 $0x2, s6  }
0x8: {  	s29 =	smul.u32 $0x27100, s1;
	s10 =	sshrl.u32 s6, $0x1;
	s7 =	sadd.s32 s8, s7  }
0x9: {  	s9 =	sadd.s32 s9, s5;
	s30 =	ssub.s32 s6, s10;
	s7 =	sshrl.u32 s7, $0x3  }
0xa: {  	s10 =	simm.s32 $0x80;
	s31 =	sadd.s32 s29, s9;
	s11 =	sadd.s32 s7, s5  }
0xb: {  	s5 =	smax.u32 s30, $0x1;
	s6 =	sadd.s32 $0x96A00, s31;
	s7 =	sadd.s32 $0x578A00, s31  }
0xc: {  	s8 =	sadd.s32 $0xD800, s11;
	s9 =	sadd.s32 $0x17600, s11;
	s11 =	simm.s32 $0x1  }
.LBB2_1:
0xd: {  	s17 =	sadd.s32 $0x0, s9  }
0xe: {  	[tilespmem:s2], [sflag:$0x1] =	stream.linear.gather [hbm4b:s17+s2], $0x50, $0x38;
	[tilespmem:$0x5100] =	vst v63  }
0xf: {  	s31 =	sadd.s32 $0x0, s8  }
0x10: {  	[tilespmem:s10], [sflag:$0x2] =	stream.linear.gather [hbm4b:s31+s2], $0x50, $0x38;
	[tilespmem:$0x5100] =	vst v63  }
0x11: {  	_ =	swait.ge [sflag:s11], $0x50  }
0x12: {  	[sflag:s11] =	ssyncset.done $0x0  }
0x13: {  	[sflag:s11] =	ssyncadd.s32 $0xFFFFFFB0  }
0x14: {  	_ =	swait.ge [sflag:s12], $0x50  }
0x15: {  	[sflag:s12] =	ssyncset.done $0x0  }
0x16: {  	[sflag:s12] =	ssyncadd.s32 $0xFFFFFFB0  }
0x17: {  	[tilespmem:s14], [sflag:$0x1] =	stream.indirect.gather [hbm4b:s3+s13], $0x80, s2, s13, $0xb8;
	[tilespmem:$0x5100] =	vst v63  }
0x18: {  	_ = 	snop  }
0x19: {  	[tilespmem:s15], [sflag:$0x2] =	stream.indirect.gather [hbm4b:s4+s13], $0x80, s10, s13, $0xb8;
	[tilespmem:$0x5100] =	vst v63  }
0x1a: {  	_ =	swait.ge [sflag:s11], $0x2800  }
0x1b: {  	[sflag:s11] =	ssyncset.done $0x0  }
0x1c: {  	[sflag:s11] =	ssyncadd.s32 $0xFFFFD800  }
0x1d: {  	_ =	swait.ge [sflag:s12], $0x2800  }
0x1e: {  	[sflag:s12] =	ssyncset.done $0x0  }
0x1f: {  	[sflag:s12] =	ssyncadd.s32 $0xFFFFD800  }
0x20: {  	[hbm4b:s6+s2] =	stream.linear.scatter [tilespmem:s14], [sflag:$0x1], $0x2800, $0x38;
	[tilespmem:$0x5100] =	vst v63  }
0x21: {  	_ = 	snop  }
0x22: {  	[hbm4b:s7+s2] =	stream.linear.scatter [tilespmem:s15], [sflag:$0x2], $0x2800, $0x38;
	[tilespmem:$0x5100] =	vst v63  }
0x23: {  	_ =	swait.ge [sflag:s11], $0x2800  }
0x24: {  	[sflag:s11] =	ssyncset.done $0x0  }
0x25: {  	[sflag:s11] =	ssyncadd.s32 $0xFFFFD800  }
0x26: {  	s19 =	simm.s32 $0xA;
	s20 =	simm.s32 $0x14;
	_ =	swait.ge [sflag:s12], $0x2800  }
0x27: {  	s18 =	sadd.s32 $0x500, s7;
	s17 =	sadd.s32 $0x500, s6;
	[sflag:s12] =	ssyncset.done $0x0  }
.LBB2_2:
0x28: {  	s21 =	sadd.s32 s19, s9  }
0x29: {  	[sflag:s12] =	ssyncadd.s32 $0xFFFFD800;
	s22 =	smov.u32 s20;
	s23 =	sadd.s32 $0xA, s20  }
0x2a: {  	[tilespmem:s2], [sflag:$0x1] =	stream.linear.gather [hbm4b:s21+s2], $0x50, $0x38;
	[tilespmem:$0x5100] =	vst v63  }
0x2b: {  	p0 =	sne.s32 s20, $0x4D8;
	s20 =	sadd.s32 s19, s8;
	s19 =	smov.u32 s22  }
0x2c: {  	[tilespmem:s10], [sflag:$0x2] =	stream.linear.gather [hbm4b:s20+s2], $0x50, $0x38;
	[tilespmem:$0x5100] =	vst v63  }
0x2d: {  	_ =	swait.ge [sflag:s11], $0x50  }
0x2e: {  	[sflag:s11] =	ssyncset.done $0x0  }
0x2f: {  	[sflag:s11] =	ssyncadd.s32 $0xFFFFFFB0  }
0x30: {  	_ =	swait.ge [sflag:s12], $0x50  }
0x31: {  	[sflag:s12] =	ssyncset.done $0x0  }
0x32: {  	[sflag:s12] =	ssyncadd.s32 $0xFFFFFFB0  }
0x33: {  	[tilespmem:s14], [sflag:$0x1] =	stream.indirect.gather [hbm4b:s3+s13], $0x80, s2, s13, $0xb8;
	[tilespmem:$0x5100] =	vst v63  }
0x34: {  	_ = 	snop  }
0x35: {  	[tilespmem:s15], [sflag:$0x2] =	stream.indirect.gather [hbm4b:s4+s13], $0x80, s10, s13, $0xb8;
	[tilespmem:$0x5100] =	vst v63  }
0x36: {  	_ =	swait.ge [sflag:s11], $0x2800  }
0x37: {  	[sflag:s11] =	ssyncset.done $0x0  }
0x38: {  	[sflag:s11] =	ssyncadd.s32 $0xFFFFD800  }
0x39: {  	_ =	swait.ge [sflag:s12], $0x2800  }
0x3a: {  	[sflag:s12] =	ssyncset.done $0x0  }
0x3b: {  	[sflag:s12] =	ssyncadd.s32 $0xFFFFD800  }
0x3c: {  	[hbm4b:s17+s2] =	stream.linear.scatter [tilespmem:s14], [sflag:$0x1], $0x2800, $0x38;
	[tilespmem:$0x5100] =	vst v63  }
0x3d: {  	_ = 	snop  }
0x3e: {  	[hbm4b:s18+s2] =	stream.linear.scatter [tilespmem:s15], [sflag:$0x2], $0x2800, $0x38;
	[tilespmem:$0x5100] =	vst v63  }
.Ltmp0:
0x3f: {  	_ =	swait.ge [sflag:s11], $0x2800;
	(pc) =	sbr.rel @p0 .LBB2_2-.Ltmp0, $4  }
0x40: {  	[sflag:s11] =	ssyncset.done $0x0  }
0x41: {  	[sflag:s11] =	ssyncadd.s32 $0xFFFFD800  }
0x42: {  	s20 =	smov.u32 s23;
	_ =	swait.ge [sflag:s12], $0x2800  }
0x43: {  	s17 =	sadd.s32 $0x500, s17;
	s18 =	sadd.s32 $0x500, s18;
	[sflag:s12] =	ssyncset.done $0x0  }
0x44: {  	s20 =	sadd.s32 s19, s9;
	[sflag:s12] =	ssyncadd.s32 $0xFFFFD800  }
0x45: {  	[tilespmem:s2], [sflag:$0x1] =	stream.linear.gather [hbm4b:s20+s2], $0x50, $0x38;
	[tilespmem:$0x5100] =	vst v63  }
0x46: {  	s31 =	sadd.s32 s19, s8  }
0x47: {  	[tilespmem:s10], [sflag:$0x2] =	stream.linear.gather [hbm4b:s31+s2], $0x50, $0x38;
	[tilespmem:$0x5100] =	vst v63  }
0x48: {  	_ =	swait.ge [sflag:s11], $0x50  }
0x49: {  	[sflag:s11] =	ssyncset.done $0x0  }
0x4a: {  	[sflag:s11] =	ssyncadd.s32 $0xFFFFFFB0  }
0x4b: {  	_ =	swait.ge [sflag:s12], $0x50  }
0x4c: {  	[sflag:s12] =	ssyncset.done $0x0  }
0x4d: {  	[sflag:s12] =	ssyncadd.s32 $0xFFFFFFB0  }
0x4e: {  	[tilespmem:s14], [sflag:$0x1] =	stream.indirect.gather [hbm4b:s3+s13], $0x80, s2, s13, $0xb8;
	[tilespmem:$0x5100] =	vst v63  }
0x4f: {  	_ = 	snop  }
0x50: {  	[tilespmem:s15], [sflag:$0x2] =	stream.indirect.gather [hbm4b:s4+s13], $0x80, s10, s13, $0xb8;
	[tilespmem:$0x5100] =	vst v63  }
0x51: {  	_ =	swait.ge [sflag:s11], $0x2800  }
0x52: {  	[sflag:s11] =	ssyncset.done $0x0  }
0x53: {  	[sflag:s11] =	ssyncadd.s32 $0xFFFFD800  }
0x54: {  	_ =	swait.ge [sflag:s12], $0x2800  }
0x55: {  	[sflag:s12] =	ssyncset.done $0x0  }
0x56: {  	[sflag:s12] =	ssyncadd.s32 $0xFFFFD800  }
0x57: {  	[hbm4b:s17+s2] =	stream.linear.scatter [tilespmem:s14], [sflag:$0x1], $0x2800, $0x38;
	[tilespmem:$0x5100] =	vst v63  }
0x58: {  	s16 =	sadd.s32 $0x1, s16  }
0x59: {  	[hbm4b:s18+s2] =	stream.linear.scatter [tilespmem:s15], [sflag:$0x2], $0x2800, $0x38;
	[tilespmem:$0x5100] =	vst v63  }
0x5a: {  	p0 =	sne.s32 s16, s5;
	_ =	swait.ge [sflag:s11], $0x2800  }
.Ltmp1:
0x5b: {  	[sflag:s11] =	ssyncset.done $0x0;
	(pc) =	sbr.rel @p0 .LBB2_1-.Ltmp1, $4  }
0x5c: {  	[sflag:s11] =	ssyncadd.s32 $0xFFFFD800  }
0x5d: {  	_ =	swait.ge [sflag:s12], $0x2800  }
0x5e: {  	[sflag:s12] =	ssyncset.done $0x0  }
0x5f: {  	[sflag:s12] =	ssyncadd.s32 $0xFFFFD800  }
0x60: {  	_ =	sfence.sel $0x180000  }
0x61: {  	[bflag:$0x0] =	sbarrier.arrive $0xFFFF  }
0x62: {  	p0 =	sne.s32 s1, $0x0;
	_ =	strace $0x90000047  }
0x63: {  	s0 =	sadd.s32 @!p0 $0x100000, s0;
	[bflag:$0x2] =	sbarrier.arrive $0xFFFF  }
0x64: {  	[sflag:s0] =	ssyncadd.tile.s32 @!p0 $0x1;
	_ =	shalt  }
.Lfunc_end2:
_tile_overlayer_lowered:
.L_overlay_start_2:
0x65: {  	(tag) =	ssettag $0x2  }
0x66: {  	s0 =	rddreg [dreg:$0x0];
	s2 =	stileid.u32  }
0x67: {  	s1 =	rddreg [dreg:$0x1];
	p0 =	sne.s32 s2, $0x0  }
0x68: {  	s3 =	rddreg [dreg:$0x2];
	[bflag:$0x3] =	sbarrier.arrive $0xFFFF;
	s2 =	simm.s32 @!p0 $0x1C03  }
0x69: {  	[timem:s3], [sflag:s2] =	dma.local @!p0 [hbm:s0], s1  }
0x6a: {  	s0 =	simm.s32 @!p0 $0x3  }
0x6b: {  	_ =	swait.ge @!p0 [sflag:s0], s1  }
0x6c: {  	s1 =	ssub.s32 @!p0 $0x0, s1;
	[sflag:s0] =	ssyncset.done @!p0 $0x0  }
0x6d: {  	[sflag:s0] =	ssyncadd.s32 @!p0 s1  }
0x6e: {  	[bflag:$0x3] =	sbarrier.arrive $0xFFFF  }
0x6f: {  	_ =	shalt  }

// kernel: kernel.25.cloned.1.call-start
scs
__scs_entry_jumppad:
0x0: {  	(pc) =	sbr.rel $0x88, $3  }
0x1: {  	(tag) =	ssettag $0x0;
	lr =	simm.s32 $0x1  }
0x2: {  	[smem:$0x3F7B] =	sst lr;
	_ =	strace $0xD0000000  }
0x3: {  	_ = 	snop  }
0x4: {  	_ = 	snop  }
0x5: {  	_ = 	snop  }
0x6: {  	_ = 	snop  }
0x7: {  	_ = 	snop  }
__scs_overlays_trampoline_lowered:
0x8: {  	[smem:$0x3F8A] =	sst s0  }
0x9: {  	[smem:$0x3F8B] =	sst s1  }
0xa: {  	[smem:$0x3F8C] =	sst s2  }
0xb: {  	[smem:$0x3F8D] =	sst s3  }
0xc: {  	[smem:$0x3F8E] =	sst s4  }
0xd: {  	[smem:$0x3F8F] =	sst s5  }
0xe: {  	[smem:$0x3F90] =	sst s6  }
0xf: {  	[smem:$0x3F91] =	sst s7  }
0x10: {  	[smem:$0x3F92] =	sst s8  }
0x11: {  	[smem:$0x3F93] =	sst s9;
	s0 =	simm.s32 @!p0 $0x0  }
0x12: {  	s1 =	sld [smem:$0x3F79];
	s0 =	simm.s32 @p0 $0x1  }
0x13: {  	[smem:$0x3F94] =	sst s0;
	s0 =	simm.s32 @!p1 $0x0  }
0x14: {  	s2 =	sld [smem:$0x3F78];
	s0 =	simm.s32 @p1 $0x1  }
0x15: {  	[smem:$0x3F95] =	sst s0;
	s0 =	simm.s32 @!p2 $0x0  }
0x16: {  	s3 =	sld [smem:$0x3FDB];
	s0 =	simm.s32 @p2 $0x1  }
0x17: {  	s4 =	simm.s32 $0x1BF5;
	[smem:$0x3F97] =	sst s0  }
0x18: {  	s0 =	sld [smem:$0x3F7A];
	_ =	swait.ge [sflag:s4], $0x0  }
0x19: {  	s7 =	sld [smem:$0x3F7B]  }
0x1a: {  	s8 =	sadd.s32 $0xFFFFE003, lr  }
0x1b: {  	s9 =	sadd.s32 $0xFFFFFEF7, lr;
	s5 =	simm.s32 $0xFFFFFFFF;
	p2 =	slt.u32 s8, $0xFFFFF086  }
0x1c: {  	p1 =	slt.u32 s9, $0xF7A;
	s5 =	simm.s32 @!p2 $0x0  }
0x1d: {  	s5 =	simm.s32 @p1 $0x1;
	p0 =	seq.s32 s7, s2  }
0x1e: {  	s7 =	smul.u32 @!p0 $0xF7A, s2;
	p2 =	seq.s32 @!p0 s5, $0x0  }
0x1f: {  	s9 =	smul.u32 $0xF7A, s1;
	s8 =	simm.s32 @!p0 $0x1BF5;
	p2 =	por !p2, p0  }
0x20: {  	[sflag:s8] =	ssyncset.s32 @!p0 $0xFFFFF086;
	s6 =	sadd.s32 @!p0 s3, s7;
	s7 =	simm.s32 @!p0 $0x108  }
0x21: {  	s3 =	sadd.s32 s3, s9;
	s6 =	sadd.s32 @!p0 $0x88, s6;
	s7 =	simm.s32 @p2 $0x1082  }
0x22: {  	[simem:s7], [sflag:s8] =	dma.local @!p0 [hbm:s6], $0xF7A  }
0x23: {  	s9 =	sor.u32 $0xD0000000, s2;
	s6 =	simm.s32 $0x108;
	_ =	swait.ge @!p0 [sflag:s8], $0x0  }
0x24: {  	s3 =	sadd.s32 $0x88, s3;
	s6 =	simm.s32 @!p1 $0x1082;
	[sflag:s4] =	ssyncset.s32 $0xFFFFF086  }
0x25: {  	[simem:s6], [sflag:s4] =	dma.local [hbm:s3], $0xF7A  }
0x26: {  	[smem:$0x3F7B] =	sst s1;
	(tag) =	ssettag s2;
	_ =	strace s9  }
0x27: {  	s1 =	sld [smem:$0x3F8B]  }
0x28: {  	s2 =	sld [smem:$0x3F8C]  }
0x29: {  	s4 =	sld [smem:$0x3F8E]  }
0x2a: {  	p0 =	seq.s32 s5, $0x0;
	s5 =	sld [smem:$0x3F8F]  }
0x2b: {  	s6 =	sld [smem:$0x3F90]  }
0x2c: {  	s7 =	sld [smem:$0x3F91]  }
0x2d: {  	s3 =	simm.s32 $0x108;
	s8 =	sld [smem:$0x3F92]  }
0x2e: {  	s3 =	simm.s32 @!p0 $0x1082;
	s9 =	sld [smem:$0x3F93]  }
0x2f: {  	lr =	sadd.s32 s0, s3;
	s0 =	sld [smem:$0x3F8A]  }
0x30: {  	s3 =	sld [smem:$0x3F8D]  }
0x31: {  	[smem:$0x3F96] =	sst s10  }
0x32: {  	s10 =	sld [smem:$0x3F94];
	_ =	sdelay $0x3  }
0x33: {  	p0 =	seq.s32 s10, $0x1;
	s10 =	sld [smem:$0x3F96];
	_ =	sdelay $0x3  }
0x34: {  	[smem:$0x3F96] =	sst s10  }
0x35: {  	s10 =	sld [smem:$0x3F95];
	_ =	sdelay $0x3  }
0x36: {  	p1 =	seq.s32 s10, $0x1;
	s10 =	sld [smem:$0x3F96];
	_ =	sdelay $0x3  }
0x37: {  	[smem:$0x3F96] =	sst s10  }
0x38: {  	s10 =	sld [smem:$0x3F97]  }
0x39: {  	_ = 	snop;
	(pc) =	sbr.ind lr, $3  }
0x3a: {  	_ = 	snop  }
0x3b: {  	_ = 	snop  }
0x3c: {  	p2 =	seq.s32 s10, $0x1;
	s10 =	sld [smem:$0x3F96]  }
0x3d: {  	_ =	shalt  }
0x3e: {  	_ =	shalt  }
0x3f: {  	_ =	shalt  }
0x40: {  	_ =	shalt  }
0x41: {  	_ =	shalt  }
0x42: {  	_ =	shalt  }
0x43: {  	_ =	shalt  }
0x44: {  	_ =	shalt  }
0x45: {  	_ =	shalt  }
0x46: {  	_ =	shalt  }
0x47: {  	_ =	shalt  }
0x48: {  	_ =	shalt  }
0x49: {  	_ =	shalt  }
0x4a: {  	_ =	shalt  }
0x4b: {  	_ =	shalt  }
0x4c: {  	_ =	shalt  }
0x4d: {  	_ =	shalt  }
0x4e: {  	_ =	shalt  }
0x4f: {  	_ =	shalt  }
0x50: {  	_ =	shalt  }
0x51: {  	_ =	shalt  }
0x52: {  	_ =	shalt  }
0x53: {  	_ =	shalt  }
0x54: {  	_ =	shalt  }
0x55: {  	_ =	shalt  }
0x56: {  	_ =	shalt  }
0x57: {  	_ =	shalt  }
0x58: {  	_ =	shalt  }
0x59: {  	_ =	shalt  }
0x5a: {  	_ =	shalt  }
0x5b: {  	_ =	shalt  }
0x5c: {  	_ =	shalt  }
0x5d: {  	_ =	shalt  }
0x5e: {  	_ =	shalt  }
0x5f: {  	_ =	shalt  }
0x60: {  	_ =	shalt  }
0x61: {  	_ =	shalt  }
0x62: {  	_ =	shalt  }
0x63: {  	_ =	shalt  }
0x64: {  	_ =	shalt  }
0x65: {  	_ =	shalt  }
0x66: {  	_ =	shalt  }
0x67: {  	_ =	shalt  }
0x68: {  	_ =	shalt  }
0x69: {  	_ =	shalt  }
0x6a: {  	_ =	shalt  }
0x6b: {  	_ =	shalt  }
0x6c: {  	_ =	shalt  }
0x6d: {  	_ =	shalt  }
0x6e: {  	_ =	shalt  }
0x6f: {  	_ =	shalt  }
0x70: {  	_ =	shalt  }
0x71: {  	_ =	shalt  }
0x72: {  	_ =	shalt  }
0x73: {  	_ =	shalt  }
0x74: {  	_ =	shalt  }
0x75: {  	_ =	shalt  }
0x76: {  	_ =	shalt  }
0x77: {  	_ =	shalt  }
0x78: {  	_ =	shalt  }
0x79: {  	_ =	shalt  }
0x7a: {  	_ =	shalt  }
0x7b: {  	_ =	shalt  }
0x7c: {  	_ =	shalt  }
0x7d: {  	_ =	shalt  }
0x7e: {  	_ =	shalt  }
0x7f: {  	_ =	shalt  }
0x80: {  	_ =	shalt  }
0x81: {  	_ =	shalt  }
0x82: {  	_ =	shalt  }
0x83: {  	_ =	shalt  }
0x84: {  	_ =	shalt  }
0x85: {  	_ =	shalt  }
0x86: {  	_ =	shalt  }
0x87: {  	_ =	shalt  }
.Lfunc_end0:
.L_simem_size_0:
called_computation.1_lowered:
.L_overlay_start_0:
0x88: {  	s2 =	sld [smem:$0x3FD9]  }
0x89: {  	s3 =	sld [smem:$0x3FFE];
	_ =	sdelay $0x1  }
0x8a: {  	s1 =	srdreg.scid  }
0x8b: {  	s0 =	sand.u32 $0x1, s1  }
0x8c: {  	s16 =	sshll.u32 s0, $0xA;
	s2 =	sadd.s32 s3, s2  }
0x8d: {  	s2 =	sadd.s32 s2, s16  }
0x8e: {  	[smem:$0x3FA2] =	sst s2  }
0x8f: {  	_ = 	snop  }
0x90: {  	(tm) =	ssettm $0x1  }
0x91: {  	s17 =	sld [smem:$0x3FFB];
	_ =	sdelay $0x3  }
0x92: {  	_ =	strace s17  }
0x93: {  	s2 =	sld [smem:$0x3FFC];
	_ =	sdelay $0x3  }
0x94: {  	_ =	strace s2  }
0x95: {  	s2 =	sld [smem:$0x3FFD];
	_ =	sdelay $0x3  }
0x96: {  	_ =	strace s2  }
0x97: {  	_ =	strace $0x8FFFFFFF  }
0x98: {  	s18 =	sld [smem:$0x3FDB];
	_ =	sdelay $0x1  }
0x99: {  	s19 =	simm.s32 $_scs_section_size  }
0x9a: {  	s4 =	simm.s32 $_size__tile_overlayer_lowered;
	s5 =	simm.s32 $_tile_overlayer_lowered  }
0x9b: {  	s22 =	simm.s32 $0x1BFF;
	s21 =	sshll.u32 s5, $0x1;
	s2 =	sadd.s32 s19, s18  }
0x9c: {  	s6 =	simm.s32 $0x0;
	s20 =	sshll.u32 s4, $0x1;
	s4 =	sadd.s32 s21, s2  }
0x9d: {  	[timem:s6], [sflag:s22] =	dma.local [hbm:s4], s20  }
0x9e: {  	_ =	swait.ge [sflag:s22], s20  }
0x9f: {  	s3 =	ssub.s32 $0x0, s20;
	[sflag:s22] =	ssyncset.done $0x0  }
0xa0: {  	[sflag:s22] =	ssyncadd.s32 s3;
	_ =	sdelay $0x1  }
0xa1: {  	s23 =	simm.s32 $0x1B8B  }
0xa2: {  	_ =	swait.ge [sflag:s23], $0x1  }
0xa3: {  	[sflag:s23] =	ssyncset.done $0x0  }
0xa4: {  	s25 =	simm.s32 $0x1B8E;
	s24 =	sld [smem:$0x3FFE];
	[sflag:s23] =	ssyncadd.s32 $0xFFFFFFFF  }
0xa5: {  	s26 =	simm.s32 $execute0_lowered;
	[smem:$0x3FD2] =	sst s25  }
0xa6: {  	s4 =	sshll.u32 s26, $0x1;
	_ =	strace $0x80000049;
	[dreg:$0x1] =	wrdreg $0xFFFFFFFF  }
0xa7: {  	s28 =	simm.s32 $_size_execute0_lowered;
	s2 =	sadd.s32 s2, s4;
	[dreg:$0x0] =	wrdreg $0x0  }
0xa8: {  	s4 =	sshll.u32 s28, $0x1;
	[dreg:$0x2] =	wrdreg s2  }
0xa9: {  	[dreg:$0x3] =	wrdreg s4  }
0xaa: {  	[dreg:$0x4] =	wrdreg $0xC0  }
0xab: {  	_ =	task [dreg:s6], $0x5FFFF  }
0xac: {  	[dreg:$0x1] =	wrdreg $0xFFFFFFFF  }
0xad: {  	[dreg:$0x0] =	wrdreg $0x60  }
0xae: {  	[dreg:$0x2] =	wrdreg s24  }
0xaf: {  	[dreg:$0x3] =	wrdreg $0x8C800  }
0xb0: {  	[dreg:$0x4] =	wrdreg $0x9  }
0xb1: {  	_ =	task.clear_ibuf [dreg:s6], $0x5FFFF;
	_ =	strace $0x90000049  }
0xb2: {  	s29 =	simm.s32 $0x9;
	_ =	strace $0x8000004B  }
0xb3: {  	_ =	swait.ge [sflag:s29], $0x1  }
0xb4: {  	[sflag:s29] =	ssyncadd.s32 $0xFFFFFFFF  }
0xb5: {  	_ =	strace $0x9000004B  }
0xb6: {  	_ =	sfence  }
0xb7: {  	s30 =	sld [smem:$0x0];
	_ =	sdelay $0x2  }
0xb8: {  	s31 =	sshll.u32 s1, $0xD;
	s1 =	sshrl.u32 s1, $0x2  }
0xb9: {  	s3 =	sand.u32 $0x4000, s31;
	s1 =	sadd.s32 s1, s30  }
0xba: {  	s0 =	sor.u32 s3, s0;
	s1 =	sshll.u32 s1, $0x11  }
0xbb: {  	s0 =	sor.u32 s1, s0  }
0xbc: {  	s0 =	sadd.s32 $0x8F2B, s0  }
0xbd: {  	[sflag:s0] =	ssyncadd.remote.s32 $0x1  }
0xbe: {  	_ =	sfence.sel $0xFFFF  }
0xbf: {  	[dreg:$0x0] =	wrdreg $0xFFFFFFFF;
	(pc) =	sbr.abs _section_cstart, $3  }
0xc0: {  	[dreg:$0x1] =	wrdreg $0xFFFFFFFF  }
0xc1: {  	_ =	task.clear_ibuf [dreg:s6], $0x2FFFF;
	_ =	strace $0x9FFFFFFF  }
0xc2: {  	(tm) =	ssettm $0x7FFFFFFF  }
0xc3: {  	_ =	shalt  }
tec
execute0_lowered:
.L_overlay_start_1:
0x0: {  	(tag) =	ssettag $0x1  }
0x1: {  	s0 =	srdreg.scid  }
0x2: {  	s5 =	sand.u32 $0x1, s0  }
0x3: {  	s0 =	stileid.u32;
	s6 =	smul.u32 $0x27100, s5  }
0x4: {  	s7 =	smul.u32 $0x2710, s0  }
0x5: {  	s8 =	smul.u32 $0x271000, s5  }
0x6: {  	s13 =	smul.u32 $0x138800, s5  }
0x7: {  	s21 =	smul.u32 $0x19000, s0  }
0x8: {  	s16 =	smul.u32 $0x6400, s0  }
0x9: {  	s22 =	sor.u32 $0x10, s0;
	s18 =	smul.u32 $0x27100, s0  }
0xa: {  	s4 =	rddreg [dreg:$0x0];
	s9 =	sor.u32 $0x20, s0;
	s23 =	smul.u32 $0x19000, s22  }
0xb: {  	s2 =	rddreg [dreg:$0x1];
	s15 =	sor.u32 $0x30, s0;
	s24 =	smul.u32 $0x19000, s9  }
0xc: {  	s1 =	rddreg [dreg:$0x2];
	s3 =	simm.s32 $0x0;
	s10 =	smul.u32 $0x19000, s15  }
0xd: {  	[smem:$0x7FF] =	sst s3;
	s12 =	sadd.s32 $0x21400, s4;
	s17 =	smul.u32 $0x6400, s22  }
0xe: {  	_ =	strace $0x8000004A;
	s19 =	ssub.s32 $0x2, s5;
	s26 =	smul.u32 $0x6400, s9  }
0xf: {  	s20 =	sshrl.u32 s19, $0x1;
	s30 =	smul.u32 $0x6400, s15;
	p0 =	sgt.u32 s15, $0x31  }
0x10: {  	s15 =	simm.s32 $0x2880;
	s6 =	sadd.s32 s7, s6;
	s11 =	sadd.s32 s8, s4  }
0x11: {  	s5 =	sshrl.u32 s21, $0x2;
	s25 =	sadd.s32 s13, s16;
	s21 =	simm.s32 $0x0  }
0x12: {  	s6 =	sshrl.u32 s6, $0x3;
	s5 =	sadd.s32 s5, s2;
	s7 =	sshrl.u32 s24, $0x2  }
0x13: {  	s10 =	sshrl.u32 s10, $0x2;
	s28 =	sshrl.u32 s25, $0x3;
	s29 =	sadd.s32 s13, s17  }
0x14: {  	s16 =	sadd.s32 s13, s26;
	s13 =	sadd.s32 s13, s30;
	s31 =	sadd.s32 s18, s11  }
0x15: {  	s17 =	simm.s32 $0x80;
	s18 =	simm.s32 $0x1;
	s14 =	sadd.s32 s6, s4  }
0x16: {  	s4 =	ssub.s32 s19, s20;
	s6 =	sshrl.u32 s23, $0x2;
	s7 =	sadd.s32 s7, s2  }
0x17: {  	s8 =	sadd.s32 s10, s2;
	s9 =	sadd.s32 s12, s28;
	s10 =	sshrl.u32 s29, $0x3  }
0x18: {  	s16 =	sshrl.u32 s16, $0x3;
	s13 =	sshrl.u32 s13, $0x3;
	s19 =	simm.s32 $0x2  }
0x19: {  	s20 =	simm.s32 $0x50;
	s4 =	smax.u32 s4, $0x1;
	s6 =	sadd.s32 s6, s2  }
0x1a: {  	s10 =	sadd.s32 s12, s10;
	s11 =	sadd.s32 s12, s16;
	s12 =	sadd.s32 s12, s13  }
0x1b: {  	v0 =	vimm.f32 $0.0e+00;
	s13 =	sadd.s32 $0x141EA00, s31;
	s14 =	sadd.s32 $0x17600, s14;
	s16 =	simm.s32 $0x3  }
.LBB2_1:
0x1c: {  	s22 =	simm.s32 $0x0;
	s23 =	simm.s32 $0x200  }
.LBB2_2:
0x1d: {  	p1 =	sne.s32 s23, $0x18E00;
	[tilespmem:s22+$0x28F0] =	vst v0  }
0x1e: {  	[tilespmem:s22+$0x2880] =	vst v0  }
0x1f: {  	[tilespmem:s22+$0x2890] =	vst v0  }
.Ltmp0:
0x20: {  	[tilespmem:s22+$0x28A0] =	vst v0;
	(pc) =	sbr.rel @p1 .LBB2_2-.Ltmp0, $4  }
0x21: {  	[tilespmem:s22+$0x28B0] =	vst v0  }
0x22: {  	[tilespmem:s22+$0x28C0] =	vst v0  }
0x23: {  	[tilespmem:s22+$0x28D0] =	vst v0  }
0x24: {  	[tilespmem:s22+$0x28E0] =	vst v0;
	s22 =	sshra.s32 s23, $0x2;
	s23 =	sadd.s32 $0x200, s23  }
0x25: {  	[tilespmem:s22+$0x28F0] =	vst v0  }
0x26: {  	[tilespmem:s22+$0x2880] =	vst v0  }
0x27: {  	[tilespmem:s22+$0x2890] =	vst v0  }
0x28: {  	[tilespmem:s22+$0x28A0] =	vst v0  }
0x29: {  	[tilespmem:s22+$0x28B0] =	vst v0  }
0x2a: {  	[tilespmem:s22+$0x28C0] =	vst v0  }
0x2b: {  	[tilespmem:s22+$0x28D0] =	vst v0  }
0x2c: {  	[tilespmem:s22+$0x28E0] =	vst v0  }
0x2d: {  	[spmem:s5] =	stream.linear.scatter [tilespmem:s15], [sflag:$0x3], $0x6400, $0x38;
	[tilespmem:$0x1C500] =	vst v63  }
0x2e: {  	_ =	swait.ge [sflag:s16], $0x6400  }
0x2f: {  	[sflag:s16] =	ssyncset.done $0x0  }
0x30: {  	[sflag:s16] =	ssyncadd.s32 $0xFFFF9C00  }
0x31: {  	[spmem:s6] =	stream.linear.scatter [tilespmem:s15], [sflag:$0x3], $0x6400, $0x38;
	[tilespmem:$0x1C500] =	vst v63  }
0x32: {  	_ =	swait.ge [sflag:s16], $0x6400  }
0x33: {  	[sflag:s16] =	ssyncset.done $0x0  }
0x34: {  	[sflag:s16] =	ssyncadd.s32 $0xFFFF9C00  }
0x35: {  	[spmem:s7] =	stream.linear.scatter [tilespmem:s15], [sflag:$0x3], $0x6400, $0x38;
	[tilespmem:$0x1C500] =	vst v63  }
0x36: {  	_ =	swait.ge [sflag:s16], $0x6400  }
0x37: {  	[sflag:s16] =	ssyncset.done $0x0  }
0x38: {  	s22 =	simm.s32 @!p0 $0x2880;
	[sflag:s16] =	ssyncadd.s32 $0xFFFF9C00  }
0x39: {  	[spmem:s8] =	stream.linear.scatter @!p0 [tilespmem:s22], [sflag:$0x3], $0x6400, $0x38;
	[tilespmem:$0x1C500] =	vst v63  }
0x3a: {  	s22 =	simm.s32 @!p0 $0x3  }
0x3b: {  	_ =	swait.ge @!p0 [sflag:s22], $0x6400  }
0x3c: {  	[sflag:s22] =	ssyncset.done @!p0 $0x0  }
0x3d: {  	[sflag:s22] =	ssyncadd.s32 @!p0 $0xFFFF9C00  }
0x3e: {  	s31 =	sadd.s32 $0x0, s14;
	[bflag:$0x0] =	sbarrier.arrive $0xFFFF  }
0x3f: {  	[tilespmem:s3], [sflag:$0x1] =	stream.linear.gather [hbm4b:s31+s3], $0x50, $0x38;
	[tilespmem:$0x1C500] =	vst v63  }
0x40: {  	_ = 	snop  }
0x41: {  	[tilespmem:s17], [sflag:$0x2] =	stream.linear.gather [hbm4b:s13+s3], $0x2800, $0x38;
	[tilespmem:$0x1C500] =	vst v63  }
0x42: {  	_ =	swait.ge [sflag:s18], $0x50  }
0x43: {  	[sflag:s18] =	ssyncset.done $0x0  }
0x44: {  	[sflag:s18] =	ssyncadd.s32 $0xFFFFFFB0  }
0x45: {  	_ =	swait.ge [sflag:s19], $0x2800  }
0x46: {  	[sflag:s19] =	ssyncset.done $0x0  }
0x47: {  	[sflag:s19] =	ssyncadd.s32 $0xFFFFD800  }
0x48: {  	[spmem:s2] =	stream.indirect.scatter.add.f32 [tilespmem:s17], [sflag:$0x3], $0x80, s3, s20, $0xb8;
	[tilespmem:$0x1C500] =	vst v63  }
0x49: {  	s23 =	simm.s32 $0xA;
	_ =	swait.ge [sflag:s16], $0x2800  }
0x4a: {  	s24 =	simm.s32 $0x14;
	s22 =	sadd.s32 $0x500, s13;
	[sflag:s16] =	ssyncset.done $0x0  }
.LBB2_4:
0x4b: {  	s25 =	sadd.s32 s23, s14  }
0x4c: {  	[sflag:s16] =	ssyncadd.s32 $0xFFFFD800;
	s23 =	smov.u32 s24;
	s26 =	sadd.s32 $0xA, s24  }
0x4d: {  	[tilespmem:s3], [sflag:$0x1] =	stream.linear.gather [hbm4b:s25+s3], $0x50, $0x38;
	[tilespmem:$0x1C500] =	vst v63  }
0x4e: {  	p1 =	sne.s32 s24, $0x4D8  }
0x4f: {  	[tilespmem:s17], [sflag:$0x2] =	stream.linear.gather [hbm4b:s22+s3], $0x2800, $0x38;
	[tilespmem:$0x1C500] =	vst v63  }
0x50: {  	_ =	swait.ge [sflag:s18], $0x50  }
0x51: {  	[sflag:s18] =	ssyncset.done $0x0  }
0x52: {  	[sflag:s18] =	ssyncadd.s32 $0xFFFFFFB0  }
0x53: {  	_ =	swait.ge [sflag:s19], $0x2800  }
.Ltmp1:
0x54: {  	[sflag:s19] =	ssyncset.done $0x0;
	(pc) =	sbr.rel @p1 .LBB2_4-.Ltmp1, $4  }
0x55: {  	[sflag:s19] =	ssyncadd.s32 $0xFFFFD800  }
0x56: {  	[spmem:s2] =	stream.indirect.scatter.add.f32 [tilespmem:s17], [sflag:$0x3], $0x80, s3, s20, $0xb8;
	[tilespmem:$0x1C500] =	vst v63  }
0x57: {  	_ =	swait.ge [sflag:s16], $0x2800  }
0x58: {  	s24 =	smov.u32 s26;
	s22 =	sadd.s32 $0x500, s22;
	[sflag:s16] =	ssyncset.done $0x0  }
0x59: {  	s23 =	sadd.s32 s23, s14;
	[sflag:s16] =	ssyncadd.s32 $0xFFFFD800  }
0x5a: {  	[tilespmem:s3], [sflag:$0x1] =	stream.linear.gather [hbm4b:s23+s3], $0x50, $0x38;
	[tilespmem:$0x1C500] =	vst v63  }
0x5b: {  	_ = 	snop  }
0x5c: {  	[tilespmem:s17], [sflag:$0x2] =	stream.linear.gather [hbm4b:s22+s3], $0x2800, $0x38;
	[tilespmem:$0x1C500] =	vst v63  }
0x5d: {  	_ =	swait.ge [sflag:s18], $0x50  }
0x5e: {  	[sflag:s18] =	ssyncset.done $0x0  }
0x5f: {  	[sflag:s18] =	ssyncadd.s32 $0xFFFFFFB0  }
0x60: {  	_ =	swait.ge [sflag:s19], $0x2800  }
0x61: {  	[sflag:s19] =	ssyncset.done $0x0  }
0x62: {  	[sflag:s19] =	ssyncadd.s32 $0xFFFFD800  }
0x63: {  	[spmem:s2] =	stream.indirect.scatter.add.f32 [tilespmem:s17], [sflag:$0x3], $0x80, s3, s20, $0xb8;
	[tilespmem:$0x1C500] =	vst v63  }
0x64: {  	_ =	swait.ge [sflag:s16], $0x2800  }
0x65: {  	[sflag:s16] =	ssyncset.done $0x0  }
0x66: {  	s28 =	sshll.u32 s0, $0x6;
	[sflag:s16] =	ssyncadd.s32 $0xFFFFD800  }
0x67: {  	s29 =	sshrl.u32 s5, $0x3;
	s22 =	sor.u32 $0x1C03, s28;
	[bflag:$0x0] =	sbarrier.arrive $0xFFFF  }
0x68: {  	[hbm:s9], [sflag:s22] =	dma.local [spmem:s29], $0xC80  }
0x69: {  	_ =	swait.ge [sflag:s16], $0xC80  }
0x6a: {  	[sflag:s16] =	ssyncset.done $0x0  }
0x6b: {  	s30 =	sshrl.u32 s6, $0x3;
	[sflag:s16] =	ssyncadd.s32 $0xFFFFF380  }
0x6c: {  	[hbm:s10], [sflag:s22] =	dma.local [spmem:s30], $0xC80  }
0x6d: {  	_ =	swait.ge [sflag:s16], $0xC80  }
0x6e: {  	[sflag:s16] =	ssyncset.done $0x0  }
0x6f: {  	s31 =	sshrl.u32 s7, $0x3;
	[sflag:s16] =	ssyncadd.s32 $0xFFFFF380  }
0x70: {  	[hbm:s11], [sflag:s22] =	dma.local [spmem:s31], $0xC80  }
0x71: {  	_ =	swait.ge [sflag:s16], $0xC80  }
0x72: {  	s21 =	sadd.s32 $0x1, s21;
	[sflag:s16] =	ssyncset.done $0x0  }
0x73: {  	s23 =	sshrl.u32 @!p0 s8, $0x3;
	p1 =	sne.s32 s21, s4;
	[sflag:s16] =	ssyncadd.s32 $0xFFFFF380  }
0x74: {  	[hbm:s12], [sflag:s22] =	dma.local @!p0 [spmem:s23], $0xC80  }
.Ltmp2:
0x75: {  	_ = 	snop;
	(pc) =	sbr.rel @p1 .LBB2_1-.Ltmp2, $4  }
0x76: {  	s22 =	simm.s32 @!p0 $0x3  }
0x77: {  	_ =	swait.ge @!p0 [sflag:s22], $0xC80  }
0x78: {  	[sflag:s22] =	ssyncset.done @!p0 $0x0  }
0x79: {  	[sflag:s22] =	ssyncadd.s32 @!p0 $0xFFFFF380  }
0x7a: {  	_ =	sfence.sel $0x180000  }
0x7b: {  	[bflag:$0x0] =	sbarrier.arrive $0xFFFF  }
0x7c: {  	p0 =	sne.s32 s0, $0x0;
	_ =	strace $0x9000004A  }
0x7d: {  	s0 =	sadd.s32 @!p0 $0x100000, s1;
	[bflag:$0x2] =	sbarrier.arrive $0xFFFF  }
0x7e: {  	[sflag:s0] =	ssyncadd.tile.s32 @!p0 $0x1;
	_ =	shalt  }
.Lfunc_end2:
_tile_overlayer_lowered:
.L_overlay_start_2:
0x7f: {  	(tag) =	ssettag $0x2  }
0x80: {  	s0 =	rddreg [dreg:$0x0];
	s2 =	stileid.u32  }
0x81: {  	s1 =	rddreg [dreg:$0x1];
	p0 =	sne.s32 s2, $0x0  }
0x82: {  	s3 =	rddreg [dreg:$0x2];
	[bflag:$0x3] =	sbarrier.arrive $0xFFFF;
	s2 =	simm.s32 @!p0 $0x1C03  }
0x83: {  	[timem:s3], [sflag:s2] =	dma.local @!p0 [hbm:s0], s1  }
0x84: {  	s0 =	simm.s32 @!p0 $0x3  }
0x85: {  	_ =	swait.ge @!p0 [sflag:s0], s1  }
0x86: {  	s1 =	ssub.s32 @!p0 $0x0, s1;
	[sflag:s0] =	ssyncset.done @!p0 $0x0  }
0x87: {  	[sflag:s0] =	ssyncadd.s32 @!p0 s1  }
0x88: {  	[bflag:$0x3] =	sbarrier.arrive $0xFFFF  }
0x89: {  	_ =	shalt  }

// kernel: kernel.28.cloned.1.call-start
scs
__scs_entry_jumppad:
0x0: {  	(pc) =	sbr.rel $0x88, $3  }
0x1: {  	(tag) =	ssettag $0x0;
	lr =	simm.s32 $0x1  }
0x2: {  	[smem:$0x3F7B] =	sst lr;
	_ =	strace $0xD0000000  }
0x3: {  	_ = 	snop  }
0x4: {  	_ = 	snop  }
0x5: {  	_ = 	snop  }
0x6: {  	_ = 	snop  }
0x7: {  	_ = 	snop  }
__scs_overlays_trampoline_lowered:
0x8: {  	[smem:$0x3F8A] =	sst s0  }
0x9: {  	[smem:$0x3F8B] =	sst s1  }
0xa: {  	[smem:$0x3F8C] =	sst s2  }
0xb: {  	[smem:$0x3F8D] =	sst s3  }
0xc: {  	[smem:$0x3F8E] =	sst s4  }
0xd: {  	[smem:$0x3F8F] =	sst s5  }
0xe: {  	[smem:$0x3F90] =	sst s6  }
0xf: {  	[smem:$0x3F91] =	sst s7  }
0x10: {  	[smem:$0x3F92] =	sst s8  }
0x11: {  	[smem:$0x3F93] =	sst s9;
	s0 =	simm.s32 @!p0 $0x0  }
0x12: {  	s1 =	sld [smem:$0x3F79];
	s0 =	simm.s32 @p0 $0x1  }
0x13: {  	[smem:$0x3F94] =	sst s0;
	s0 =	simm.s32 @!p1 $0x0  }
0x14: {  	s2 =	sld [smem:$0x3F78];
	s0 =	simm.s32 @p1 $0x1  }
0x15: {  	[smem:$0x3F95] =	sst s0;
	s0 =	simm.s32 @!p2 $0x0  }
0x16: {  	s3 =	sld [smem:$0x3FDB];
	s0 =	simm.s32 @p2 $0x1  }
0x17: {  	s4 =	simm.s32 $0x1BF5;
	[smem:$0x3F97] =	sst s0  }
0x18: {  	s0 =	sld [smem:$0x3F7A];
	_ =	swait.ge [sflag:s4], $0x0  }
0x19: {  	s7 =	sld [smem:$0x3F7B]  }
0x1a: {  	s8 =	sadd.s32 $0xFFFFE003, lr  }
0x1b: {  	s9 =	sadd.s32 $0xFFFFFEF7, lr;
	s5 =	simm.s32 $0xFFFFFFFF;
	p2 =	slt.u32 s8, $0xFFFFF086  }
0x1c: {  	p1 =	slt.u32 s9, $0xF7A;
	s5 =	simm.s32 @!p2 $0x0  }
0x1d: {  	s5 =	simm.s32 @p1 $0x1;
	p0 =	seq.s32 s7, s2  }
0x1e: {  	s7 =	smul.u32 @!p0 $0xF7A, s2;
	p2 =	seq.s32 @!p0 s5, $0x0  }
0x1f: {  	s9 =	smul.u32 $0xF7A, s1;
	s8 =	simm.s32 @!p0 $0x1BF5;
	p2 =	por !p2, p0  }
0x20: {  	[sflag:s8] =	ssyncset.s32 @!p0 $0xFFFFF086;
	s6 =	sadd.s32 @!p0 s3, s7;
	s7 =	simm.s32 @!p0 $0x108  }
0x21: {  	s3 =	sadd.s32 s3, s9;
	s6 =	sadd.s32 @!p0 $0x88, s6;
	s7 =	simm.s32 @p2 $0x1082  }
0x22: {  	[simem:s7], [sflag:s8] =	dma.local @!p0 [hbm:s6], $0xF7A  }
0x23: {  	s9 =	sor.u32 $0xD0000000, s2;
	s6 =	simm.s32 $0x108;
	_ =	swait.ge @!p0 [sflag:s8], $0x0  }
0x24: {  	s3 =	sadd.s32 $0x88, s3;
	s6 =	simm.s32 @!p1 $0x1082;
	[sflag:s4] =	ssyncset.s32 $0xFFFFF086  }
0x25: {  	[simem:s6], [sflag:s4] =	dma.local [hbm:s3], $0xF7A  }
0x26: {  	[smem:$0x3F7B] =	sst s1;
	(tag) =	ssettag s2;
	_ =	strace s9  }
0x27: {  	s1 =	sld [smem:$0x3F8B]  }
0x28: {  	s2 =	sld [smem:$0x3F8C]  }
0x29: {  	s4 =	sld [smem:$0x3F8E]  }
0x2a: {  	p0 =	seq.s32 s5, $0x0;
	s5 =	sld [smem:$0x3F8F]  }
0x2b: {  	s6 =	sld [smem:$0x3F90]  }
0x2c: {  	s7 =	sld [smem:$0x3F91]  }
0x2d: {  	s3 =	simm.s32 $0x108;
	s8 =	sld [smem:$0x3F92]  }
0x2e: {  	s3 =	simm.s32 @!p0 $0x1082;
	s9 =	sld [smem:$0x3F93]  }
0x2f: {  	lr =	sadd.s32 s0, s3;
	s0 =	sld [smem:$0x3F8A]  }
0x30: {  	s3 =	sld [smem:$0x3F8D]  }
0x31: {  	[smem:$0x3F96] =	sst s10  }
0x32: {  	s10 =	sld [smem:$0x3F94];
	_ =	sdelay $0x3  }
0x33: {  	p0 =	seq.s32 s10, $0x1;
	s10 =	sld [smem:$0x3F96];
	_ =	sdelay $0x3  }
0x34: {  	[smem:$0x3F96] =	sst s10  }
0x35: {  	s10 =	sld [smem:$0x3F95];
	_ =	sdelay $0x3  }
0x36: {  	p1 =	seq.s32 s10, $0x1;
	s10 =	sld [smem:$0x3F96];
	_ =	sdelay $0x3  }
0x37: {  	[smem:$0x3F96] =	sst s10  }
0x38: {  	s10 =	sld [smem:$0x3F97]  }
0x39: {  	_ = 	snop;
	(pc) =	sbr.ind lr, $3  }
0x3a: {  	_ = 	snop  }
0x3b: {  	_ = 	snop  }
0x3c: {  	p2 =	seq.s32 s10, $0x1;
	s10 =	sld [smem:$0x3F96]  }
0x3d: {  	_ =	shalt  }
0x3e: {  	_ =	shalt  }
0x3f: {  	_ =	shalt  }
0x40: {  	_ =	shalt  }
0x41: {  	_ =	shalt  }
0x42: {  	_ =	shalt  }
0x43: {  	_ =	shalt  }
0x44: {  	_ =	shalt  }
0x45: {  	_ =	shalt  }
0x46: {  	_ =	shalt  }
0x47: {  	_ =	shalt  }
0x48: {  	_ =	shalt  }
0x49: {  	_ =	shalt  }
0x4a: {  	_ =	shalt  }
0x4b: {  	_ =	shalt  }
0x4c: {  	_ =	shalt  }
0x4d: {  	_ =	shalt  }
0x4e: {  	_ =	shalt  }
0x4f: {  	_ =	shalt  }
0x50: {  	_ =	shalt  }
0x51: {  	_ =	shalt  }
0x52: {  	_ =	shalt  }
0x53: {  	_ =	shalt  }
0x54: {  	_ =	shalt  }
0x55: {  	_ =	shalt  }
0x56: {  	_ =	shalt  }
0x57: {  	_ =	shalt  }
0x58: {  	_ =	shalt  }
0x59: {  	_ =	shalt  }
0x5a: {  	_ =	shalt  }
0x5b: {  	_ =	shalt  }
0x5c: {  	_ =	shalt  }
0x5d: {  	_ =	shalt  }
0x5e: {  	_ =	shalt  }
0x5f: {  	_ =	shalt  }
0x60: {  	_ =	shalt  }
0x61: {  	_ =	shalt  }
0x62: {  	_ =	shalt  }
0x63: {  	_ =	shalt  }
0x64: {  	_ =	shalt  }
0x65: {  	_ =	shalt  }
0x66: {  	_ =	shalt  }
0x67: {  	_ =	shalt  }
0x68: {  	_ =	shalt  }
0x69: {  	_ =	shalt  }
0x6a: {  	_ =	shalt  }
0x6b: {  	_ =	shalt  }
0x6c: {  	_ =	shalt  }
0x6d: {  	_ =	shalt  }
0x6e: {  	_ =	shalt  }
0x6f: {  	_ =	shalt  }
0x70: {  	_ =	shalt  }
0x71: {  	_ =	shalt  }
0x72: {  	_ =	shalt  }
0x73: {  	_ =	shalt  }
0x74: {  	_ =	shalt  }
0x75: {  	_ =	shalt  }
0x76: {  	_ =	shalt  }
0x77: {  	_ =	shalt  }
0x78: {  	_ =	shalt  }
0x79: {  	_ =	shalt  }
0x7a: {  	_ =	shalt  }
0x7b: {  	_ =	shalt  }
0x7c: {  	_ =	shalt  }
0x7d: {  	_ =	shalt  }
0x7e: {  	_ =	shalt  }
0x7f: {  	_ =	shalt  }
0x80: {  	_ =	shalt  }
0x81: {  	_ =	shalt  }
0x82: {  	_ =	shalt  }
0x83: {  	_ =	shalt  }
0x84: {  	_ =	shalt  }
0x85: {  	_ =	shalt  }
0x86: {  	_ =	shalt  }
0x87: {  	_ =	shalt  }
.Lfunc_end0:
.L_simem_size_0:
called_computation.2_lowered:
.L_overlay_start_0:
0x88: {  	s2 =	sld [smem:$0x3FD9]  }
0x89: {  	s3 =	sld [smem:$0x3FFE];
	_ =	sdelay $0x1  }
0x8a: {  	s1 =	srdreg.scid  }
0x8b: {  	s0 =	sand.u32 $0x1, s1  }
0x8c: {  	s16 =	sshll.u32 s0, $0xA;
	s2 =	sadd.s32 s3, s2  }
0x8d: {  	s2 =	sadd.s32 s2, s16  }
0x8e: {  	[smem:$0x3FA2] =	sst s2  }
0x8f: {  	_ = 	snop  }
0x90: {  	(tm) =	ssettm $0x1  }
0x91: {  	s17 =	sld [smem:$0x3FFB];
	_ =	sdelay $0x3  }
0x92: {  	_ =	strace s17  }
0x93: {  	s2 =	sld [smem:$0x3FFC];
	_ =	sdelay $0x3  }
0x94: {  	_ =	strace s2  }
0x95: {  	s2 =	sld [smem:$0x3FFD];
	_ =	sdelay $0x3  }
0x96: {  	_ =	strace s2  }
0x97: {  	_ =	strace $0x8FFFFFFF  }
0x98: {  	s18 =	sld [smem:$0x3FDB];
	_ =	sdelay $0x1  }
0x99: {  	s19 =	simm.s32 $_scs_section_size  }
0x9a: {  	s4 =	simm.s32 $_size__tile_overlayer_lowered;
	s5 =	simm.s32 $_tile_overlayer_lowered  }
0x9b: {  	s22 =	simm.s32 $0x1BFF;
	s21 =	sshll.u32 s5, $0x1;
	s2 =	sadd.s32 s19, s18  }
0x9c: {  	s6 =	simm.s32 $0x0;
	s20 =	sshll.u32 s4, $0x1;
	s4 =	sadd.s32 s21, s2  }
0x9d: {  	[timem:s6], [sflag:s22] =	dma.local [hbm:s4], s20  }
0x9e: {  	_ =	swait.ge [sflag:s22], s20  }
0x9f: {  	s3 =	ssub.s32 $0x0, s20;
	[sflag:s22] =	ssyncset.done $0x0  }
0xa0: {  	[sflag:s22] =	ssyncadd.s32 s3;
	_ =	sdelay $0x1  }
0xa1: {  	s23 =	simm.s32 $0x1B8B  }
0xa2: {  	_ =	swait.ge [sflag:s23], $0x1  }
0xa3: {  	[sflag:s23] =	ssyncset.done $0x0  }
0xa4: {  	s25 =	simm.s32 $0x1B8E;
	s24 =	sld [smem:$0x3FFE];
	[sflag:s23] =	ssyncadd.s32 $0xFFFFFFFF  }
0xa5: {  	s26 =	simm.s32 $execute0_lowered;
	[smem:$0x3FD2] =	sst s25  }
0xa6: {  	s4 =	sshll.u32 s26, $0x1;
	_ =	strace $0x8000004C;
	[dreg:$0x1] =	wrdreg $0xFFFFFFFF  }
0xa7: {  	s28 =	simm.s32 $_size_execute0_lowered;
	s2 =	sadd.s32 s2, s4;
	[dreg:$0x0] =	wrdreg $0x0  }
0xa8: {  	s4 =	sshll.u32 s28, $0x1;
	[dreg:$0x2] =	wrdreg s2  }
0xa9: {  	[dreg:$0x3] =	wrdreg s4  }
0xaa: {  	[dreg:$0x4] =	wrdreg $0xC0  }
0xab: {  	_ =	task [dreg:s6], $0x5FFFF  }
0xac: {  	[dreg:$0x1] =	wrdreg $0xFFFFFFFF  }
0xad: {  	[dreg:$0x0] =	wrdreg $0x60  }
0xae: {  	[dreg:$0x2] =	wrdreg s24  }
0xaf: {  	[dreg:$0x3] =	wrdreg $0x9  }
0xb0: {  	_ =	task.clear_ibuf [dreg:s6], $0x4FFFF;
	_ =	strace $0x9000004C  }
0xb1: {  	s29 =	simm.s32 $0x9;
	_ =	strace $0x8000004E  }
0xb2: {  	_ =	swait.ge [sflag:s29], $0x1  }
0xb3: {  	[sflag:s29] =	ssyncadd.s32 $0xFFFFFFFF  }
0xb4: {  	_ =	strace $0x9000004E  }
0xb5: {  	_ =	sfence  }
0xb6: {  	s30 =	sld [smem:$0x0];
	_ =	sdelay $0x2  }
0xb7: {  	s31 =	sshll.u32 s1, $0xD;
	s1 =	sshrl.u32 s1, $0x2  }
0xb8: {  	s3 =	sand.u32 $0x4000, s31;
	s1 =	sadd.s32 s1, s30  }
0xb9: {  	s0 =	sor.u32 s3, s0;
	s1 =	sshll.u32 s1, $0x11  }
0xba: {  	s0 =	sor.u32 s1, s0  }
0xbb: {  	s0 =	sadd.s32 $0x8F2B, s0  }
0xbc: {  	[sflag:s0] =	ssyncadd.remote.s32 $0x1  }
0xbd: {  	_ =	sfence.sel $0xFFFF  }
0xbe: {  	[dreg:$0x0] =	wrdreg $0xFFFFFFFF;
	(pc) =	sbr.abs _section_cstart, $3  }
0xbf: {  	[dreg:$0x1] =	wrdreg $0xFFFFFFFF  }
0xc0: {  	_ =	task.clear_ibuf [dreg:s6], $0x2FFFF;
	_ =	strace $0x9FFFFFFF  }
0xc1: {  	(tm) =	ssettm $0x7FFFFFFF  }
tec
execute0_lowered:
.L_overlay_start_1:
0x0: {  	(tag) =	ssettag $0x1  }
0x1: {  	s5 =	rddreg [dreg:$0x0]  }
0x2: {  	s0 =	rddreg [dreg:$0x1];
	s2 =	simm.s32 $0x0;
	s1 =	srdreg.scid  }
0x3: {  	s12 =	simm.s32 $0x2;
	s13 =	simm.s32 $0x50;
	s14 =	simm.s32 $0x100  }
0x4: {  	s15 =	simm.s32 $0x2900;
	[smem:$0x7FF] =	sst s2;
	s6 =	sand.u32 $0x1, s1  }
0x5: {  	s16 =	simm.s32 $0x0;
	s1 =	stileid.u32;
	s7 =	smul.u32 $0x27100, s6  }
0x6: {  	s3 =	sadd.s32 $0x21400, s5;
	s4 =	sadd.s32 $0x48600, s5;
	s8 =	smul.u32 $0x2710, s1  }
0x7: {  	_ =	strace $0x8000004D;
	s9 =	smul.u32 $0x271000, s6;
	s6 =	ssub.s32 $0x2, s6  }
0x8: {  	s29 =	smul.u32 $0x27100, s1;
	s10 =	sshrl.u32 s6, $0x1;
	s7 =	sadd.s32 s8, s7  }
0x9: {  	s9 =	sadd.s32 s9, s5;
	s30 =	ssub.s32 s6, s10;
	s7 =	sshrl.u32 s7, $0x3  }
0xa: {  	s10 =	simm.s32 $0x80;
	s31 =	sadd.s32 s29, s9;
	s11 =	sadd.s32 s7, s5  }
0xb: {  	s5 =	smax.u32 s30, $0x1;
	s6 =	sadd.s32 $0x96A00, s31;
	s7 =	sadd.s32 $0x578A00, s31  }
0xc: {  	s8 =	sadd.s32 $0xD800, s11;
	s9 =	sadd.s32 $0x17600, s11;
	s11 =	simm.s32 $0x1  }
.LBB2_1:
0xd: {  	s17 =	sadd.s32 $0x0, s9  }
0xe: {  	[tilespmem:s2], [sflag:$0x1] =	stream.linear.gather [hbm4b:s17+s2], $0x50, $0x38;
	[tilespmem:$0x5100] =	vst v63  }
0xf: {  	s31 =	sadd.s32 $0x0, s8  }
0x10: {  	[tilespmem:s10], [sflag:$0x2] =	stream.linear.gather [hbm4b:s31+s2], $0x50, $0x38;
	[tilespmem:$0x5100] =	vst v63  }
0x11: {  	_ =	swait.ge [sflag:s11], $0x50  }
0x12: {  	[sflag:s11] =	ssyncset.done $0x0  }
0x13: {  	[sflag:s11] =	ssyncadd.s32 $0xFFFFFFB0  }
0x14: {  	_ =	swait.ge [sflag:s12], $0x50  }
0x15: {  	[sflag:s12] =	ssyncset.done $0x0  }
0x16: {  	[sflag:s12] =	ssyncadd.s32 $0xFFFFFFB0  }
0x17: {  	[tilespmem:s14], [sflag:$0x1] =	stream.indirect.gather [hbm4b:s3+s13], $0x80, s2, s13, $0xb8;
	[tilespmem:$0x5100] =	vst v63  }
0x18: {  	_ = 	snop  }
0x19: {  	[tilespmem:s15], [sflag:$0x2] =	stream.indirect.gather [hbm4b:s4+s13], $0x80, s10, s13, $0xb8;
	[tilespmem:$0x5100] =	vst v63  }
0x1a: {  	_ =	swait.ge [sflag:s11], $0x2800  }
0x1b: {  	[sflag:s11] =	ssyncset.done $0x0  }
0x1c: {  	[sflag:s11] =	ssyncadd.s32 $0xFFFFD800  }
0x1d: {  	_ =	swait.ge [sflag:s12], $0x2800  }
0x1e: {  	[sflag:s12] =	ssyncset.done $0x0  }
0x1f: {  	[sflag:s12] =	ssyncadd.s32 $0xFFFFD800  }
0x20: {  	[hbm4b:s6+s2] =	stream.linear.scatter [tilespmem:s14], [sflag:$0x1], $0x2800, $0x38;
	[tilespmem:$0x5100] =	vst v63  }
0x21: {  	_ = 	snop  }
0x22: {  	[hbm4b:s7+s2] =	stream.linear.scatter [tilespmem:s15], [sflag:$0x2], $0x2800, $0x38;
	[tilespmem:$0x5100] =	vst v63  }
0x23: {  	_ =	swait.ge [sflag:s11], $0x2800  }
0x24: {  	[sflag:s11] =	ssyncset.done $0x0  }
0x25: {  	[sflag:s11] =	ssyncadd.s32 $0xFFFFD800  }
0x26: {  	s19 =	simm.s32 $0xA;
	s20 =	simm.s32 $0x14;
	_ =	swait.ge [sflag:s12], $0x2800  }
0x27: {  	s18 =	sadd.s32 $0x500, s7;
	s17 =	sadd.s32 $0x500, s6;
	[sflag:s12] =	ssyncset.done $0x0  }
.LBB2_2:
0x28: {  	s21 =	sadd.s32 s19, s9  }
0x29: {  	[sflag:s12] =	ssyncadd.s32 $0xFFFFD800;
	s22 =	smov.u32 s20;
	s23 =	sadd.s32 $0xA, s20  }
0x2a: {  	[tilespmem:s2], [sflag:$0x1] =	stream.linear.gather [hbm4b:s21+s2], $0x50, $0x38;
	[tilespmem:$0x5100] =	vst v63  }
0x2b: {  	p0 =	sne.s32 s20, $0x4D8;
	s20 =	sadd.s32 s19, s8;
	s19 =	smov.u32 s22  }
0x2c: {  	[tilespmem:s10], [sflag:$0x2] =	stream.linear.gather [hbm4b:s20+s2], $0x50, $0x38;
	[tilespmem:$0x5100] =	vst v63  }
0x2d: {  	_ =	swait.ge [sflag:s11], $0x50  }
0x2e: {  	[sflag:s11] =	ssyncset.done $0x0  }
0x2f: {  	[sflag:s11] =	ssyncadd.s32 $0xFFFFFFB0  }
0x30: {  	_ =	swait.ge [sflag:s12], $0x50  }
0x31: {  	[sflag:s12] =	ssyncset.done $0x0  }
0x32: {  	[sflag:s12] =	ssyncadd.s32 $0xFFFFFFB0  }
0x33: {  	[tilespmem:s14], [sflag:$0x1] =	stream.indirect.gather [hbm4b:s3+s13], $0x80, s2, s13, $0xb8;
	[tilespmem:$0x5100] =	vst v63  }
0x34: {  	_ = 	snop  }
0x35: {  	[tilespmem:s15], [sflag:$0x2] =	stream.indirect.gather [hbm4b:s4+s13], $0x80, s10, s13, $0xb8;
	[tilespmem:$0x5100] =	vst v63  }
0x36: {  	_ =	swait.ge [sflag:s11], $0x2800  }
0x37: {  	[sflag:s11] =	ssyncset.done $0x0  }
0x38: {  	[sflag:s11] =	ssyncadd.s32 $0xFFFFD800  }
0x39: {  	_ =	swait.ge [sflag:s12], $0x2800  }
0x3a: {  	[sflag:s12] =	ssyncset.done $0x0  }
0x3b: {  	[sflag:s12] =	ssyncadd.s32 $0xFFFFD800  }
0x3c: {  	[hbm4b:s17+s2] =	stream.linear.scatter [tilespmem:s14], [sflag:$0x1], $0x2800, $0x38;
	[tilespmem:$0x5100] =	vst v63  }
0x3d: {  	_ = 	snop  }
0x3e: {  	[hbm4b:s18+s2] =	stream.linear.scatter [tilespmem:s15], [sflag:$0x2], $0x2800, $0x38;
	[tilespmem:$0x5100] =	vst v63  }
.Ltmp0:
0x3f: {  	_ =	swait.ge [sflag:s11], $0x2800;
	(pc) =	sbr.rel @p0 .LBB2_2-.Ltmp0, $4  }
0x40: {  	[sflag:s11] =	ssyncset.done $0x0  }
0x41: {  	[sflag:s11] =	ssyncadd.s32 $0xFFFFD800  }
0x42: {  	s20 =	smov.u32 s23;
	_ =	swait.ge [sflag:s12], $0x2800  }
0x43: {  	s17 =	sadd.s32 $0x500, s17;
	s18 =	sadd.s32 $0x500, s18;
	[sflag:s12] =	ssyncset.done $0x0  }
0x44: {  	s20 =	sadd.s32 s19, s9;
	[sflag:s12] =	ssyncadd.s32 $0xFFFFD800  }
0x45: {  	[tilespmem:s2], [sflag:$0x1] =	stream.linear.gather [hbm4b:s20+s2], $0x50, $0x38;
	[tilespmem:$0x5100] =	vst v63  }
0x46: {  	s31 =	sadd.s32 s19, s8  }
0x47: {  	[tilespmem:s10], [sflag:$0x2] =	stream.linear.gather [hbm4b:s31+s2], $0x50, $0x38;
	[tilespmem:$0x5100] =	vst v63  }
0x48: {  	_ =	swait.ge [sflag:s11], $0x50  }
0x49: {  	[sflag:s11] =	ssyncset.done $0x0  }
0x4a: {  	[sflag:s11] =	ssyncadd.s32 $0xFFFFFFB0  }
0x4b: {  	_ =	swait.ge [sflag:s12], $0x50  }
0x4c: {  	[sflag:s12] =	ssyncset.done $0x0  }
0x4d: {  	[sflag:s12] =	ssyncadd.s32 $0xFFFFFFB0  }
0x4e: {  	[tilespmem:s14], [sflag:$0x1] =	stream.indirect.gather [hbm4b:s3+s13], $0x80, s2, s13, $0xb8;
	[tilespmem:$0x5100] =	vst v63  }
0x4f: {  	_ = 	snop  }
0x50: {  	[tilespmem:s15], [sflag:$0x2] =	stream.indirect.gather [hbm4b:s4+s13], $0x80, s10, s13, $0xb8;
	[tilespmem:$0x5100] =	vst v63  }
0x51: {  	_ =	swait.ge [sflag:s11], $0x2800  }
0x52: {  	[sflag:s11] =	ssyncset.done $0x0  }
0x53: {  	[sflag:s11] =	ssyncadd.s32 $0xFFFFD800  }
0x54: {  	_ =	swait.ge [sflag:s12], $0x2800  }
0x55: {  	[sflag:s12] =	ssyncset.done $0x0  }
0x56: {  	[sflag:s12] =	ssyncadd.s32 $0xFFFFD800  }
0x57: {  	[hbm4b:s17+s2] =	stream.linear.scatter [tilespmem:s14], [sflag:$0x1], $0x2800, $0x38;
	[tilespmem:$0x5100] =	vst v63  }
0x58: {  	s16 =	sadd.s32 $0x1, s16  }
0x59: {  	[hbm4b:s18+s2] =	stream.linear.scatter [tilespmem:s15], [sflag:$0x2], $0x2800, $0x38;
	[tilespmem:$0x5100] =	vst v63  }
0x5a: {  	p0 =	sne.s32 s16, s5;
	_ =	swait.ge [sflag:s11], $0x2800  }
.Ltmp1:
0x5b: {  	[sflag:s11] =	ssyncset.done $0x0;
	(pc) =	sbr.rel @p0 .LBB2_1-.Ltmp1, $4  }
0x5c: {  	[sflag:s11] =	ssyncadd.s32 $0xFFFFD800  }
0x5d: {  	_ =	swait.ge [sflag:s12], $0x2800  }
0x5e: {  	[sflag:s12] =	ssyncset.done $0x0  }
0x5f: {  	[sflag:s12] =	ssyncadd.s32 $0xFFFFD800  }
0x60: {  	_ =	sfence.sel $0x180000  }
0x61: {  	[bflag:$0x0] =	sbarrier.arrive $0xFFFF  }
0x62: {  	p0 =	sne.s32 s1, $0x0;
	_ =	strace $0x9000004D  }
0x63: {  	s0 =	sadd.s32 @!p0 $0x100000, s0;
	[bflag:$0x2] =	sbarrier.arrive $0xFFFF  }
0x64: {  	[sflag:s0] =	ssyncadd.tile.s32 @!p0 $0x1;
	_ =	shalt  }
.Lfunc_end2:
_tile_overlayer_lowered:
.L_overlay_start_2:
0x65: {  	(tag) =	ssettag $0x2  }
0x66: {  	s0 =	rddreg [dreg:$0x0];
	s2 =	stileid.u32  }
0x67: {  	s1 =	rddreg [dreg:$0x1];
	p0 =	sne.s32 s2, $0x0  }
0x68: {  	s3 =	rddreg [dreg:$0x2];
	[bflag:$0x3] =	sbarrier.arrive $0xFFFF;
	s2 =	simm.s32 @!p0 $0x1C03  }
0x69: {  	[timem:s3], [sflag:s2] =	dma.local @!p0 [hbm:s0], s1  }
0x6a: {  	s0 =	simm.s32 @!p0 $0x3  }
0x6b: {  	_ =	swait.ge @!p0 [sflag:s0], s1  }
0x6c: {  	s1 =	ssub.s32 @!p0 $0x0, s1;
	[sflag:s0] =	ssyncset.done @!p0 $0x0  }
0x6d: {  	[sflag:s0] =	ssyncadd.s32 @!p0 s1  }
0x6e: {  	[bflag:$0x3] =	sbarrier.arrive $0xFFFF  }
0x6f: {  	_ =	shalt  }

// kernel: kernel.31.cloned.1.call-start
scs
__scs_entry_jumppad:
0x0: {  	(pc) =	sbr.rel $0x88, $3  }
0x1: {  	(tag) =	ssettag $0x0;
	lr =	simm.s32 $0x1  }
0x2: {  	[smem:$0x3F7B] =	sst lr;
	_ =	strace $0xD0000000  }
0x3: {  	_ = 	snop  }
0x4: {  	_ = 	snop  }
0x5: {  	_ = 	snop  }
0x6: {  	_ = 	snop  }
0x7: {  	_ = 	snop  }
__scs_overlays_trampoline_lowered:
0x8: {  	[smem:$0x3F8A] =	sst s0  }
0x9: {  	[smem:$0x3F8B] =	sst s1  }
0xa: {  	[smem:$0x3F8C] =	sst s2  }
0xb: {  	[smem:$0x3F8D] =	sst s3  }
0xc: {  	[smem:$0x3F8E] =	sst s4  }
0xd: {  	[smem:$0x3F8F] =	sst s5  }
0xe: {  	[smem:$0x3F90] =	sst s6  }
0xf: {  	[smem:$0x3F91] =	sst s7  }
0x10: {  	[smem:$0x3F92] =	sst s8  }
0x11: {  	[smem:$0x3F93] =	sst s9;
	s0 =	simm.s32 @!p0 $0x0  }
0x12: {  	s1 =	sld [smem:$0x3F79];
	s0 =	simm.s32 @p0 $0x1  }
0x13: {  	[smem:$0x3F94] =	sst s0;
	s0 =	simm.s32 @!p1 $0x0  }
0x14: {  	s2 =	sld [smem:$0x3F78];
	s0 =	simm.s32 @p1 $0x1  }
0x15: {  	[smem:$0x3F95] =	sst s0;
	s0 =	simm.s32 @!p2 $0x0  }
0x16: {  	s3 =	sld [smem:$0x3FDB];
	s0 =	simm.s32 @p2 $0x1  }
0x17: {  	s4 =	simm.s32 $0x1BF5;
	[smem:$0x3F97] =	sst s0  }
0x18: {  	s0 =	sld [smem:$0x3F7A];
	_ =	swait.ge [sflag:s4], $0x0  }
0x19: {  	s7 =	sld [smem:$0x3F7B]  }
0x1a: {  	s8 =	sadd.s32 $0xFFFFE003, lr  }
0x1b: {  	s9 =	sadd.s32 $0xFFFFFEF7, lr;
	s5 =	simm.s32 $0xFFFFFFFF;
	p2 =	slt.u32 s8, $0xFFFFF086  }
0x1c: {  	p1 =	slt.u32 s9, $0xF7A;
	s5 =	simm.s32 @!p2 $0x0  }
0x1d: {  	s5 =	simm.s32 @p1 $0x1;
	p0 =	seq.s32 s7, s2  }
0x1e: {  	s7 =	smul.u32 @!p0 $0xF7A, s2;
	p2 =	seq.s32 @!p0 s5, $0x0  }
0x1f: {  	s9 =	smul.u32 $0xF7A, s1;
	s8 =	simm.s32 @!p0 $0x1BF5;
	p2 =	por !p2, p0  }
0x20: {  	[sflag:s8] =	ssyncset.s32 @!p0 $0xFFFFF086;
	s6 =	sadd.s32 @!p0 s3, s7;
	s7 =	simm.s32 @!p0 $0x108  }
0x21: {  	s3 =	sadd.s32 s3, s9;
	s6 =	sadd.s32 @!p0 $0x88, s6;
	s7 =	simm.s32 @p2 $0x1082  }
0x22: {  	[simem:s7], [sflag:s8] =	dma.local @!p0 [hbm:s6], $0xF7A  }
0x23: {  	s9 =	sor.u32 $0xD0000000, s2;
	s6 =	simm.s32 $0x108;
	_ =	swait.ge @!p0 [sflag:s8], $0x0  }
0x24: {  	s3 =	sadd.s32 $0x88, s3;
	s6 =	simm.s32 @!p1 $0x1082;
	[sflag:s4] =	ssyncset.s32 $0xFFFFF086  }
0x25: {  	[simem:s6], [sflag:s4] =	dma.local [hbm:s3], $0xF7A  }
0x26: {  	[smem:$0x3F7B] =	sst s1;
	(tag) =	ssettag s2;
	_ =	strace s9  }
0x27: {  	s1 =	sld [smem:$0x3F8B]  }
0x28: {  	s2 =	sld [smem:$0x3F8C]  }
0x29: {  	s4 =	sld [smem:$0x3F8E]  }
0x2a: {  	p0 =	seq.s32 s5, $0x0;
	s5 =	sld [smem:$0x3F8F]  }
0x2b: {  	s6 =	sld [smem:$0x3F90]  }
0x2c: {  	s7 =	sld [smem:$0x3F91]  }
0x2d: {  	s3 =	simm.s32 $0x108;
	s8 =	sld [smem:$0x3F92]  }
0x2e: {  	s3 =	simm.s32 @!p0 $0x1082;
	s9 =	sld [smem:$0x3F93]  }
0x2f: {  	lr =	sadd.s32 s0, s3;
	s0 =	sld [smem:$0x3F8A]  }
0x30: {  	s3 =	sld [smem:$0x3F8D]  }
0x31: {  	[smem:$0x3F96] =	sst s10  }
0x32: {  	s10 =	sld [smem:$0x3F94];
	_ =	sdelay $0x3  }
0x33: {  	p0 =	seq.s32 s10, $0x1;
	s10 =	sld [smem:$0x3F96];
	_ =	sdelay $0x3  }
0x34: {  	[smem:$0x3F96] =	sst s10  }
0x35: {  	s10 =	sld [smem:$0x3F95];
	_ =	sdelay $0x3  }
0x36: {  	p1 =	seq.s32 s10, $0x1;
	s10 =	sld [smem:$0x3F96];
	_ =	sdelay $0x3  }
0x37: {  	[smem:$0x3F96] =	sst s10  }
0x38: {  	s10 =	sld [smem:$0x3F97]  }
0x39: {  	_ = 	snop;
	(pc) =	sbr.ind lr, $3  }
0x3a: {  	_ = 	snop  }
0x3b: {  	_ = 	snop  }
0x3c: {  	p2 =	seq.s32 s10, $0x1;
	s10 =	sld [smem:$0x3F96]  }
0x3d: {  	_ =	shalt  }
0x3e: {  	_ =	shalt  }
0x3f: {  	_ =	shalt  }
0x40: {  	_ =	shalt  }
0x41: {  	_ =	shalt  }
0x42: {  	_ =	shalt  }
0x43: {  	_ =	shalt  }
0x44: {  	_ =	shalt  }
0x45: {  	_ =	shalt  }
0x46: {  	_ =	shalt  }
0x47: {  	_ =	shalt  }
0x48: {  	_ =	shalt  }
0x49: {  	_ =	shalt  }
0x4a: {  	_ =	shalt  }
0x4b: {  	_ =	shalt  }
0x4c: {  	_ =	shalt  }
0x4d: {  	_ =	shalt  }
0x4e: {  	_ =	shalt  }
0x4f: {  	_ =	shalt  }
0x50: {  	_ =	shalt  }
0x51: {  	_ =	shalt  }
0x52: {  	_ =	shalt  }
0x53: {  	_ =	shalt  }
0x54: {  	_ =	shalt  }
0x55: {  	_ =	shalt  }
0x56: {  	_ =	shalt  }
0x57: {  	_ =	shalt  }
0x58: {  	_ =	shalt  }
0x59: {  	_ =	shalt  }
0x5a: {  	_ =	shalt  }
0x5b: {  	_ =	shalt  }
0x5c: {  	_ =	shalt  }
0x5d: {  	_ =	shalt  }
0x5e: {  	_ =	shalt  }
0x5f: {  	_ =	shalt  }
0x60: {  	_ =	shalt  }
0x61: {  	_ =	shalt  }
0x62: {  	_ =	shalt  }
0x63: {  	_ =	shalt  }
0x64: {  	_ =	shalt  }
0x65: {  	_ =	shalt  }
0x66: {  	_ =	shalt  }
0x67: {  	_ =	shalt  }
0x68: {  	_ =	shalt  }
0x69: {  	_ =	shalt  }
0x6a: {  	_ =	shalt  }
0x6b: {  	_ =	shalt  }
0x6c: {  	_ =	shalt  }
0x6d: {  	_ =	shalt  }
0x6e: {  	_ =	shalt  }
0x6f: {  	_ =	shalt  }
0x70: {  	_ =	shalt  }
0x71: {  	_ =	shalt  }
0x72: {  	_ =	shalt  }
0x73: {  	_ =	shalt  }
0x74: {  	_ =	shalt  }
0x75: {  	_ =	shalt  }
0x76: {  	_ =	shalt  }
0x77: {  	_ =	shalt  }
0x78: {  	_ =	shalt  }
0x79: {  	_ =	shalt  }
0x7a: {  	_ =	shalt  }
0x7b: {  	_ =	shalt  }
0x7c: {  	_ =	shalt  }
0x7d: {  	_ =	shalt  }
0x7e: {  	_ =	shalt  }
0x7f: {  	_ =	shalt  }
0x80: {  	_ =	shalt  }
0x81: {  	_ =	shalt  }
0x82: {  	_ =	shalt  }
0x83: {  	_ =	shalt  }
0x84: {  	_ =	shalt  }
0x85: {  	_ =	shalt  }
0x86: {  	_ =	shalt  }
0x87: {  	_ =	shalt  }
.Lfunc_end0:
.L_simem_size_0:
called_computation.3_lowered:
.L_overlay_start_0:
0x88: {  	s2 =	sld [smem:$0x3FD9]  }
0x89: {  	s3 =	sld [smem:$0x3FFE];
	_ =	sdelay $0x1  }
0x8a: {  	s1 =	srdreg.scid  }
0x8b: {  	s0 =	sand.u32 $0x1, s1  }
0x8c: {  	s16 =	sshll.u32 s0, $0xA;
	s2 =	sadd.s32 s3, s2  }
0x8d: {  	s2 =	sadd.s32 s2, s16  }
0x8e: {  	[smem:$0x3FA2] =	sst s2  }
0x8f: {  	_ = 	snop  }
0x90: {  	(tm) =	ssettm $0x1  }
0x91: {  	s17 =	sld [smem:$0x3FFB];
	_ =	sdelay $0x3  }
0x92: {  	_ =	strace s17  }
0x93: {  	s2 =	sld [smem:$0x3FFC];
	_ =	sdelay $0x3  }
0x94: {  	_ =	strace s2  }
0x95: {  	s2 =	sld [smem:$0x3FFD];
	_ =	sdelay $0x3  }
0x96: {  	_ =	strace s2  }
0x97: {  	_ =	strace $0x8FFFFFFF  }
0x98: {  	s18 =	sld [smem:$0x3FDB];
	_ =	sdelay $0x1  }
0x99: {  	s19 =	simm.s32 $_scs_section_size  }
0x9a: {  	s4 =	simm.s32 $_size__tile_overlayer_lowered;
	s5 =	simm.s32 $_tile_overlayer_lowered  }
0x9b: {  	s22 =	simm.s32 $0x1BFF;
	s21 =	sshll.u32 s5, $0x1;
	s2 =	sadd.s32 s19, s18  }
0x9c: {  	s6 =	simm.s32 $0x0;
	s20 =	sshll.u32 s4, $0x1;
	s4 =	sadd.s32 s21, s2  }
0x9d: {  	[timem:s6], [sflag:s22] =	dma.local [hbm:s4], s20  }
0x9e: {  	_ =	swait.ge [sflag:s22], s20  }
0x9f: {  	s3 =	ssub.s32 $0x0, s20;
	[sflag:s22] =	ssyncset.done $0x0  }
0xa0: {  	[sflag:s22] =	ssyncadd.s32 s3;
	_ =	sdelay $0x1  }
0xa1: {  	s23 =	simm.s32 $0x1B8B  }
0xa2: {  	_ =	swait.ge [sflag:s23], $0x1  }
0xa3: {  	[sflag:s23] =	ssyncset.done $0x0  }
0xa4: {  	s25 =	simm.s32 $0x1B8E;
	s24 =	sld [smem:$0x3FFE];
	[sflag:s23] =	ssyncadd.s32 $0xFFFFFFFF  }
0xa5: {  	s26 =	simm.s32 $execute0_lowered;
	[smem:$0x3FD2] =	sst s25  }
0xa6: {  	s4 =	sshll.u32 s26, $0x1;
	_ =	strace $0x8000004F;
	[dreg:$0x1] =	wrdreg $0xFFFFFFFF  }
0xa7: {  	s28 =	simm.s32 $_size_execute0_lowered;
	s2 =	sadd.s32 s2, s4;
	[dreg:$0x0] =	wrdreg $0x0  }
0xa8: {  	s4 =	sshll.u32 s28, $0x1;
	[dreg:$0x2] =	wrdreg s2  }
0xa9: {  	[dreg:$0x3] =	wrdreg s4  }
0xaa: {  	[dreg:$0x4] =	wrdreg $0xC0  }
0xab: {  	_ =	task [dreg:s6], $0x5FFFF  }
0xac: {  	[dreg:$0x1] =	wrdreg $0xFFFFFFFF  }
0xad: {  	[dreg:$0x0] =	wrdreg $0x60  }
0xae: {  	[dreg:$0x2] =	wrdreg s24  }
0xaf: {  	[dreg:$0x3] =	wrdreg $0x8C800  }
0xb0: {  	[dreg:$0x4] =	wrdreg $0x9  }
0xb1: {  	_ =	task.clear_ibuf [dreg:s6], $0x5FFFF;
	_ =	strace $0x9000004F  }
0xb2: {  	s29 =	simm.s32 $0x9;
	_ =	strace $0x80000051  }
0xb3: {  	_ =	swait.ge [sflag:s29], $0x1  }
0xb4: {  	[sflag:s29] =	ssyncadd.s32 $0xFFFFFFFF  }
0xb5: {  	_ =	strace $0x90000051  }
0xb6: {  	_ =	sfence  }
0xb7: {  	s30 =	sld [smem:$0x0];
	_ =	sdelay $0x2  }
0xb8: {  	s31 =	sshll.u32 s1, $0xD;
	s1 =	sshrl.u32 s1, $0x2  }
0xb9: {  	s3 =	sand.u32 $0x4000, s31;
	s1 =	sadd.s32 s1, s30  }
0xba: {  	s0 =	sor.u32 s3, s0;
	s1 =	sshll.u32 s1, $0x11  }
0xbb: {  	s0 =	sor.u32 s1, s0  }
0xbc: {  	s0 =	sadd.s32 $0x8F2B, s0  }
0xbd: {  	[sflag:s0] =	ssyncadd.remote.s32 $0x1  }
0xbe: {  	_ =	sfence.sel $0xFFFF  }
0xbf: {  	[dreg:$0x0] =	wrdreg $0xFFFFFFFF;
	(pc) =	sbr.abs _section_cstart, $3  }
0xc0: {  	[dreg:$0x1] =	wrdreg $0xFFFFFFFF  }
0xc1: {  	_ =	task.clear_ibuf [dreg:s6], $0x2FFFF;
	_ =	strace $0x9FFFFFFF  }
0xc2: {  	(tm) =	ssettm $0x7FFFFFFF  }
0xc3: {  	_ =	shalt  }
tec
execute0_lowered:
.L_overlay_start_1:
0x0: {  	(tag) =	ssettag $0x1  }
0x1: {  	s0 =	srdreg.scid  }
0x2: {  	s5 =	sand.u32 $0x1, s0  }
0x3: {  	s0 =	stileid.u32;
	s6 =	smul.u32 $0x27100, s5  }
0x4: {  	s7 =	smul.u32 $0x2710, s0  }
0x5: {  	s8 =	smul.u32 $0x271000, s5  }
0x6: {  	s13 =	smul.u32 $0x138800, s5  }
0x7: {  	s21 =	smul.u32 $0x19000, s0  }
0x8: {  	s16 =	smul.u32 $0x6400, s0  }
0x9: {  	s22 =	sor.u32 $0x10, s0;
	s18 =	smul.u32 $0x27100, s0  }
0xa: {  	s4 =	rddreg [dreg:$0x0];
	s9 =	sor.u32 $0x20, s0;
	s23 =	smul.u32 $0x19000, s22  }
0xb: {  	s2 =	rddreg [dreg:$0x1];
	s15 =	sor.u32 $0x30, s0;
	s24 =	smul.u32 $0x19000, s9  }
0xc: {  	s1 =	rddreg [dreg:$0x2];
	s3 =	simm.s32 $0x0;
	s10 =	smul.u32 $0x19000, s15  }
0xd: {  	[smem:$0x7FF] =	sst s3;
	s12 =	sadd.s32 $0x21400, s4;
	s17 =	smul.u32 $0x6400, s22  }
0xe: {  	_ =	strace $0x80000050;
	s19 =	ssub.s32 $0x2, s5;
	s26 =	smul.u32 $0x6400, s9  }
0xf: {  	s20 =	sshrl.u32 s19, $0x1;
	s30 =	smul.u32 $0x6400, s15;
	p0 =	sgt.u32 s15, $0x31  }
0x10: {  	s15 =	simm.s32 $0x2880;
	s6 =	sadd.s32 s7, s6;
	s11 =	sadd.s32 s8, s4  }
0x11: {  	s5 =	sshrl.u32 s21, $0x2;
	s25 =	sadd.s32 s13, s16;
	s21 =	simm.s32 $0x0  }
0x12: {  	s6 =	sshrl.u32 s6, $0x3;
	s5 =	sadd.s32 s5, s2;
	s7 =	sshrl.u32 s24, $0x2  }
0x13: {  	s10 =	sshrl.u32 s10, $0x2;
	s28 =	sshrl.u32 s25, $0x3;
	s29 =	sadd.s32 s13, s17  }
0x14: {  	s16 =	sadd.s32 s13, s26;
	s13 =	sadd.s32 s13, s30;
	s31 =	sadd.s32 s18, s11  }
0x15: {  	s17 =	simm.s32 $0x80;
	s18 =	simm.s32 $0x1;
	s14 =	sadd.s32 s6, s4  }
0x16: {  	s4 =	ssub.s32 s19, s20;
	s6 =	sshrl.u32 s23, $0x2;
	s7 =	sadd.s32 s7, s2  }
0x17: {  	s8 =	sadd.s32 s10, s2;
	s9 =	sadd.s32 s12, s28;
	s10 =	sshrl.u32 s29, $0x3  }
0x18: {  	s16 =	sshrl.u32 s16, $0x3;
	s13 =	sshrl.u32 s13, $0x3;
	s19 =	simm.s32 $0x2  }
0x19: {  	s20 =	simm.s32 $0x50;
	s4 =	smax.u32 s4, $0x1;
	s6 =	sadd.s32 s6, s2  }
0x1a: {  	s10 =	sadd.s32 s12, s10;
	s11 =	sadd.s32 s12, s16;
	s12 =	sadd.s32 s12, s13  }
0x1b: {  	v0 =	vimm.f32 $0.0e+00;
	s13 =	sadd.s32 $0x141EA00, s31;
	s14 =	sadd.s32 $0x17600, s14;
	s16 =	simm.s32 $0x3  }
.LBB2_1:
0x1c: {  	s22 =	simm.s32 $0x0;
	s23 =	simm.s32 $0x200  }
.LBB2_2:
0x1d: {  	p1 =	sne.s32 s23, $0x18E00;
	[tilespmem:s22+$0x28F0] =	vst v0  }
0x1e: {  	[tilespmem:s22+$0x2880] =	vst v0  }
0x1f: {  	[tilespmem:s22+$0x2890] =	vst v0  }
.Ltmp0:
0x20: {  	[tilespmem:s22+$0x28A0] =	vst v0;
	(pc) =	sbr.rel @p1 .LBB2_2-.Ltmp0, $4  }
0x21: {  	[tilespmem:s22+$0x28B0] =	vst v0  }
0x22: {  	[tilespmem:s22+$0x28C0] =	vst v0  }
0x23: {  	[tilespmem:s22+$0x28D0] =	vst v0  }
0x24: {  	[tilespmem:s22+$0x28E0] =	vst v0;
	s22 =	sshra.s32 s23, $0x2;
	s23 =	sadd.s32 $0x200, s23  }
0x25: {  	[tilespmem:s22+$0x28F0] =	vst v0  }
0x26: {  	[tilespmem:s22+$0x2880] =	vst v0  }
0x27: {  	[tilespmem:s22+$0x2890] =	vst v0  }
0x28: {  	[tilespmem:s22+$0x28A0] =	vst v0  }
0x29: {  	[tilespmem:s22+$0x28B0] =	vst v0  }
0x2a: {  	[tilespmem:s22+$0x28C0] =	vst v0  }
0x2b: {  	[tilespmem:s22+$0x28D0] =	vst v0  }
0x2c: {  	[tilespmem:s22+$0x28E0] =	vst v0  }
0x2d: {  	[spmem:s5] =	stream.linear.scatter [tilespmem:s15], [sflag:$0x3], $0x6400, $0x38;
	[tilespmem:$0x1C500] =	vst v63  }
0x2e: {  	_ =	swait.ge [sflag:s16], $0x6400  }
0x2f: {  	[sflag:s16] =	ssyncset.done $0x0  }
0x30: {  	[sflag:s16] =	ssyncadd.s32 $0xFFFF9C00  }
0x31: {  	[spmem:s6] =	stream.linear.scatter [tilespmem:s15], [sflag:$0x3], $0x6400, $0x38;
	[tilespmem:$0x1C500] =	vst v63  }
0x32: {  	_ =	swait.ge [sflag:s16], $0x6400  }
0x33: {  	[sflag:s16] =	ssyncset.done $0x0  }
0x34: {  	[sflag:s16] =	ssyncadd.s32 $0xFFFF9C00  }
0x35: {  	[spmem:s7] =	stream.linear.scatter [tilespmem:s15], [sflag:$0x3], $0x6400, $0x38;
	[tilespmem:$0x1C500] =	vst v63  }
0x36: {  	_ =	swait.ge [sflag:s16], $0x6400  }
0x37: {  	[sflag:s16] =	ssyncset.done $0x0  }
0x38: {  	s22 =	simm.s32 @!p0 $0x2880;
	[sflag:s16] =	ssyncadd.s32 $0xFFFF9C00  }
0x39: {  	[spmem:s8] =	stream.linear.scatter @!p0 [tilespmem:s22], [sflag:$0x3], $0x6400, $0x38;
	[tilespmem:$0x1C500] =	vst v63  }
0x3a: {  	s22 =	simm.s32 @!p0 $0x3  }
0x3b: {  	_ =	swait.ge @!p0 [sflag:s22], $0x6400  }
0x3c: {  	[sflag:s22] =	ssyncset.done @!p0 $0x0  }
0x3d: {  	[sflag:s22] =	ssyncadd.s32 @!p0 $0xFFFF9C00  }
0x3e: {  	s31 =	sadd.s32 $0x0, s14;
	[bflag:$0x0] =	sbarrier.arrive $0xFFFF  }
0x3f: {  	[tilespmem:s3], [sflag:$0x1] =	stream.linear.gather [hbm4b:s31+s3], $0x50, $0x38;
	[tilespmem:$0x1C500] =	vst v63  }
0x40: {  	_ = 	snop  }
0x41: {  	[tilespmem:s17], [sflag:$0x2] =	stream.linear.gather [hbm4b:s13+s3], $0x2800, $0x38;
	[tilespmem:$0x1C500] =	vst v63  }
0x42: {  	_ =	swait.ge [sflag:s18], $0x50  }
0x43: {  	[sflag:s18] =	ssyncset.done $0x0  }
0x44: {  	[sflag:s18] =	ssyncadd.s32 $0xFFFFFFB0  }
0x45: {  	_ =	swait.ge [sflag:s19], $0x2800  }
0x46: {  	[sflag:s19] =	ssyncset.done $0x0  }
0x47: {  	[sflag:s19] =	ssyncadd.s32 $0xFFFFD800  }
0x48: {  	[spmem:s2] =	stream.indirect.scatter.add.f32 [tilespmem:s17], [sflag:$0x3], $0x80, s3, s20, $0xb8;
	[tilespmem:$0x1C500] =	vst v63  }
0x49: {  	s23 =	simm.s32 $0xA;
	_ =	swait.ge [sflag:s16], $0x2800  }
0x4a: {  	s24 =	simm.s32 $0x14;
	s22 =	sadd.s32 $0x500, s13;
	[sflag:s16] =	ssyncset.done $0x0  }
.LBB2_4:
0x4b: {  	s25 =	sadd.s32 s23, s14  }
0x4c: {  	[sflag:s16] =	ssyncadd.s32 $0xFFFFD800;
	s23 =	smov.u32 s24;
	s26 =	sadd.s32 $0xA, s24  }
0x4d: {  	[tilespmem:s3], [sflag:$0x1] =	stream.linear.gather [hbm4b:s25+s3], $0x50, $0x38;
	[tilespmem:$0x1C500] =	vst v63  }
0x4e: {  	p1 =	sne.s32 s24, $0x4D8  }
0x4f: {  	[tilespmem:s17], [sflag:$0x2] =	stream.linear.gather [hbm4b:s22+s3], $0x2800, $0x38;
	[tilespmem:$0x1C500] =	vst v63  }
0x50: {  	_ =	swait.ge [sflag:s18], $0x50  }
0x51: {  	[sflag:s18] =	ssyncset.done $0x0  }
0x52: {  	[sflag:s18] =	ssyncadd.s32 $0xFFFFFFB0  }
0x53: {  	_ =	swait.ge [sflag:s19], $0x2800  }
.Ltmp1:
0x54: {  	[sflag:s19] =	ssyncset.done $0x0;
	(pc) =	sbr.rel @p1 .LBB2_4-.Ltmp1, $4  }
0x55: {  	[sflag:s19] =	ssyncadd.s32 $0xFFFFD800  }
0x56: {  	[spmem:s2] =	stream.indirect.scatter.add.f32 [tilespmem:s17], [sflag:$0x3], $0x80, s3, s20, $0xb8;
	[tilespmem:$0x1C500] =	vst v63  }
0x57: {  	_ =	swait.ge [sflag:s16], $0x2800  }
0x58: {  	s24 =	smov.u32 s26;
	s22 =	sadd.s32 $0x500, s22;
	[sflag:s16] =	ssyncset.done $0x0  }
0x59: {  	s23 =	sadd.s32 s23, s14;
	[sflag:s16] =	ssyncadd.s32 $0xFFFFD800  }
0x5a: {  	[tilespmem:s3], [sflag:$0x1] =	stream.linear.gather [hbm4b:s23+s3], $0x50, $0x38;
	[tilespmem:$0x1C500] =	vst v63  }
0x5b: {  	_ = 	snop  }
0x5c: {  	[tilespmem:s17], [sflag:$0x2] =	stream.linear.gather [hbm4b:s22+s3], $0x2800, $0x38;
	[tilespmem:$0x1C500] =	vst v63  }
0x5d: {  	_ =	swait.ge [sflag:s18], $0x50  }
0x5e: {  	[sflag:s18] =	ssyncset.done $0x0  }
0x5f: {  	[sflag:s18] =	ssyncadd.s32 $0xFFFFFFB0  }
0x60: {  	_ =	swait.ge [sflag:s19], $0x2800  }
0x61: {  	[sflag:s19] =	ssyncset.done $0x0  }
0x62: {  	[sflag:s19] =	ssyncadd.s32 $0xFFFFD800  }
0x63: {  	[spmem:s2] =	stream.indirect.scatter.add.f32 [tilespmem:s17], [sflag:$0x3], $0x80, s3, s20, $0xb8;
	[tilespmem:$0x1C500] =	vst v63  }
0x64: {  	_ =	swait.ge [sflag:s16], $0x2800  }
0x65: {  	[sflag:s16] =	ssyncset.done $0x0  }
0x66: {  	s28 =	sshll.u32 s0, $0x6;
	[sflag:s16] =	ssyncadd.s32 $0xFFFFD800  }
0x67: {  	s29 =	sshrl.u32 s5, $0x3;
	s22 =	sor.u32 $0x1C03, s28;
	[bflag:$0x0] =	sbarrier.arrive $0xFFFF  }
0x68: {  	[hbm:s9], [sflag:s22] =	dma.local [spmem:s29], $0xC80  }
0x69: {  	_ =	swait.ge [sflag:s16], $0xC80  }
0x6a: {  	[sflag:s16] =	ssyncset.done $0x0  }
0x6b: {  	s30 =	sshrl.u32 s6, $0x3;
	[sflag:s16] =	ssyncadd.s32 $0xFFFFF380  }
0x6c: {  	[hbm:s10], [sflag:s22] =	dma.local [spmem:s30], $0xC80  }
0x6d: {  	_ =	swait.ge [sflag:s16], $0xC80  }
0x6e: {  	[sflag:s16] =	ssyncset.done $0x0  }
0x6f: {  	s31 =	sshrl.u32 s7, $0x3;
	[sflag:s16] =	ssyncadd.s32 $0xFFFFF380  }
0x70: {  	[hbm:s11], [sflag:s22] =	dma.local [spmem:s31], $0xC80  }
0x71: {  	_ =	swait.ge [sflag:s16], $0xC80  }
0x72: {  	s21 =	sadd.s32 $0x1, s21;
	[sflag:s16] =	ssyncset.done $0x0  }
0x73: {  	s23 =	sshrl.u32 @!p0 s8, $0x3;
	p1 =	sne.s32 s21, s4;
	[sflag:s16] =	ssyncadd.s32 $0xFFFFF380  }
0x74: {  	[hbm:s12], [sflag:s22] =	dma.local @!p0 [spmem:s23], $0xC80  }
.Ltmp2:
0x75: {  	_ = 	snop;
	(pc) =	sbr.rel @p1 .LBB2_1-.Ltmp2, $4  }
0x76: {  	s22 =	simm.s32 @!p0 $0x3  }
0x77: {  	_ =	swait.ge @!p0 [sflag:s22], $0xC80  }
0x78: {  	[sflag:s22] =	ssyncset.done @!p0 $0x0  }
0x79: {  	[sflag:s22] =	ssyncadd.s32 @!p0 $0xFFFFF380  }
0x7a: {  	_ =	sfence.sel $0x180000  }
0x7b: {  	[bflag:$0x0] =	sbarrier.arrive $0xFFFF  }
0x7c: {  	p0 =	sne.s32 s0, $0x0;
	_ =	strace $0x90000050  }
0x7d: {  	s0 =	sadd.s32 @!p0 $0x100000, s1;
	[bflag:$0x2] =	sbarrier.arrive $0xFFFF  }
0x7e: {  	[sflag:s0] =	ssyncadd.tile.s32 @!p0 $0x1;
	_ =	shalt  }
.Lfunc_end2:
_tile_overlayer_lowered:
.L_overlay_start_2:
0x7f: {  	(tag) =	ssettag $0x2  }
0x80: {  	s0 =	rddreg [dreg:$0x0];
	s2 =	stileid.u32  }
0x81: {  	s1 =	rddreg [dreg:$0x1];
	p0 =	sne.s32 s2, $0x0  }
0x82: {  	s3 =	rddreg [dreg:$0x2];
	[bflag:$0x3] =	sbarrier.arrive $0xFFFF;
	s2 =	simm.s32 @!p0 $0x1C03  }
0x83: {  	[timem:s3], [sflag:s2] =	dma.local @!p0 [hbm:s0], s1  }
0x84: {  	s0 =	simm.s32 @!p0 $0x3  }
0x85: {  	_ =	swait.ge @!p0 [sflag:s0], s1  }
0x86: {  	s1 =	ssub.s32 @!p0 $0x0, s1;
	[sflag:s0] =	ssyncset.done @!p0 $0x0  }
0x87: {  	[sflag:s0] =	ssyncadd.s32 @!p0 s1  }
0x88: {  	[bflag:$0x3] =	sbarrier.arrive $0xFFFF  }
0x89: {  	_ =	shalt  }

// kernel: kernel.34.cloned.1.call-start
scs
__scs_entry_jumppad:
0x0: {  	(pc) =	sbr.rel $0x88, $3  }
0x1: {  	(tag) =	ssettag $0x0;
	lr =	simm.s32 $0x1  }
0x2: {  	[smem:$0x3F7B] =	sst lr;
	_ =	strace $0xD0000000  }
0x3: {  	_ = 	snop  }
0x4: {  	_ = 	snop  }
0x5: {  	_ = 	snop  }
0x6: {  	_ = 	snop  }
0x7: {  	_ = 	snop  }
__scs_overlays_trampoline_lowered:
0x8: {  	[smem:$0x3F8A] =	sst s0  }
0x9: {  	[smem:$0x3F8B] =	sst s1  }
0xa: {  	[smem:$0x3F8C] =	sst s2  }
0xb: {  	[smem:$0x3F8D] =	sst s3  }
0xc: {  	[smem:$0x3F8E] =	sst s4  }
0xd: {  	[smem:$0x3F8F] =	sst s5  }
0xe: {  	[smem:$0x3F90] =	sst s6  }
0xf: {  	[smem:$0x3F91] =	sst s7  }
0x10: {  	[smem:$0x3F92] =	sst s8  }
0x11: {  	[smem:$0x3F93] =	sst s9;
	s0 =	simm.s32 @!p0 $0x0  }
0x12: {  	s1 =	sld [smem:$0x3F79];
	s0 =	simm.s32 @p0 $0x1  }
0x13: {  	[smem:$0x3F94] =	sst s0;
	s0 =	simm.s32 @!p1 $0x0  }
0x14: {  	s2 =	sld [smem:$0x3F78];
	s0 =	simm.s32 @p1 $0x1  }
0x15: {  	[smem:$0x3F95] =	sst s0;
	s0 =	simm.s32 @!p2 $0x0  }
0x16: {  	s3 =	sld [smem:$0x3FDB];
	s0 =	simm.s32 @p2 $0x1  }
0x17: {  	s4 =	simm.s32 $0x1BF5;
	[smem:$0x3F97] =	sst s0  }
0x18: {  	s0 =	sld [smem:$0x3F7A];
	_ =	swait.ge [sflag:s4], $0x0  }
0x19: {  	s7 =	sld [smem:$0x3F7B]  }
0x1a: {  	s8 =	sadd.s32 $0xFFFFE003, lr  }
0x1b: {  	s9 =	sadd.s32 $0xFFFFFEF7, lr;
	s5 =	simm.s32 $0xFFFFFFFF;
	p2 =	slt.u32 s8, $0xFFFFF086  }
0x1c: {  	p1 =	slt.u32 s9, $0xF7A;
	s5 =	simm.s32 @!p2 $0x0  }
0x1d: {  	s5 =	simm.s32 @p1 $0x1;
	p0 =	seq.s32 s7, s2  }
0x1e: {  	s7 =	smul.u32 @!p0 $0xF7A, s2;
	p2 =	seq.s32 @!p0 s5, $0x0  }
0x1f: {  	s9 =	smul.u32 $0xF7A, s1;
	s8 =	simm.s32 @!p0 $0x1BF5;
	p2 =	por !p2, p0  }
0x20: {  	[sflag:s8] =	ssyncset.s32 @!p0 $0xFFFFF086;
	s6 =	sadd.s32 @!p0 s3, s7;
	s7 =	simm.s32 @!p0 $0x108  }
0x21: {  	s3 =	sadd.s32 s3, s9;
	s6 =	sadd.s32 @!p0 $0x88, s6;
	s7 =	simm.s32 @p2 $0x1082  }
0x22: {  	[simem:s7], [sflag:s8] =	dma.local @!p0 [hbm:s6], $0xF7A  }
0x23: {  	s9 =	sor.u32 $0xD0000000, s2;
	s6 =	simm.s32 $0x108;
	_ =	swait.ge @!p0 [sflag:s8], $0x0  }
0x24: {  	s3 =	sadd.s32 $0x88, s3;
	s6 =	simm.s32 @!p1 $0x1082;
	[sflag:s4] =	ssyncset.s32 $0xFFFFF086  }
0x25: {  	[simem:s6], [sflag:s4] =	dma.local [hbm:s3], $0xF7A  }
0x26: {  	[smem:$0x3F7B] =	sst s1;
	(tag) =	ssettag s2;
	_ =	strace s9  }
0x27: {  	s1 =	sld [smem:$0x3F8B]  }
0x28: {  	s2 =	sld [smem:$0x3F8C]  }
0x29: {  	s4 =	sld [smem:$0x3F8E]  }
0x2a: {  	p0 =	seq.s32 s5, $0x0;
	s5 =	sld [smem:$0x3F8F]  }
0x2b: {  	s6 =	sld [smem:$0x3F90]  }
0x2c: {  	s7 =	sld [smem:$0x3F91]  }
0x2d: {  	s3 =	simm.s32 $0x108;
	s8 =	sld [smem:$0x3F92]  }
0x2e: {  	s3 =	simm.s32 @!p0 $0x1082;
	s9 =	sld [smem:$0x3F93]  }
0x2f: {  	lr =	sadd.s32 s0, s3;
	s0 =	sld [smem:$0x3F8A]  }
0x30: {  	s3 =	sld [smem:$0x3F8D]  }
0x31: {  	[smem:$0x3F96] =	sst s10  }
0x32: {  	s10 =	sld [smem:$0x3F94];
	_ =	sdelay $0x3  }
0x33: {  	p0 =	seq.s32 s10, $0x1;
	s10 =	sld [smem:$0x3F96];
	_ =	sdelay $0x3  }
0x34: {  	[smem:$0x3F96] =	sst s10  }
0x35: {  	s10 =	sld [smem:$0x3F95];
	_ =	sdelay $0x3  }
0x36: {  	p1 =	seq.s32 s10, $0x1;
	s10 =	sld [smem:$0x3F96];
	_ =	sdelay $0x3  }
0x37: {  	[smem:$0x3F96] =	sst s10  }
0x38: {  	s10 =	sld [smem:$0x3F97]  }
0x39: {  	_ = 	snop;
	(pc) =	sbr.ind lr, $3  }
0x3a: {  	_ = 	snop  }
0x3b: {  	_ = 	snop  }
0x3c: {  	p2 =	seq.s32 s10, $0x1;
	s10 =	sld [smem:$0x3F96]  }
0x3d: {  	_ =	shalt  }
0x3e: {  	_ =	shalt  }
0x3f: {  	_ =	shalt  }
0x40: {  	_ =	shalt  }
0x41: {  	_ =	shalt  }
0x42: {  	_ =	shalt  }
0x43: {  	_ =	shalt  }
0x44: {  	_ =	shalt  }
0x45: {  	_ =	shalt  }
0x46: {  	_ =	shalt  }
0x47: {  	_ =	shalt  }
0x48: {  	_ =	shalt  }
0x49: {  	_ =	shalt  }
0x4a: {  	_ =	shalt  }
0x4b: {  	_ =	shalt  }
0x4c: {  	_ =	shalt  }
0x4d: {  	_ =	shalt  }
0x4e: {  	_ =	shalt  }
0x4f: {  	_ =	shalt  }
0x50: {  	_ =	shalt  }
0x51: {  	_ =	shalt  }
0x52: {  	_ =	shalt  }
0x53: {  	_ =	shalt  }
0x54: {  	_ =	shalt  }
0x55: {  	_ =	shalt  }
0x56: {  	_ =	shalt  }
0x57: {  	_ =	shalt  }
0x58: {  	_ =	shalt  }
0x59: {  	_ =	shalt  }
0x5a: {  	_ =	shalt  }
0x5b: {  	_ =	shalt  }
0x5c: {  	_ =	shalt  }
0x5d: {  	_ =	shalt  }
0x5e: {  	_ =	shalt  }
0x5f: {  	_ =	shalt  }
0x60: {  	_ =	shalt  }
0x61: {  	_ =	shalt  }
0x62: {  	_ =	shalt  }
0x63: {  	_ =	shalt  }
0x64: {  	_ =	shalt  }
0x65: {  	_ =	shalt  }
0x66: {  	_ =	shalt  }
0x67: {  	_ =	shalt  }
0x68: {  	_ =	shalt  }
0x69: {  	_ =	shalt  }
0x6a: {  	_ =	shalt  }
0x6b: {  	_ =	shalt  }
0x6c: {  	_ =	shalt  }
0x6d: {  	_ =	shalt  }
0x6e: {  	_ =	shalt  }
0x6f: {  	_ =	shalt  }
0x70: {  	_ =	shalt  }
0x71: {  	_ =	shalt  }
0x72: {  	_ =	shalt  }
0x73: {  	_ =	shalt  }
0x74: {  	_ =	shalt  }
0x75: {  	_ =	shalt  }
0x76: {  	_ =	shalt  }
0x77: {  	_ =	shalt  }
0x78: {  	_ =	shalt  }
0x79: {  	_ =	shalt  }
0x7a: {  	_ =	shalt  }
0x7b: {  	_ =	shalt  }
0x7c: {  	_ =	shalt  }
0x7d: {  	_ =	shalt  }
0x7e: {  	_ =	shalt  }
0x7f: {  	_ =	shalt  }
0x80: {  	_ =	shalt  }
0x81: {  	_ =	shalt  }
0x82: {  	_ =	shalt  }
0x83: {  	_ =	shalt  }
0x84: {  	_ =	shalt  }
0x85: {  	_ =	shalt  }
0x86: {  	_ =	shalt  }
0x87: {  	_ =	shalt  }
.Lfunc_end0:
.L_simem_size_0:
called_computation.4_lowered:
.L_overlay_start_0:
0x88: {  	s2 =	sld [smem:$0x3FD9]  }
0x89: {  	s3 =	sld [smem:$0x3FFE];
	_ =	sdelay $0x1  }
0x8a: {  	s1 =	srdreg.scid  }
0x8b: {  	s0 =	sand.u32 $0x1, s1  }
0x8c: {  	s16 =	sshll.u32 s0, $0xA;
	s2 =	sadd.s32 s3, s2  }
0x8d: {  	s2 =	sadd.s32 s2, s16  }
0x8e: {  	[smem:$0x3FA2] =	sst s2  }
0x8f: {  	_ = 	snop  }
0x90: {  	(tm) =	ssettm $0x1  }
0x91: {  	s17 =	sld [smem:$0x3FFB];
	_ =	sdelay $0x3  }
0x92: {  	_ =	strace s17  }
0x93: {  	s2 =	sld [smem:$0x3FFC];
	_ =	sdelay $0x3  }
0x94: {  	_ =	strace s2  }
0x95: {  	s2 =	sld [smem:$0x3FFD];
	_ =	sdelay $0x3  }
0x96: {  	_ =	strace s2  }
0x97: {  	_ =	strace $0x8FFFFFFF  }
0x98: {  	s18 =	sld [smem:$0x3FDB];
	_ =	sdelay $0x1  }
0x99: {  	s19 =	simm.s32 $_scs_section_size  }
0x9a: {  	s4 =	simm.s32 $_size__tile_overlayer_lowered;
	s5 =	simm.s32 $_tile_overlayer_lowered  }
0x9b: {  	s22 =	simm.s32 $0x1BFF;
	s21 =	sshll.u32 s5, $0x1;
	s2 =	sadd.s32 s19, s18  }
0x9c: {  	s6 =	simm.s32 $0x0;
	s20 =	sshll.u32 s4, $0x1;
	s4 =	sadd.s32 s21, s2  }
0x9d: {  	[timem:s6], [sflag:s22] =	dma.local [hbm:s4], s20  }
0x9e: {  	_ =	swait.ge [sflag:s22], s20  }
0x9f: {  	s3 =	ssub.s32 $0x0, s20;
	[sflag:s22] =	ssyncset.done $0x0  }
0xa0: {  	[sflag:s22] =	ssyncadd.s32 s3;
	_ =	sdelay $0x1  }
0xa1: {  	s23 =	simm.s32 $0x1B8B  }
0xa2: {  	_ =	swait.ge [sflag:s23], $0x1  }
0xa3: {  	[sflag:s23] =	ssyncset.done $0x0  }
0xa4: {  	s25 =	simm.s32 $0x1B8E;
	s24 =	sld [smem:$0x3FFE];
	[sflag:s23] =	ssyncadd.s32 $0xFFFFFFFF  }
0xa5: {  	s26 =	simm.s32 $execute0_lowered;
	[smem:$0x3FD2] =	sst s25  }
0xa6: {  	s4 =	sshll.u32 s26, $0x1;
	_ =	strace $0x80000052;
	[dreg:$0x1] =	wrdreg $0xFFFFFFFF  }
0xa7: {  	s28 =	simm.s32 $_size_execute0_lowered;
	s2 =	sadd.s32 s2, s4;
	[dreg:$0x0] =	wrdreg $0x0  }
0xa8: {  	s4 =	sshll.u32 s28, $0x1;
	[dreg:$0x2] =	wrdreg s2  }
0xa9: {  	[dreg:$0x3] =	wrdreg s4  }
0xaa: {  	[dreg:$0x4] =	wrdreg $0xC0  }
0xab: {  	_ =	task [dreg:s6], $0x5FFFF  }
0xac: {  	[dreg:$0x1] =	wrdreg $0xFFFFFFFF  }
0xad: {  	[dreg:$0x0] =	wrdreg $0x60  }
0xae: {  	[dreg:$0x2] =	wrdreg s24  }
0xaf: {  	[dreg:$0x3] =	wrdreg $0x9  }
0xb0: {  	_ =	task.clear_ibuf [dreg:s6], $0x4FFFF;
	_ =	strace $0x90000052  }
0xb1: {  	s29 =	simm.s32 $0x9;
	_ =	strace $0x80000054  }
0xb2: {  	_ =	swait.ge [sflag:s29], $0x1  }
0xb3: {  	[sflag:s29] =	ssyncadd.s32 $0xFFFFFFFF  }
0xb4: {  	_ =	strace $0x90000054  }
0xb5: {  	_ =	sfence  }
0xb6: {  	s30 =	sld [smem:$0x0];
	_ =	sdelay $0x2  }
0xb7: {  	s31 =	sshll.u32 s1, $0xD;
	s1 =	sshrl.u32 s1, $0x2  }
0xb8: {  	s3 =	sand.u32 $0x4000, s31;
	s1 =	sadd.s32 s1, s30  }
0xb9: {  	s0 =	sor.u32 s3, s0;
	s1 =	sshll.u32 s1, $0x11  }
0xba: {  	s0 =	sor.u32 s1, s0  }
0xbb: {  	s0 =	sadd.s32 $0x8F2B, s0  }
0xbc: {  	[sflag:s0] =	ssyncadd.remote.s32 $0x1  }
0xbd: {  	_ =	sfence.sel $0xFFFF  }
0xbe: {  	[dreg:$0x0] =	wrdreg $0xFFFFFFFF;
	(pc) =	sbr.abs _section_cstart, $3  }
0xbf: {  	[dreg:$0x1] =	wrdreg $0xFFFFFFFF  }
0xc0: {  	_ =	task.clear_ibuf [dreg:s6], $0x2FFFF;
	_ =	strace $0x9FFFFFFF  }
0xc1: {  	(tm) =	ssettm $0x7FFFFFFF  }
tec
execute0_lowered:
.L_overlay_start_1:
0x0: {  	(tag) =	ssettag $0x1  }
0x1: {  	s5 =	rddreg [dreg:$0x0]  }
0x2: {  	s0 =	rddreg [dreg:$0x1];
	s2 =	simm.s32 $0x0;
	s1 =	srdreg.scid  }
0x3: {  	s12 =	simm.s32 $0x2;
	s13 =	simm.s32 $0x50;
	s14 =	simm.s32 $0x100  }
0x4: {  	s15 =	simm.s32 $0x2900;
	[smem:$0x7FF] =	sst s2;
	s6 =	sand.u32 $0x1, s1  }
0x5: {  	s16 =	simm.s32 $0x0;
	s1 =	stileid.u32;
	s7 =	smul.u32 $0x27100, s6  }
0x6: {  	s3 =	sadd.s32 $0x21400, s5;
	s4 =	sadd.s32 $0x48600, s5;
	s8 =	smul.u32 $0x2710, s1  }
0x7: {  	_ =	strace $0x80000053;
	s9 =	smul.u32 $0x271000, s6;
	s6 =	ssub.s32 $0x2, s6  }
0x8: {  	s29 =	smul.u32 $0x27100, s1;
	s10 =	sshrl.u32 s6, $0x1;
	s7 =	sadd.s32 s8, s7  }
0x9: {  	s9 =	sadd.s32 s9, s5;
	s30 =	ssub.s32 s6, s10;
	s7 =	sshrl.u32 s7, $0x3  }
0xa: {  	s10 =	simm.s32 $0x80;
	s31 =	sadd.s32 s29, s9;
	s11 =	sadd.s32 s7, s5  }
0xb: {  	s5 =	smax.u32 s30, $0x1;
	s6 =	sadd.s32 $0x96A00, s31;
	s7 =	sadd.s32 $0x578A00, s31  }
0xc: {  	s8 =	sadd.s32 $0xD800, s11;
	s9 =	sadd.s32 $0x17600, s11;
	s11 =	simm.s32 $0x1  }
.LBB2_1:
0xd: {  	s17 =	sadd.s32 $0x0, s9  }
0xe: {  	[tilespmem:s2], [sflag:$0x1] =	stream.linear.gather [hbm4b:s17+s2], $0x50, $0x38;
	[tilespmem:$0x5100] =	vst v63  }
0xf: {  	s31 =	sadd.s32 $0x0, s8  }
0x10: {  	[tilespmem:s10], [sflag:$0x2] =	stream.linear.gather [hbm4b:s31+s2], $0x50, $0x38;
	[tilespmem:$0x5100] =	vst v63  }
0x11: {  	_ =	swait.ge [sflag:s11], $0x50  }
0x12: {  	[sflag:s11] =	ssyncset.done $0x0  }
0x13: {  	[sflag:s11] =	ssyncadd.s32 $0xFFFFFFB0  }
0x14: {  	_ =	swait.ge [sflag:s12], $0x50  }
0x15: {  	[sflag:s12] =	ssyncset.done $0x0  }
0x16: {  	[sflag:s12] =	ssyncadd.s32 $0xFFFFFFB0  }
0x17: {  	[tilespmem:s14], [sflag:$0x1] =	stream.indirect.gather [hbm4b:s3+s13], $0x80, s2, s13, $0xb8;
	[tilespmem:$0x5100] =	vst v63  }
0x18: {  	_ = 	snop  }
0x19: {  	[tilespmem:s15], [sflag:$0x2] =	stream.indirect.gather [hbm4b:s4+s13], $0x80, s10, s13, $0xb8;
	[tilespmem:$0x5100] =	vst v63  }
0x1a: {  	_ =	swait.ge [sflag:s11], $0x2800  }
0x1b: {  	[sflag:s11] =	ssyncset.done $0x0  }
0x1c: {  	[sflag:s11] =	ssyncadd.s32 $0xFFFFD800  }
0x1d: {  	_ =	swait.ge [sflag:s12], $0x2800  }
0x1e: {  	[sflag:s12] =	ssyncset.done $0x0  }
0x1f: {  	[sflag:s12] =	ssyncadd.s32 $0xFFFFD800  }
0x20: {  	[hbm4b:s6+s2] =	stream.linear.scatter [tilespmem:s14], [sflag:$0x1], $0x2800, $0x38;
	[tilespmem:$0x5100] =	vst v63  }
0x21: {  	_ = 	snop  }
0x22: {  	[hbm4b:s7+s2] =	stream.linear.scatter [tilespmem:s15], [sflag:$0x2], $0x2800, $0x38;
	[tilespmem:$0x5100] =	vst v63  }
0x23: {  	_ =	swait.ge [sflag:s11], $0x2800  }
0x24: {  	[sflag:s11] =	ssyncset.done $0x0  }
0x25: {  	[sflag:s11] =	ssyncadd.s32 $0xFFFFD800  }
0x26: {  	s19 =	simm.s32 $0xA;
	s20 =	simm.s32 $0x14;
	_ =	swait.ge [sflag:s12], $0x2800  }
0x27: {  	s18 =	sadd.s32 $0x500, s7;
	s17 =	sadd.s32 $0x500, s6;
	[sflag:s12] =	ssyncset.done $0x0  }
.LBB2_2:
0x28: {  	s21 =	sadd.s32 s19, s9  }
0x29: {  	[sflag:s12] =	ssyncadd.s32 $0xFFFFD800;
	s22 =	smov.u32 s20;
	s23 =	sadd.s32 $0xA, s20  }
0x2a: {  	[tilespmem:s2], [sflag:$0x1] =	stream.linear.gather [hbm4b:s21+s2], $0x50, $0x38;
	[tilespmem:$0x5100] =	vst v63  }
0x2b: {  	p0 =	sne.s32 s20, $0x4D8;
	s20 =	sadd.s32 s19, s8;
	s19 =	smov.u32 s22  }
0x2c: {  	[tilespmem:s10], [sflag:$0x2] =	stream.linear.gather [hbm4b:s20+s2], $0x50, $0x38;
	[tilespmem:$0x5100] =	vst v63  }
0x2d: {  	_ =	swait.ge [sflag:s11], $0x50  }
0x2e: {  	[sflag:s11] =	ssyncset.done $0x0  }
0x2f: {  	[sflag:s11] =	ssyncadd.s32 $0xFFFFFFB0  }
0x30: {  	_ =	swait.ge [sflag:s12], $0x50  }
0x31: {  	[sflag:s12] =	ssyncset.done $0x0  }
0x32: {  	[sflag:s12] =	ssyncadd.s32 $0xFFFFFFB0  }
0x33: {  	[tilespmem:s14], [sflag:$0x1] =	stream.indirect.gather [hbm4b:s3+s13], $0x80, s2, s13, $0xb8;
	[tilespmem:$0x5100] =	vst v63  }
0x34: {  	_ = 	snop  }
0x35: {  	[tilespmem:s15], [sflag:$0x2] =	stream.indirect.gather [hbm4b:s4+s13], $0x80, s10, s13, $0xb8;
	[tilespmem:$0x5100] =	vst v63  }
0x36: {  	_ =	swait.ge [sflag:s11], $0x2800  }
0x37: {  	[sflag:s11] =	ssyncset.done $0x0  }
0x38: {  	[sflag:s11] =	ssyncadd.s32 $0xFFFFD800  }
0x39: {  	_ =	swait.ge [sflag:s12], $0x2800  }
0x3a: {  	[sflag:s12] =	ssyncset.done $0x0  }
0x3b: {  	[sflag:s12] =	ssyncadd.s32 $0xFFFFD800  }
0x3c: {  	[hbm4b:s17+s2] =	stream.linear.scatter [tilespmem:s14], [sflag:$0x1], $0x2800, $0x38;
	[tilespmem:$0x5100] =	vst v63  }
0x3d: {  	_ = 	snop  }
0x3e: {  	[hbm4b:s18+s2] =	stream.linear.scatter [tilespmem:s15], [sflag:$0x2], $0x2800, $0x38;
	[tilespmem:$0x5100] =	vst v63  }
.Ltmp0:
0x3f: {  	_ =	swait.ge [sflag:s11], $0x2800;
	(pc) =	sbr.rel @p0 .LBB2_2-.Ltmp0, $4  }
0x40: {  	[sflag:s11] =	ssyncset.done $0x0  }
0x41: {  	[sflag:s11] =	ssyncadd.s32 $0xFFFFD800  }
0x42: {  	s20 =	smov.u32 s23;
	_ =	swait.ge [sflag:s12], $0x2800  }
0x43: {  	s17 =	sadd.s32 $0x500, s17;
	s18 =	sadd.s32 $0x500, s18;
	[sflag:s12] =	ssyncset.done $0x0  }
0x44: {  	s20 =	sadd.s32 s19, s9;
	[sflag:s12] =	ssyncadd.s32 $0xFFFFD800  }
0x45: {  	[tilespmem:s2], [sflag:$0x1] =	stream.linear.gather [hbm4b:s20+s2], $0x50, $0x38;
	[tilespmem:$0x5100] =	vst v63  }
0x46: {  	s31 =	sadd.s32 s19, s8  }
0x47: {  	[tilespmem:s10], [sflag:$0x2] =	stream.linear.gather [hbm4b:s31+s2], $0x50, $0x38;
	[tilespmem:$0x5100] =	vst v63  }
0x48: {  	_ =	swait.ge [sflag:s11], $0x50  }
0x49: {  	[sflag:s11] =	ssyncset.done $0x0  }
0x4a: {  	[sflag:s11] =	ssyncadd.s32 $0xFFFFFFB0  }
0x4b: {  	_ =	swait.ge [sflag:s12], $0x50  }
0x4c: {  	[sflag:s12] =	ssyncset.done $0x0  }
0x4d: {  	[sflag:s12] =	ssyncadd.s32 $0xFFFFFFB0  }
0x4e: {  	[tilespmem:s14], [sflag:$0x1] =	stream.indirect.gather [hbm4b:s3+s13], $0x80, s2, s13, $0xb8;
	[tilespmem:$0x5100] =	vst v63  }
0x4f: {  	_ = 	snop  }
0x50: {  	[tilespmem:s15], [sflag:$0x2] =	stream.indirect.gather [hbm4b:s4+s13], $0x80, s10, s13, $0xb8;
	[tilespmem:$0x5100] =	vst v63  }
0x51: {  	_ =	swait.ge [sflag:s11], $0x2800  }
0x52: {  	[sflag:s11] =	ssyncset.done $0x0  }
0x53: {  	[sflag:s11] =	ssyncadd.s32 $0xFFFFD800  }
0x54: {  	_ =	swait.ge [sflag:s12], $0x2800  }
0x55: {  	[sflag:s12] =	ssyncset.done $0x0  }
0x56: {  	[sflag:s12] =	ssyncadd.s32 $0xFFFFD800  }
0x57: {  	[hbm4b:s17+s2] =	stream.linear.scatter [tilespmem:s14], [sflag:$0x1], $0x2800, $0x38;
	[tilespmem:$0x5100] =	vst v63  }
0x58: {  	s16 =	sadd.s32 $0x1, s16  }
0x59: {  	[hbm4b:s18+s2] =	stream.linear.scatter [tilespmem:s15], [sflag:$0x2], $0x2800, $0x38;
	[tilespmem:$0x5100] =	vst v63  }
0x5a: {  	p0 =	sne.s32 s16, s5;
	_ =	swait.ge [sflag:s11], $0x2800  }
.Ltmp1:
0x5b: {  	[sflag:s11] =	ssyncset.done $0x0;
	(pc) =	sbr.rel @p0 .LBB2_1-.Ltmp1, $4  }
0x5c: {  	[sflag:s11] =	ssyncadd.s32 $0xFFFFD800  }
0x5d: {  	_ =	swait.ge [sflag:s12], $0x2800  }
0x5e: {  	[sflag:s12] =	ssyncset.done $0x0  }
0x5f: {  	[sflag:s12] =	ssyncadd.s32 $0xFFFFD800  }
0x60: {  	_ =	sfence.sel $0x180000  }
0x61: {  	[bflag:$0x0] =	sbarrier.arrive $0xFFFF  }
0x62: {  	p0 =	sne.s32 s1, $0x0;
	_ =	strace $0x90000053  }
0x63: {  	s0 =	sadd.s32 @!p0 $0x100000, s0;
	[bflag:$0x2] =	sbarrier.arrive $0xFFFF  }
0x64: {  	[sflag:s0] =	ssyncadd.tile.s32 @!p0 $0x1;
	_ =	shalt  }
.Lfunc_end2:
_tile_overlayer_lowered:
.L_overlay_start_2:
0x65: {  	(tag) =	ssettag $0x2  }
0x66: {  	s0 =	rddreg [dreg:$0x0];
	s2 =	stileid.u32  }
0x67: {  	s1 =	rddreg [dreg:$0x1];
	p0 =	sne.s32 s2, $0x0  }
0x68: {  	s3 =	rddreg [dreg:$0x2];
	[bflag:$0x3] =	sbarrier.arrive $0xFFFF;
	s2 =	simm.s32 @!p0 $0x1C03  }
0x69: {  	[timem:s3], [sflag:s2] =	dma.local @!p0 [hbm:s0], s1  }
0x6a: {  	s0 =	simm.s32 @!p0 $0x3  }
0x6b: {  	_ =	swait.ge @!p0 [sflag:s0], s1  }
0x6c: {  	s1 =	ssub.s32 @!p0 $0x0, s1;
	[sflag:s0] =	ssyncset.done @!p0 $0x0  }
0x6d: {  	[sflag:s0] =	ssyncadd.s32 @!p0 s1  }
0x6e: {  	[bflag:$0x3] =	sbarrier.arrive $0xFFFF  }
0x6f: {  	_ =	shalt  }

// kernel: kernel.37.cloned.1.call-start
scs
__scs_entry_jumppad:
0x0: {  	(pc) =	sbr.rel $0x88, $3  }
0x1: {  	(tag) =	ssettag $0x0;
	lr =	simm.s32 $0x1  }
0x2: {  	[smem:$0x3F7B] =	sst lr;
	_ =	strace $0xD0000000  }
0x3: {  	_ = 	snop  }
0x4: {  	_ = 	snop  }
0x5: {  	_ = 	snop  }
0x6: {  	_ = 	snop  }
0x7: {  	_ = 	snop  }
__scs_overlays_trampoline_lowered:
0x8: {  	[smem:$0x3F8A] =	sst s0  }
0x9: {  	[smem:$0x3F8B] =	sst s1  }
0xa: {  	[smem:$0x3F8C] =	sst s2  }
0xb: {  	[smem:$0x3F8D] =	sst s3  }
0xc: {  	[smem:$0x3F8E] =	sst s4  }
0xd: {  	[smem:$0x3F8F] =	sst s5  }
0xe: {  	[smem:$0x3F90] =	sst s6  }
0xf: {  	[smem:$0x3F91] =	sst s7  }
0x10: {  	[smem:$0x3F92] =	sst s8  }
0x11: {  	[smem:$0x3F93] =	sst s9;
	s0 =	simm.s32 @!p0 $0x0  }
0x12: {  	s1 =	sld [smem:$0x3F79];
	s0 =	simm.s32 @p0 $0x1  }
0x13: {  	[smem:$0x3F94] =	sst s0;
	s0 =	simm.s32 @!p1 $0x0  }
0x14: {  	s2 =	sld [smem:$0x3F78];
	s0 =	simm.s32 @p1 $0x1  }
0x15: {  	[smem:$0x3F95] =	sst s0;
	s0 =	simm.s32 @!p2 $0x0  }
0x16: {  	s3 =	sld [smem:$0x3FDB];
	s0 =	simm.s32 @p2 $0x1  }
0x17: {  	s4 =	simm.s32 $0x1BF5;
	[smem:$0x3F97] =	sst s0  }
0x18: {  	s0 =	sld [smem:$0x3F7A];
	_ =	swait.ge [sflag:s4], $0x0  }
0x19: {  	s7 =	sld [smem:$0x3F7B]  }
0x1a: {  	s8 =	sadd.s32 $0xFFFFE003, lr  }
0x1b: {  	s9 =	sadd.s32 $0xFFFFFEF7, lr;
	s5 =	simm.s32 $0xFFFFFFFF;
	p2 =	slt.u32 s8, $0xFFFFF086  }
0x1c: {  	p1 =	slt.u32 s9, $0xF7A;
	s5 =	simm.s32 @!p2 $0x0  }
0x1d: {  	s5 =	simm.s32 @p1 $0x1;
	p0 =	seq.s32 s7, s2  }
0x1e: {  	s7 =	smul.u32 @!p0 $0xF7A, s2;
	p2 =	seq.s32 @!p0 s5, $0x0  }
0x1f: {  	s9 =	smul.u32 $0xF7A, s1;
	s8 =	simm.s32 @!p0 $0x1BF5;
	p2 =	por !p2, p0  }
0x20: {  	[sflag:s8] =	ssyncset.s32 @!p0 $0xFFFFF086;
	s6 =	sadd.s32 @!p0 s3, s7;
	s7 =	simm.s32 @!p0 $0x108  }
0x21: {  	s3 =	sadd.s32 s3, s9;
	s6 =	sadd.s32 @!p0 $0x88, s6;
	s7 =	simm.s32 @p2 $0x1082  }
0x22: {  	[simem:s7], [sflag:s8] =	dma.local @!p0 [hbm:s6], $0xF7A  }
0x23: {  	s9 =	sor.u32 $0xD0000000, s2;
	s6 =	simm.s32 $0x108;
	_ =	swait.ge @!p0 [sflag:s8], $0x0  }
0x24: {  	s3 =	sadd.s32 $0x88, s3;
	s6 =	simm.s32 @!p1 $0x1082;
	[sflag:s4] =	ssyncset.s32 $0xFFFFF086  }
0x25: {  	[simem:s6], [sflag:s4] =	dma.local [hbm:s3], $0xF7A  }
0x26: {  	[smem:$0x3F7B] =	sst s1;
	(tag) =	ssettag s2;
	_ =	strace s9  }
0x27: {  	s1 =	sld [smem:$0x3F8B]  }
0x28: {  	s2 =	sld [smem:$0x3F8C]  }
0x29: {  	s4 =	sld [smem:$0x3F8E]  }
0x2a: {  	p0 =	seq.s32 s5, $0x0;
	s5 =	sld [smem:$0x3F8F]  }
0x2b: {  	s6 =	sld [smem:$0x3F90]  }
0x2c: {  	s7 =	sld [smem:$0x3F91]  }
0x2d: {  	s3 =	simm.s32 $0x108;
	s8 =	sld [smem:$0x3F92]  }
0x2e: {  	s3 =	simm.s32 @!p0 $0x1082;
	s9 =	sld [smem:$0x3F93]  }
0x2f: {  	lr =	sadd.s32 s0, s3;
	s0 =	sld [smem:$0x3F8A]  }
0x30: {  	s3 =	sld [smem:$0x3F8D]  }
0x31: {  	[smem:$0x3F96] =	sst s10  }
0x32: {  	s10 =	sld [smem:$0x3F94];
	_ =	sdelay $0x3  }
0x33: {  	p0 =	seq.s32 s10, $0x1;
	s10 =	sld [smem:$0x3F96];
	_ =	sdelay $0x3  }
0x34: {  	[smem:$0x3F96] =	sst s10  }
0x35: {  	s10 =	sld [smem:$0x3F95];
	_ =	sdelay $0x3  }
0x36: {  	p1 =	seq.s32 s10, $0x1;
	s10 =	sld [smem:$0x3F96];
	_ =	sdelay $0x3  }
0x37: {  	[smem:$0x3F96] =	sst s10  }
0x38: {  	s10 =	sld [smem:$0x3F97]  }
0x39: {  	_ = 	snop;
	(pc) =	sbr.ind lr, $3  }
0x3a: {  	_ = 	snop  }
0x3b: {  	_ = 	snop  }
0x3c: {  	p2 =	seq.s32 s10, $0x1;
	s10 =	sld [smem:$0x3F96]  }
0x3d: {  	_ =	shalt  }
0x3e: {  	_ =	shalt  }
0x3f: {  	_ =	shalt  }
0x40: {  	_ =	shalt  }
0x41: {  	_ =	shalt  }
0x42: {  	_ =	shalt  }
0x43: {  	_ =	shalt  }
0x44: {  	_ =	shalt  }
0x45: {  	_ =	shalt  }
0x46: {  	_ =	shalt  }
0x47: {  	_ =	shalt  }
0x48: {  	_ =	shalt  }
0x49: {  	_ =	shalt  }
0x4a: {  	_ =	shalt  }
0x4b: {  	_ =	shalt  }
0x4c: {  	_ =	shalt  }
0x4d: {  	_ =	shalt  }
0x4e: {  	_ =	shalt  }
0x4f: {  	_ =	shalt  }
0x50: {  	_ =	shalt  }
0x51: {  	_ =	shalt  }
0x52: {  	_ =	shalt  }
0x53: {  	_ =	shalt  }
0x54: {  	_ =	shalt  }
0x55: {  	_ =	shalt  }
0x56: {  	_ =	shalt  }
0x57: {  	_ =	shalt  }
0x58: {  	_ =	shalt  }
0x59: {  	_ =	shalt  }
0x5a: {  	_ =	shalt  }
0x5b: {  	_ =	shalt  }
0x5c: {  	_ =	shalt  }
0x5d: {  	_ =	shalt  }
0x5e: {  	_ =	shalt  }
0x5f: {  	_ =	shalt  }
0x60: {  	_ =	shalt  }
0x61: {  	_ =	shalt  }
0x62: {  	_ =	shalt  }
0x63: {  	_ =	shalt  }
0x64: {  	_ =	shalt  }
0x65: {  	_ =	shalt  }
0x66: {  	_ =	shalt  }
0x67: {  	_ =	shalt  }
0x68: {  	_ =	shalt  }
0x69: {  	_ =	shalt  }
0x6a: {  	_ =	shalt  }
0x6b: {  	_ =	shalt  }
0x6c: {  	_ =	shalt  }
0x6d: {  	_ =	shalt  }
0x6e: {  	_ =	shalt  }
0x6f: {  	_ =	shalt  }
0x70: {  	_ =	shalt  }
0x71: {  	_ =	shalt  }
0x72: {  	_ =	shalt  }
0x73: {  	_ =	shalt  }
0x74: {  	_ =	shalt  }
0x75: {  	_ =	shalt  }
0x76: {  	_ =	shalt  }
0x77: {  	_ =	shalt  }
0x78: {  	_ =	shalt  }
0x79: {  	_ =	shalt  }
0x7a: {  	_ =	shalt  }
0x7b: {  	_ =	shalt  }
0x7c: {  	_ =	shalt  }
0x7d: {  	_ =	shalt  }
0x7e: {  	_ =	shalt  }
0x7f: {  	_ =	shalt  }
0x80: {  	_ =	shalt  }
0x81: {  	_ =	shalt  }
0x82: {  	_ =	shalt  }
0x83: {  	_ =	shalt  }
0x84: {  	_ =	shalt  }
0x85: {  	_ =	shalt  }
0x86: {  	_ =	shalt  }
0x87: {  	_ =	shalt  }
.Lfunc_end0:
.L_simem_size_0:
called_computation.5_lowered:
.L_overlay_start_0:
0x88: {  	s2 =	sld [smem:$0x3FD9]  }
0x89: {  	s3 =	sld [smem:$0x3FFE];
	_ =	sdelay $0x1  }
0x8a: {  	s1 =	srdreg.scid  }
0x8b: {  	s0 =	sand.u32 $0x1, s1  }
0x8c: {  	s16 =	sshll.u32 s0, $0xA;
	s2 =	sadd.s32 s3, s2  }
0x8d: {  	s2 =	sadd.s32 s2, s16  }
0x8e: {  	[smem:$0x3FA2] =	sst s2  }
0x8f: {  	_ = 	snop  }
0x90: {  	(tm) =	ssettm $0x1  }
0x91: {  	s17 =	sld [smem:$0x3FFB];
	_ =	sdelay $0x3  }
0x92: {  	_ =	strace s17  }
0x93: {  	s2 =	sld [smem:$0x3FFC];
	_ =	sdelay $0x3  }
0x94: {  	_ =	strace s2  }
0x95: {  	s2 =	sld [smem:$0x3FFD];
	_ =	sdelay $0x3  }
0x96: {  	_ =	strace s2  }
0x97: {  	_ =	strace $0x8FFFFFFF  }
0x98: {  	s18 =	sld [smem:$0x3FDB];
	_ =	sdelay $0x1  }
0x99: {  	s19 =	simm.s32 $_scs_section_size  }
0x9a: {  	s4 =	simm.s32 $_size__tile_overlayer_lowered;
	s5 =	simm.s32 $_tile_overlayer_lowered  }
0x9b: {  	s22 =	simm.s32 $0x1BFF;
	s21 =	sshll.u32 s5, $0x1;
	s2 =	sadd.s32 s19, s18  }
0x9c: {  	s6 =	simm.s32 $0x0;
	s20 =	sshll.u32 s4, $0x1;
	s4 =	sadd.s32 s21, s2  }
0x9d: {  	[timem:s6], [sflag:s22] =	dma.local [hbm:s4], s20  }
0x9e: {  	_ =	swait.ge [sflag:s22], s20  }
0x9f: {  	s3 =	ssub.s32 $0x0, s20;
	[sflag:s22] =	ssyncset.done $0x0  }
0xa0: {  	[sflag:s22] =	ssyncadd.s32 s3;
	_ =	sdelay $0x1  }
0xa1: {  	s23 =	simm.s32 $0x1B8B  }
0xa2: {  	_ =	swait.ge [sflag:s23], $0x1  }
0xa3: {  	[sflag:s23] =	ssyncset.done $0x0  }
0xa4: {  	s25 =	simm.s32 $0x1B8E;
	s24 =	sld [smem:$0x3FFE];
	[sflag:s23] =	ssyncadd.s32 $0xFFFFFFFF  }
0xa5: {  	s26 =	simm.s32 $execute0_lowered;
	[smem:$0x3FD2] =	sst s25  }
0xa6: {  	s4 =	sshll.u32 s26, $0x1;
	_ =	strace $0x80000055;
	[dreg:$0x1] =	wrdreg $0xFFFFFFFF  }
0xa7: {  	s28 =	simm.s32 $_size_execute0_lowered;
	s2 =	sadd.s32 s2, s4;
	[dreg:$0x0] =	wrdreg $0x0  }
0xa8: {  	s4 =	sshll.u32 s28, $0x1;
	[dreg:$0x2] =	wrdreg s2  }
0xa9: {  	[dreg:$0x3] =	wrdreg s4  }
0xaa: {  	[dreg:$0x4] =	wrdreg $0xC0  }
0xab: {  	_ =	task [dreg:s6], $0x5FFFF  }
0xac: {  	[dreg:$0x1] =	wrdreg $0xFFFFFFFF  }
0xad: {  	[dreg:$0x0] =	wrdreg $0x60  }
0xae: {  	[dreg:$0x2] =	wrdreg s24  }
0xaf: {  	[dreg:$0x3] =	wrdreg $0x8C800  }
0xb0: {  	[dreg:$0x4] =	wrdreg $0x9  }
0xb1: {  	_ =	task.clear_ibuf [dreg:s6], $0x5FFFF;
	_ =	strace $0x90000055  }
0xb2: {  	s29 =	simm.s32 $0x9;
	_ =	strace $0x80000057  }
0xb3: {  	_ =	swait.ge [sflag:s29], $0x1  }
0xb4: {  	[sflag:s29] =	ssyncadd.s32 $0xFFFFFFFF  }
0xb5: {  	_ =	strace $0x90000057  }
0xb6: {  	_ =	sfence  }
0xb7: {  	s30 =	sld [smem:$0x0];
	_ =	sdelay $0x2  }
0xb8: {  	s31 =	sshll.u32 s1, $0xD;
	s1 =	sshrl.u32 s1, $0x2  }
0xb9: {  	s3 =	sand.u32 $0x4000, s31;
	s1 =	sadd.s32 s1, s30  }
0xba: {  	s0 =	sor.u32 s3, s0;
	s1 =	sshll.u32 s1, $0x11  }
0xbb: {  	s0 =	sor.u32 s1, s0  }
0xbc: {  	s0 =	sadd.s32 $0x8F2B, s0  }
0xbd: {  	[sflag:s0] =	ssyncadd.remote.s32 $0x1  }
0xbe: {  	_ =	sfence.sel $0xFFFF  }
0xbf: {  	[dreg:$0x0] =	wrdreg $0xFFFFFFFF;
	(pc) =	sbr.abs _section_cstart, $3  }
0xc0: {  	[dreg:$0x1] =	wrdreg $0xFFFFFFFF  }
0xc1: {  	_ =	task.clear_ibuf [dreg:s6], $0x2FFFF;
	_ =	strace $0x9FFFFFFF  }
0xc2: {  	(tm) =	ssettm $0x7FFFFFFF  }
0xc3: {  	_ =	shalt  }
tec
execute0_lowered:
.L_overlay_start_1:
0x0: {  	(tag) =	ssettag $0x1  }
0x1: {  	s0 =	srdreg.scid  }
0x2: {  	s5 =	sand.u32 $0x1, s0  }
0x3: {  	s0 =	stileid.u32;
	s6 =	smul.u32 $0x27100, s5  }
0x4: {  	s7 =	smul.u32 $0x2710, s0  }
0x5: {  	s8 =	smul.u32 $0x271000, s5  }
0x6: {  	s13 =	smul.u32 $0x138800, s5  }
0x7: {  	s21 =	smul.u32 $0x19000, s0  }
0x8: {  	s16 =	smul.u32 $0x6400, s0  }
0x9: {  	s22 =	sor.u32 $0x10, s0;
	s18 =	smul.u32 $0x27100, s0  }
0xa: {  	s4 =	rddreg [dreg:$0x0];
	s9 =	sor.u32 $0x20, s0;
	s23 =	smul.u32 $0x19000, s22  }
0xb: {  	s2 =	rddreg [dreg:$0x1];
	s15 =	sor.u32 $0x30, s0;
	s24 =	smul.u32 $0x19000, s9  }
0xc: {  	s1 =	rddreg [dreg:$0x2];
	s3 =	simm.s32 $0x0;
	s10 =	smul.u32 $0x19000, s15  }
0xd: {  	[smem:$0x7FF] =	sst s3;
	s12 =	sadd.s32 $0x21400, s4;
	s17 =	smul.u32 $0x6400, s22  }
0xe: {  	_ =	strace $0x80000056;
	s19 =	ssub.s32 $0x2, s5;
	s26 =	smul.u32 $0x6400, s9  }
0xf: {  	s20 =	sshrl.u32 s19, $0x1;
	s30 =	smul.u32 $0x6400, s15;
	p0 =	sgt.u32 s15, $0x31  }
0x10: {  	s15 =	simm.s32 $0x2880;
	s6 =	sadd.s32 s7, s6;
	s11 =	sadd.s32 s8, s4  }
0x11: {  	s5 =	sshrl.u32 s21, $0x2;
	s25 =	sadd.s32 s13, s16;
	s21 =	simm.s32 $0x0  }
0x12: {  	s6 =	sshrl.u32 s6, $0x3;
	s5 =	sadd.s32 s5, s2;
	s7 =	sshrl.u32 s24, $0x2  }
0x13: {  	s10 =	sshrl.u32 s10, $0x2;
	s28 =	sshrl.u32 s25, $0x3;
	s29 =	sadd.s32 s13, s17  }
0x14: {  	s16 =	sadd.s32 s13, s26;
	s13 =	sadd.s32 s13, s30;
	s31 =	sadd.s32 s18, s11  }
0x15: {  	s17 =	simm.s32 $0x80;
	s18 =	simm.s32 $0x1;
	s14 =	sadd.s32 s6, s4  }
0x16: {  	s4 =	ssub.s32 s19, s20;
	s6 =	sshrl.u32 s23, $0x2;
	s7 =	sadd.s32 s7, s2  }
0x17: {  	s8 =	sadd.s32 s10, s2;
	s9 =	sadd.s32 s12, s28;
	s10 =	sshrl.u32 s29, $0x3  }
0x18: {  	s16 =	sshrl.u32 s16, $0x3;
	s13 =	sshrl.u32 s13, $0x3;
	s19 =	simm.s32 $0x2  }
0x19: {  	s20 =	simm.s32 $0x50;
	s4 =	smax.u32 s4, $0x1;
	s6 =	sadd.s32 s6, s2  }
0x1a: {  	s10 =	sadd.s32 s12, s10;
	s11 =	sadd.s32 s12, s16;
	s12 =	sadd.s32 s12, s13  }
0x1b: {  	v0 =	vimm.f32 $0.0e+00;
	s13 =	sadd.s32 $0xA5AA00, s31;
	s14 =	sadd.s32 $0x17600, s14;
	s16 =	simm.s32 $0x3  }
.LBB2_1:
0x1c: {  	s22 =	simm.s32 $0x0;
	s23 =	simm.s32 $0x200  }
.LBB2_2:
0x1d: {  	p1 =	sne.s32 s23, $0x18E00;
	[tilespmem:s22+$0x28F0] =	vst v0  }
0x1e: {  	[tilespmem:s22+$0x2880] =	vst v0  }
0x1f: {  	[tilespmem:s22+$0x2890] =	vst v0  }
.Ltmp0:
0x20: {  	[tilespmem:s22+$0x28A0] =	vst v0;
	(pc) =	sbr.rel @p1 .LBB2_2-.Ltmp0, $4  }
0x21: {  	[tilespmem:s22+$0x28B0] =	vst v0  }
0x22: {  	[tilespmem:s22+$0x28C0] =	vst v0  }
0x23: {  	[tilespmem:s22+$0x28D0] =	vst v0  }
0x24: {  	[tilespmem:s22+$0x28E0] =	vst v0;
	s22 =	sshra.s32 s23, $0x2;
	s23 =	sadd.s32 $0x200, s23  }
0x25: {  	[tilespmem:s22+$0x28F0] =	vst v0  }
0x26: {  	[tilespmem:s22+$0x2880] =	vst v0  }
0x27: {  	[tilespmem:s22+$0x2890] =	vst v0  }
0x28: {  	[tilespmem:s22+$0x28A0] =	vst v0  }
0x29: {  	[tilespmem:s22+$0x28B0] =	vst v0  }
0x2a: {  	[tilespmem:s22+$0x28C0] =	vst v0  }
0x2b: {  	[tilespmem:s22+$0x28D0] =	vst v0  }
0x2c: {  	[tilespmem:s22+$0x28E0] =	vst v0  }
0x2d: {  	[spmem:s5] =	stream.linear.scatter [tilespmem:s15], [sflag:$0x3], $0x6400, $0x38;
	[tilespmem:$0x1C500] =	vst v63  }
0x2e: {  	_ =	swait.ge [sflag:s16], $0x6400  }
0x2f: {  	[sflag:s16] =	ssyncset.done $0x0  }
0x30: {  	[sflag:s16] =	ssyncadd.s32 $0xFFFF9C00  }
0x31: {  	[spmem:s6] =	stream.linear.scatter [tilespmem:s15], [sflag:$0x3], $0x6400, $0x38;
	[tilespmem:$0x1C500] =	vst v63  }
0x32: {  	_ =	swait.ge [sflag:s16], $0x6400  }
0x33: {  	[sflag:s16] =	ssyncset.done $0x0  }
0x34: {  	[sflag:s16] =	ssyncadd.s32 $0xFFFF9C00  }
0x35: {  	[spmem:s7] =	stream.linear.scatter [tilespmem:s15], [sflag:$0x3], $0x6400, $0x38;
	[tilespmem:$0x1C500] =	vst v63  }
0x36: {  	_ =	swait.ge [sflag:s16], $0x6400  }
0x37: {  	[sflag:s16] =	ssyncset.done $0x0  }
0x38: {  	s22 =	simm.s32 @!p0 $0x2880;
	[sflag:s16] =	ssyncadd.s32 $0xFFFF9C00  }
0x39: {  	[spmem:s8] =	stream.linear.scatter @!p0 [tilespmem:s22], [sflag:$0x3], $0x6400, $0x38;
	[tilespmem:$0x1C500] =	vst v63  }
0x3a: {  	s22 =	simm.s32 @!p0 $0x3  }
0x3b: {  	_ =	swait.ge @!p0 [sflag:s22], $0x6400  }
0x3c: {  	[sflag:s22] =	ssyncset.done @!p0 $0x0  }
0x3d: {  	[sflag:s22] =	ssyncadd.s32 @!p0 $0xFFFF9C00  }
0x3e: {  	s31 =	sadd.s32 $0x0, s14;
	[bflag:$0x0] =	sbarrier.arrive $0xFFFF  }
0x3f: {  	[tilespmem:s3], [sflag:$0x1] =	stream.linear.gather [hbm4b:s31+s3], $0x50, $0x38;
	[tilespmem:$0x1C500] =	vst v63  }
0x40: {  	_ = 	snop  }
0x41: {  	[tilespmem:s17], [sflag:$0x2] =	stream.linear.gather [hbm4b:s13+s3], $0x2800, $0x38;
	[tilespmem:$0x1C500] =	vst v63  }
0x42: {  	_ =	swait.ge [sflag:s18], $0x50  }
0x43: {  	[sflag:s18] =	ssyncset.done $0x0  }
0x44: {  	[sflag:s18] =	ssyncadd.s32 $0xFFFFFFB0  }
0x45: {  	_ =	swait.ge [sflag:s19], $0x2800  }
0x46: {  	[sflag:s19] =	ssyncset.done $0x0  }
0x47: {  	[sflag:s19] =	ssyncadd.s32 $0xFFFFD800  }
0x48: {  	[spmem:s2] =	stream.indirect.scatter.add.f32 [tilespmem:s17], [sflag:$0x3], $0x80, s3, s20, $0xb8;
	[tilespmem:$0x1C500] =	vst v63  }
0x49: {  	s23 =	simm.s32 $0xA;
	_ =	swait.ge [sflag:s16], $0x2800  }
0x4a: {  	s24 =	simm.s32 $0x14;
	s22 =	sadd.s32 $0x500, s13;
	[sflag:s16] =	ssyncset.done $0x0  }
.LBB2_4:
0x4b: {  	s25 =	sadd.s32 s23, s14  }
0x4c: {  	[sflag:s16] =	ssyncadd.s32 $0xFFFFD800;
	s23 =	smov.u32 s24;
	s26 =	sadd.s32 $0xA, s24  }
0x4d: {  	[tilespmem:s3], [sflag:$0x1] =	stream.linear.gather [hbm4b:s25+s3], $0x50, $0x38;
	[tilespmem:$0x1C500] =	vst v63  }
0x4e: {  	p1 =	sne.s32 s24, $0x4D8  }
0x4f: {  	[tilespmem:s17], [sflag:$0x2] =	stream.linear.gather [hbm4b:s22+s3], $0x2800, $0x38;
	[tilespmem:$0x1C500] =	vst v63  }
0x50: {  	_ =	swait.ge [sflag:s18], $0x50  }
0x51: {  	[sflag:s18] =	ssyncset.done $0x0  }
0x52: {  	[sflag:s18] =	ssyncadd.s32 $0xFFFFFFB0  }
0x53: {  	_ =	swait.ge [sflag:s19], $0x2800  }
.Ltmp1:
0x54: {  	[sflag:s19] =	ssyncset.done $0x0;
	(pc) =	sbr.rel @p1 .LBB2_4-.Ltmp1, $4  }
0x55: {  	[sflag:s19] =	ssyncadd.s32 $0xFFFFD800  }
0x56: {  	[spmem:s2] =	stream.indirect.scatter.add.f32 [tilespmem:s17], [sflag:$0x3], $0x80, s3, s20, $0xb8;
	[tilespmem:$0x1C500] =	vst v63  }
0x57: {  	_ =	swait.ge [sflag:s16], $0x2800  }
0x58: {  	s24 =	smov.u32 s26;
	s22 =	sadd.s32 $0x500, s22;
	[sflag:s16] =	ssyncset.done $0x0  }
0x59: {  	s23 =	sadd.s32 s23, s14;
	[sflag:s16] =	ssyncadd.s32 $0xFFFFD800  }
0x5a: {  	[tilespmem:s3], [sflag:$0x1] =	stream.linear.gather [hbm4b:s23+s3], $0x50, $0x38;
	[tilespmem:$0x1C500] =	vst v63  }
0x5b: {  	_ = 	snop  }
0x5c: {  	[tilespmem:s17], [sflag:$0x2] =	stream.linear.gather [hbm4b:s22+s3], $0x2800, $0x38;
	[tilespmem:$0x1C500] =	vst v63  }
0x5d: {  	_ =	swait.ge [sflag:s18], $0x50  }
0x5e: {  	[sflag:s18] =	ssyncset.done $0x0  }
0x5f: {  	[sflag:s18] =	ssyncadd.s32 $0xFFFFFFB0  }
0x60: {  	_ =	swait.ge [sflag:s19], $0x2800  }
0x61: {  	[sflag:s19] =	ssyncset.done $0x0  }
0x62: {  	[sflag:s19] =	ssyncadd.s32 $0xFFFFD800  }
0x63: {  	[spmem:s2] =	stream.indirect.scatter.add.f32 [tilespmem:s17], [sflag:$0x3], $0x80, s3, s20, $0xb8;
	[tilespmem:$0x1C500] =	vst v63  }
0x64: {  	_ =	swait.ge [sflag:s16], $0x2800  }
0x65: {  	[sflag:s16] =	ssyncset.done $0x0  }
0x66: {  	s28 =	sshll.u32 s0, $0x6;
	[sflag:s16] =	ssyncadd.s32 $0xFFFFD800  }
0x67: {  	s29 =	sshrl.u32 s5, $0x3;
	s22 =	sor.u32 $0x1C03, s28;
	[bflag:$0x0] =	sbarrier.arrive $0xFFFF  }
0x68: {  	[hbm:s9], [sflag:s22] =	dma.local [spmem:s29], $0xC80  }
0x69: {  	_ =	swait.ge [sflag:s16], $0xC80  }
0x6a: {  	[sflag:s16] =	ssyncset.done $0x0  }
0x6b: {  	s30 =	sshrl.u32 s6, $0x3;
	[sflag:s16] =	ssyncadd.s32 $0xFFFFF380  }
0x6c: {  	[hbm:s10], [sflag:s22] =	dma.local [spmem:s30], $0xC80  }
0x6d: {  	_ =	swait.ge [sflag:s16], $0xC80  }
0x6e: {  	[sflag:s16] =	ssyncset.done $0x0  }
0x6f: {  	s31 =	sshrl.u32 s7, $0x3;
	[sflag:s16] =	ssyncadd.s32 $0xFFFFF380  }
0x70: {  	[hbm:s11], [sflag:s22] =	dma.local [spmem:s31], $0xC80  }
0x71: {  	_ =	swait.ge [sflag:s16], $0xC80  }
0x72: {  	s21 =	sadd.s32 $0x1, s21;
	[sflag:s16] =	ssyncset.done $0x0  }
0x73: {  	s23 =	sshrl.u32 @!p0 s8, $0x3;
	p1 =	sne.s32 s21, s4;
	[sflag:s16] =	ssyncadd.s32 $0xFFFFF380  }
0x74: {  	[hbm:s12], [sflag:s22] =	dma.local @!p0 [spmem:s23], $0xC80  }
.Ltmp2:
0x75: {  	_ = 	snop;
	(pc) =	sbr.rel @p1 .LBB2_1-.Ltmp2, $4  }
0x76: {  	s22 =	simm.s32 @!p0 $0x3  }
0x77: {  	_ =	swait.ge @!p0 [sflag:s22], $0xC80  }
0x78: {  	[sflag:s22] =	ssyncset.done @!p0 $0x0  }
0x79: {  	[sflag:s22] =	ssyncadd.s32 @!p0 $0xFFFFF380  }
0x7a: {  	_ =	sfence.sel $0x180000  }
0x7b: {  	[bflag:$0x0] =	sbarrier.arrive $0xFFFF  }
0x7c: {  	p0 =	sne.s32 s0, $0x0;
	_ =	strace $0x90000056  }
0x7d: {  	s0 =	sadd.s32 @!p0 $0x100000, s1;
	[bflag:$0x2] =	sbarrier.arrive $0xFFFF  }
0x7e: {  	[sflag:s0] =	ssyncadd.tile.s32 @!p0 $0x1;
	_ =	shalt  }
.Lfunc_end2:
_tile_overlayer_lowered:
.L_overlay_start_2:
0x7f: {  	(tag) =	ssettag $0x2  }
0x80: {  	s0 =	rddreg [dreg:$0x0];
	s2 =	stileid.u32  }
0x81: {  	s1 =	rddreg [dreg:$0x1];
	p0 =	sne.s32 s2, $0x0  }
0x82: {  	s3 =	rddreg [dreg:$0x2];
	[bflag:$0x3] =	sbarrier.arrive $0xFFFF;
	s2 =	simm.s32 @!p0 $0x1C03  }
0x83: {  	[timem:s3], [sflag:s2] =	dma.local @!p0 [hbm:s0], s1  }
0x84: {  	s0 =	simm.s32 @!p0 $0x3  }
0x85: {  	_ =	swait.ge @!p0 [sflag:s0], s1  }
0x86: {  	s1 =	ssub.s32 @!p0 $0x0, s1;
	[sflag:s0] =	ssyncset.done @!p0 $0x0  }
0x87: {  	[sflag:s0] =	ssyncadd.s32 @!p0 s1  }
0x88: {  	[bflag:$0x3] =	sbarrier.arrive $0xFFFF  }
0x89: {  	_ =	shalt  }

</sc_bundles>
